<compile_context>
chip_gen: v7x
topology: tpu7x:2x2x1
jax: 0.10.2.dev20260603
libtpu: 0.0.44.dev20260713+nightly
codegen_flags: <defaults>
</compile_context>

<pallas_src>
import functools
import math

import jax
import jax.numpy as jnp
import numpy as np
from jax import lax
from jax.experimental import pallas as pl
from jax.experimental.pallas import tpu as pltpu
from jax.experimental.pallas import tpu_sc as plsc

_EMBED_DIM = 64
_BATCH = 4096
_SEQ = 200
_N = _BATCH * _SEQ

_NC = 2
_NS = 16
_NW = _NC * _NS

_BW = _BATCH // _NW
_TB = _EMBED_DIM // 8
_CB = _BATCH // 128


def _pe_table_np():
    pos = np.arange(_SEQ, dtype=np.float64)[:, None]
    i = np.arange(0, _EMBED_DIM, 2, dtype=np.float64)
    div = np.exp(-(math.log(10000.0) * i / _EMBED_DIM))
    pe = np.zeros((_SEQ, _EMBED_DIM), dtype=np.float32)
    pe[:, 0::2] = np.sin(pos * div).astype(np.float32)
    pe[:, 1::2] = np.cos(pos * div).astype(np.float32)
    return pe


_PE_NP = _pe_table_np()


def _emb_body(xt_hbm, table_hbm, pe_hbm, out_hbm,
              idx_all, rb0, rb1, tb0, tb1, pe_v, gs0, gs1, os0, os1):
    rb = [rb0, rb1]
    tb = [tb0, tb1]
    gsem = [gs0, gs1]
    osem = [os0, os1]

    wid = lax.axis_index("s") * _NC + lax.axis_index("c")

    pltpu.sync_copy(pe_hbm, pe_v)
    pltpu.sync_copy(xt_hbm.at[:, pl.ds(wid * _BW, _BW)], idx_all)

    iota = lax.iota(jnp.int32, 16)
    rowvs = [b0 + iota for b0 in range(0, _BW, 16)]

    def start_gather(s, p):
        pltpu.async_copy(table_hbm.at[idx_all.at[s]], rb[p], gsem[p])

    def wait_gather(s, p):
        pltpu.make_async_copy(table_hbm.at[idx_all.at[s]], rb[p], gsem[p]).wait()

    def out_copy(s, p, start):
        cp = pltpu.make_async_copy(tb[p], out_hbm.at[s, :, wid], osem[p])
        if start:
            cp.start()
        else:
            cp.wait()

    for p in range(2):
        start_gather(p, p)

    def task(t2, carry):
        for p in range(2):
            s = 2 * t2 + p
            wait_gather(s, p)

            @pl.when(s >= 2)
            def _():
                out_copy(s, p, start=False)

            s64 = s * _EMBED_DIM

            @plsc.parallel_loop(0, 16)
            def _(k):
                rot = (iota + k) & 15
                for d0 in range(0, _EMBED_DIM, 16):
                    colv = d0 + rot
                    tv = colv >> 3
                    iv = colv & 7
                    pdv = plsc.load_gather(pe_v, [s64 + colv])
                    for rowv in rowvs:
                        v = plsc.load_gather(rb[p], [rowv, colv])
                        plsc.store_scatter(tb[p], [tv, iv, rowv], v + pdv)

            out_copy(s, p, start=True)

            @pl.when(s + 2 < _SEQ)
            def _():
                start_gather(s + 2, p)
        return carry

    lax.fori_loop(0, _SEQ // 2, task, 0)

    for p in range(2):
        out_copy(_SEQ - 2 + p, p, start=False)


_emb = functools.partial(
    pl.kernel,
    out_type=jax.ShapeDtypeStruct((_SEQ, _TB, _CB, 8, 128), jnp.float32),
    mesh=plsc.VectorSubcoreMesh(core_axis_name="c", subcore_axis_name="s"),
    scratch_types=[
        pltpu.VMEM((_SEQ, _BW), jnp.int32),
        pltpu.VMEM((_BW, _EMBED_DIM), jnp.float32),
        pltpu.VMEM((_BW, _EMBED_DIM), jnp.float32),
        pltpu.VMEM((_TB, 8, _BW), jnp.float32),
        pltpu.VMEM((_TB, 8, _BW), jnp.float32),
        pltpu.VMEM((_SEQ * _EMBED_DIM,), jnp.float32),
        pltpu.SemaphoreType.DMA,
        pltpu.SemaphoreType.DMA,
        pltpu.SemaphoreType.DMA,
        pltpu.SemaphoreType.DMA,
    ],
    compiler_params=pltpu.CompilerParams(
        use_tc_tiling_on_sc=False, needs_layout_passes=False
    ),
)(_emb_body)


@jax.jit
def _run(xt, table, pe):
    y5 = _emb(xt, table, pe)
    return y5.transpose(2, 4, 0, 1, 3).reshape(_BATCH, _SEQ, _EMBED_DIM)


def kernel(x, token_embedding_weight):
    xt = jnp.swapaxes(x, 0, 1).astype(jnp.int32)
    pe = jnp.asarray(_PE_NP.reshape(-1))
    return _run(xt, token_embedding_weight, pe)

# --- scband reference (transcript-rebuilt; emitter-appended) ---
"""Pipeline reference for scband-transformer-embedding-16140487098647 (READ-ONLY COPY).

The authoritative reference and input builder live on the scoring server;
editing this copy changes nothing except your own understanding.
"""

import jax, jax.numpy as jnp
import numpy as np

EMBED_DIM = 64
MAX_LEN = 512
VOCAB = 1000000
BATCH = 4096
SEQ = 200


def _sinusoidal_pe(max_len, d):
    pos = jnp.arange(max_len, dtype=jnp.float32)[:, None]
    i = jnp.arange(0, d, 2, dtype=jnp.float32)
    div = jnp.exp(-(jnp.log(10000.0) * i / d))
    pe = jnp.zeros((max_len, d), dtype=jnp.float32)
    pe = pe.at[:, 0::2].set(jnp.sin(pos * div))
    pe = pe.at[:, 1::2].set(jnp.cos(pos * div))
    return pe


def setup_inputs(seed: int = 0) -> dict:
    key = jax.random.key(seed)
    k1, k2 = jax.random.split(key)
    x = jax.random.randint(k1, (BATCH, SEQ), 0, VOCAB, dtype=jnp.int64) if jax.config.jax_enable_x64 else jax.random.randint(k1, (BATCH, SEQ), 0, VOCAB, dtype=jnp.int32)
    token_embedding_weight = jax.random.normal(k2, (VOCAB, EMBED_DIM), dtype=jnp.float32)
    return {"x": x, "token_embedding_weight": token_embedding_weight}


def reference(x, token_embedding_weight):
    # TokenEmbedding: plain embedding lookup
    tok = jnp.take(token_embedding_weight, x, axis=0)  # [B, S, D]
    # PositionalEncoding: fixed sinusoidal table, sliced to seq_len
    pe = _sinusoidal_pe(MAX_LEN, EMBED_DIM)
    seq_len = x.shape[1]
    pos = pe[:seq_len][None, :, :]  # [1, S, D]
    # Dropout is identity in eval/deterministic reference
    y = tok + pos
    return y

if __name__ == "__main__":
    import jax
    _d = setup_inputs()
    print(jax.jit(kernel)(*tuple(_d.values())))

</pallas_src>

<mosaic_0001>
#map = affine_map<(d0, d1) -> (0, 0)>
#map1 = affine_map<(d0, d1) -> (0)>
#map2 = affine_map<(d0, d1) -> (0, 0, 0, 0, 0)>
module attributes {stable_mosaic.version = 14 : i64} {
  func.func @_emb_body(%arg0: i32, %arg1: i32, %arg2: memref<200x4096xi32, #tpu.memory_space<hbm>>, %arg3: memref<1000000x64xf32, #tpu.memory_space<hbm>>, %arg4: memref<12800xf32, #tpu.memory_space<hbm>>, %arg5: memref<200x8x32x8x128xf32, #tpu.memory_space<hbm>>, %arg6: memref<200x128xi32, #tpu.memory_space<vmem>>, %arg7: memref<128x64xf32, #tpu.memory_space<vmem>>, %arg8: memref<128x64xf32, #tpu.memory_space<vmem>>, %arg9: memref<8x8x128xf32, #tpu.memory_space<vmem>>, %arg10: memref<8x8x128xf32, #tpu.memory_space<vmem>>, %arg11: memref<12800xf32, #tpu.memory_space<vmem>>, %arg12: memref<!tpu.dma_semaphore, #tpu.memory_space<semaphore_mem>>, %arg13: memref<!tpu.dma_semaphore, #tpu.memory_space<semaphore_mem>>, %arg14: memref<!tpu.dma_semaphore, #tpu.memory_space<semaphore_mem>>, %arg15: memref<!tpu.dma_semaphore, #tpu.memory_space<semaphore_mem>>) attributes {dimension_semantics = [#tpu.dimension_semantics<core_parallel>, #tpu.dimension_semantics<subcore_parallel>], iteration_bounds = array<i64: 2, 16>, scalar_prefetch = 0 : i64, scratch_operands = 10 : i64, tpu.core_type = #tpu.core_type<sc_vector_subcore>, window_params = [{transform_indices = #map}, {transform_indices = #map}, {transform_indices = #map1}, {transform_indices = #map2}]} {
    %mul3A = arith.constant 2 : i32
    %mul3A_0 = arith.muli %arg1, %mul3A : i32
    %add3A = arith.addi %mul3A_0, %arg0 : i32
    "tpu.region"() ({
      %run_scoped3A = tpu.sem_alloc : memref<!tpu.dma_semaphore, #tpu.memory_space<semaphore_mem>>
      tpu.enqueue_dma source(%arg4 : memref<12800xf32, #tpu.memory_space<hbm>>) target(%arg11 : memref<12800xf32, #tpu.memory_space<vmem>>) target_semaphore(%run_scoped3A : memref<!tpu.dma_semaphore, #tpu.memory_space<semaphore_mem>>)
      tpu.wait_dma2 semaphore(%run_scoped3A : memref<!tpu.dma_semaphore, #tpu.memory_space<semaphore_mem>>) src(%arg4 : memref<12800xf32, #tpu.memory_space<hbm>>) dst(%arg11 : memref<12800xf32, #tpu.memory_space<vmem>>)
      tpu.yield
    }) : () -> ()
    %mul3A_1 = arith.constant 128 : i32
    %mul3A_2 = arith.muli %add3A, %mul3A_1 : i32
    "tpu.region"() ({
      %run_scoped3A = tpu.sem_alloc : memref<!tpu.dma_semaphore, #tpu.memory_space<semaphore_mem>>
      %dma_start3A_66 = arith.constant 0 : i32
      %dma_start3A_67 = tpu.memref_slice %arg2[%dma_start3A_66, %mul3A_2] : memref<200x4096xi32, #tpu.memory_space<hbm>> -> memref<200x128xi32, #tpu.memory_space<hbm>>
      %dma_start3A_68 = arith.constant 0 : i32
      %dma_start3A_69 = tpu.memref_slice %arg2[%dma_start3A_68, %mul3A_2] : memref<200x4096xi32, #tpu.memory_space<hbm>> -> memref<200x128xi32, #tpu.memory_space<hbm>>
      tpu.enqueue_dma source(%dma_start3A_69 : memref<200x128xi32, #tpu.memory_space<hbm>>) target(%arg6 : memref<200x128xi32, #tpu.memory_space<vmem>>) target_semaphore(%run_scoped3A : memref<!tpu.dma_semaphore, #tpu.memory_space<semaphore_mem>>)
      %dma_wait3A_70 = arith.constant 0 : i32
      %dma_wait3A_71 = tpu.memref_slice %arg2[%dma_wait3A_70, %mul3A_2] : memref<200x4096xi32, #tpu.memory_space<hbm>> -> memref<200x128xi32, #tpu.memory_space<hbm>>
      %dma_wait3A_72 = arith.constant 0 : i32
      %dma_wait3A_73 = tpu.memref_slice %arg2[%dma_wait3A_72, %mul3A_2] : memref<200x4096xi32, #tpu.memory_space<hbm>> -> memref<200x128xi32, #tpu.memory_space<hbm>>
      tpu.wait_dma2 semaphore(%run_scoped3A : memref<!tpu.dma_semaphore, #tpu.memory_space<semaphore_mem>>) src(%dma_wait3A_73 : memref<200x128xi32, #tpu.memory_space<hbm>>) dst(%arg6 : memref<200x128xi32, #tpu.memory_space<vmem>>)
      tpu.yield
    }) : () -> ()
    %iota3A = tpu.iota {dimensions = array<i32: 0>} : vector<16xi32>
    %add3A_3 = arith.constant 0 : i32
    %add3A_4 = vector.broadcast %add3A_3 : i32 to vector<16xi32>
    %add3A_5 = arith.addi %add3A_4, %iota3A : vector<16xi32>
    %add3A_6 = arith.constant 16 : i32
    %add3A_7 = vector.broadcast %add3A_6 : i32 to vector<16xi32>
    %add3A_8 = arith.addi %add3A_7, %iota3A : vector<16xi32>
    %add3A_9 = arith.constant 32 : i32
    %add3A_10 = vector.broadcast %add3A_9 : i32 to vector<16xi32>
    %add3A_11 = arith.addi %add3A_10, %iota3A : vector<16xi32>
    %add3A_12 = arith.constant 48 : i32
    %add3A_13 = vector.broadcast %add3A_12 : i32 to vector<16xi32>
    %add3A_14 = arith.addi %add3A_13, %iota3A : vector<16xi32>
    %add3A_15 = arith.constant 64 : i32
    %add3A_16 = vector.broadcast %add3A_15 : i32 to vector<16xi32>
    %add3A_17 = arith.addi %add3A_16, %iota3A : vector<16xi32>
    %add3A_18 = arith.constant 80 : i32
    %add3A_19 = vector.broadcast %add3A_18 : i32 to vector<16xi32>
    %add3A_20 = arith.addi %add3A_19, %iota3A : vector<16xi32>
    %add3A_21 = arith.constant 96 : i32
    %add3A_22 = vector.broadcast %add3A_21 : i32 to vector<16xi32>
    %add3A_23 = arith.addi %add3A_22, %iota3A : vector<16xi32>
    %add3A_24 = arith.constant 112 : i32
    %add3A_25 = vector.broadcast %add3A_24 : i32 to vector<16xi32>
    %add3A_26 = arith.addi %add3A_25, %iota3A : vector<16xi32>
    %dma_start3A = arith.constant 0 : i32
    %dma_start3A_27 = arith.constant 0 : i32
    %dma_start3A_28 = tpu.memref_slice %arg6[%dma_start3A, %dma_start3A_27] : memref<200x128xi32, #tpu.memory_space<vmem>> -> memref<1x128xi32, #tpu.memory_space<vmem>>
    %dma_start3A_29 = tpu.memref_squeeze %dma_start3A_28 : memref<1x128xi32, #tpu.memory_space<vmem>> -> memref<128xi32, #tpu.memory_space<vmem>>
    %dma_start3A_30 = arith.constant 0 : i32
    %dma_start3A_31 = arith.constant 0 : i32
    %dma_start3A_32 = tpu.memref_slice %arg3[%dma_start3A_30, %dma_start3A_31] : memref<1000000x64xf32, #tpu.memory_space<hbm>> -> memref<1000000x64xf32, #tpu.memory_space<hbm>>
    tpu.enqueue_indirect_dma source(%dma_start3A_32 : memref<1000000x64xf32, #tpu.memory_space<hbm>>) target(%arg7 : memref<128x64xf32, #tpu.memory_space<vmem>>) offsets(%dma_start3A_29 : memref<128xi32, #tpu.memory_space<vmem>>) semaphore(%arg12 : memref<!tpu.dma_semaphore, #tpu.memory_space<semaphore_mem>>)
    %dma_start3A_33 = arith.constant 1 : i32
    %dma_start3A_34 = arith.constant 0 : i32
    %dma_start3A_35 = tpu.memref_slice %arg6[%dma_start3A_33, %dma_start3A_34] : memref<200x128xi32, #tpu.memory_space<vmem>> -> memref<1x128xi32, #tpu.memory_space<vmem>>
    %dma_start3A_36 = tpu.memref_squeeze %dma_start3A_35 : memref<1x128xi32, #tpu.memory_space<vmem>> -> memref<128xi32, #tpu.memory_space<vmem>>
    %dma_start3A_37 = arith.constant 0 : i32
    %dma_start3A_38 = arith.constant 0 : i32
    %dma_start3A_39 = tpu.memref_slice %arg3[%dma_start3A_37, %dma_start3A_38] : memref<1000000x64xf32, #tpu.memory_space<hbm>> -> memref<1000000x64xf32, #tpu.memory_space<hbm>>
    tpu.enqueue_indirect_dma source(%dma_start3A_39 : memref<1000000x64xf32, #tpu.memory_space<hbm>>) target(%arg8 : memref<128x64xf32, #tpu.memory_space<vmem>>) offsets(%dma_start3A_36 : memref<128xi32, #tpu.memory_space<vmem>>) semaphore(%arg13 : memref<!tpu.dma_semaphore, #tpu.memory_space<semaphore_mem>>)
    %scan3A = arith.constant 0 : i32
    %scan3A_40 = arith.constant 0 : i32
    %scan3A_41 = arith.constant 100 : i32
    %scan3A_42 = arith.addi %scan3A_40, %scan3A_41 : i32
    %scan3A_43 = arith.constant 1 : i32
    scf.for %scan3A_66 = %scan3A_40 to %scan3A_42 step %scan3A_43  : i32 {
      %mul3A_67 = arith.constant 2 : i32
      %mul3A_68 = arith.muli %mul3A_67, %scan3A_66 : i32
      %add3A_69 = arith.constant 0 : i32
      %add3A_70 = arith.addi %mul3A_68, %add3A_69 : i32
      %dma_wait3A_71 = arith.constant 0 : i32
      %dma_wait3A_72 = tpu.memref_slice %arg6[%add3A_70, %dma_wait3A_71] : memref<200x128xi32, #tpu.memory_space<vmem>> -> memref<1x128xi32, #tpu.memory_space<vmem>>
      %dma_wait3A_73 = tpu.memref_squeeze %dma_wait3A_72 : memref<1x128xi32, #tpu.memory_space<vmem>> -> memref<128xi32, #tpu.memory_space<vmem>>
      %dma_wait3A_74 = arith.constant 0 : i32
      %dma_wait3A_75 = arith.constant 0 : i32
      %dma_wait3A_76 = tpu.memref_slice %arg3[%dma_wait3A_74, %dma_wait3A_75] : memref<1000000x64xf32, #tpu.memory_space<hbm>> -> memref<1000000x64xf32, #tpu.memory_space<hbm>>
      tpu.wait_indirect_dma semaphore(%arg12 : memref<!tpu.dma_semaphore, #tpu.memory_space<semaphore_mem>>) src(%dma_wait3A_76 : memref<1000000x64xf32, #tpu.memory_space<hbm>>) dst(%arg7 : memref<128x64xf32, #tpu.memory_space<vmem>>)
      %ge3A = arith.constant 2 : i32
      %ge3A_77 = arith.cmpi sge, %add3A_70, %ge3A : i32
      %convert_element_type3A = arith.extui %ge3A_77 : i1 to i32
      %cond3A = arith.constant 0 : i32
      %cond3A_78 = arith.cmpi ne, %convert_element_type3A, %cond3A : i32
      scf.if %cond3A_78 {
        %dma_wait3A_136 = arith.constant 0 : i32
        %dma_wait3A_137 = arith.constant 0 : i32
        %dma_wait3A_138 = arith.constant 0 : i32
        %dma_wait3A_139 = tpu.memref_slice %arg5[%add3A_70, %dma_wait3A_136, %add3A, %dma_wait3A_137, %dma_wait3A_138] : memref<200x8x32x8x128xf32, #tpu.memory_space<hbm>> -> memref<1x8x1x8x128xf32, #tpu.memory_space<hbm>>
        %dma_wait3A_140 = tpu.memref_squeeze %dma_wait3A_139 : memref<1x8x1x8x128xf32, #tpu.memory_space<hbm>> -> memref<8x8x128xf32, #tpu.memory_space<hbm>>
        %dma_wait3A_141 = arith.constant 0 : i32
        %dma_wait3A_142 = arith.constant 0 : i32
        %dma_wait3A_143 = arith.constant 0 : i32
        %dma_wait3A_144 = tpu.memref_slice %arg5[%add3A_70, %dma_wait3A_141, %add3A, %dma_wait3A_142, %dma_wait3A_143] : memref<200x8x32x8x128xf32, #tpu.memory_space<hbm>> -> memref<1x8x1x8x128xf32, #tpu.memory_space<hbm>>
        %dma_wait3A_145 = tpu.memref_squeeze %dma_wait3A_144 : memref<1x8x1x8x128xf32, #tpu.memory_space<hbm>> -> memref<8x8x128xf32, #tpu.memory_space<hbm>>
        tpu.wait_dma2 semaphore(%arg14 : memref<!tpu.dma_semaphore, #tpu.memory_space<semaphore_mem>>) src(%arg9 : memref<8x8x128xf32, #tpu.memory_space<vmem>>) dst(%dma_wait3A_145 : memref<8x8x128xf32, #tpu.memory_space<hbm>>)
      } else {
      }
      %mul3A_79 = arith.constant 64 : i32
      %mul3A_80 = arith.muli %add3A_70, %mul3A_79 : i32
      %parallel_loop3A = arith.constant 0 : i32
      %parallel_loop3A_81 = arith.constant 16 : i32
      %parallel_loop3A_82 = arith.constant 1 : i32
      scf.for %parallel_loop3A_136 = %parallel_loop3A to %parallel_loop3A_81 step %parallel_loop3A_82  : i32 {
        %parallel_loop3A_137 = vector.broadcast %parallel_loop3A_136 : i32 to vector<16xi32>
        %parallel_loop3A_138 = arith.addi %iota3A, %parallel_loop3A_137 : vector<16xi32>
        %parallel_loop3A_139 = arith.constant 15 : i32
        %parallel_loop3A_140 = vector.broadcast %parallel_loop3A_139 : i32 to vector<16xi32>
        %parallel_loop3A_141 = arith.andi %parallel_loop3A_138, %parallel_loop3A_140 : vector<16xi32>
        %parallel_loop3A_142 = arith.constant 0 : i32
        %parallel_loop3A_143 = vector.broadcast %parallel_loop3A_142 : i32 to vector<16xi32>
        %parallel_loop3A_144 = arith.addi %parallel_loop3A_143, %parallel_loop3A_141 : vector<16xi32>
        %parallel_loop3A_145 = arith.constant 3 : i32
        %parallel_loop3A_146 = vector.broadcast %parallel_loop3A_145 : i32 to vector<16xi32>
        %parallel_loop3A_147 = arith.shrsi %parallel_loop3A_144, %parallel_loop3A_146 : vector<16xi32>
        %parallel_loop3A_148 = arith.constant 7 : i32
        %parallel_loop3A_149 = vector.broadcast %parallel_loop3A_148 : i32 to vector<16xi32>
        %parallel_loop3A_150 = arith.andi %parallel_loop3A_144, %parallel_loop3A_149 : vector<16xi32>
        %parallel_loop3A_151 = vector.broadcast %mul3A_80 : i32 to vector<16xi32>
        %parallel_loop3A_152 = arith.addi %parallel_loop3A_151, %parallel_loop3A_144 : vector<16xi32>
        %parallel_loop3A_153 = tpu.vector_load_idx %arg11[%parallel_loop3A_152] : memref<12800xf32, #tpu.memory_space<vmem>>[vector<16xi32>], vector<16xf32>,
        %parallel_loop3A_154 = tpu.vector_load_idx %arg7[%add3A_5, %parallel_loop3A_144] : memref<128x64xf32, #tpu.memory_space<vmem>>[vector<16xi32>, vector<16xi32>], vector<16xf32>,
        %parallel_loop3A_155 = arith.addf %parallel_loop3A_154, %parallel_loop3A_153 : vector<16xf32>
        tpu.vector_store_idx %arg9[%parallel_loop3A_147, %parallel_loop3A_150, %add3A_5], %parallel_loop3A_155 : memref<8x8x128xf32, #tpu.memory_space<vmem>>[vector<16xi32>, vector<16xi32>, vector<16xi32>], vector<16xf32>,
        %parallel_loop3A_156 = tpu.vector_load_idx %arg7[%add3A_8, %parallel_loop3A_144] : memref<128x64xf32, #tpu.memory_space<vmem>>[vector<16xi32>, vector<16xi32>], vector<16xf32>,
        %parallel_loop3A_157 = arith.addf %parallel_loop3A_156, %parallel_loop3A_153 : vector<16xf32>
        tpu.vector_store_idx %arg9[%parallel_loop3A_147, %parallel_loop3A_150, %add3A_8], %parallel_loop3A_157 : memref<8x8x128xf32, #tpu.memory_space<vmem>>[vector<16xi32>, vector<16xi32>, vector<16xi32>], vector<16xf32>,
        %parallel_loop3A_158 = tpu.vector_load_idx %arg7[%add3A_11, %parallel_loop3A_144] : memref<128x64xf32, #tpu.memory_space<vmem>>[vector<16xi32>, vector<16xi32>], vector<16xf32>,
        %parallel_loop3A_159 = arith.addf %parallel_loop3A_158, %parallel_loop3A_153 : vector<16xf32>
        tpu.vector_store_idx %arg9[%parallel_loop3A_147, %parallel_loop3A_150, %add3A_11], %parallel_loop3A_159 : memref<8x8x128xf32, #tpu.memory_space<vmem>>[vector<16xi32>, vector<16xi32>, vector<16xi32>], vector<16xf32>,
        %parallel_loop3A_160 = tpu.vector_load_idx %arg7[%add3A_14, %parallel_loop3A_144] : memref<128x64xf32, #tpu.memory_space<vmem>>[vector<16xi32>, vector<16xi32>], vector<16xf32>,
        %parallel_loop3A_161 = arith.addf %parallel_loop3A_160, %parallel_loop3A_153 : vector<16xf32>
        tpu.vector_store_idx %arg9[%parallel_loop3A_147, %parallel_loop3A_150, %add3A_14], %parallel_loop3A_161 : memref<8x8x128xf32, #tpu.memory_space<vmem>>[vector<16xi32>, vector<16xi32>, vector<16xi32>], vector<16xf32>,
        %parallel_loop3A_162 = tpu.vector_load_idx %arg7[%add3A_17, %parallel_loop3A_144] : memref<128x64xf32, #tpu.memory_space<vmem>>[vector<16xi32>, vector<16xi32>], vector<16xf32>,
        %parallel_loop3A_163 = arith.addf %parallel_loop3A_162, %parallel_loop3A_153 : vector<16xf32>
        tpu.vector_store_idx %arg9[%parallel_loop3A_147, %parallel_loop3A_150, %add3A_17], %parallel_loop3A_163 : memref<8x8x128xf32, #tpu.memory_space<vmem>>[vector<16xi32>, vector<16xi32>, vector<16xi32>], vector<16xf32>,
        %parallel_loop3A_164 = tpu.vector_load_idx %arg7[%add3A_20, %parallel_loop3A_144] : memref<128x64xf32, #tpu.memory_space<vmem>>[vector<16xi32>, vector<16xi32>], vector<16xf32>,
        %parallel_loop3A_165 = arith.addf %parallel_loop3A_164, %parallel_loop3A_153 : vector<16xf32>
        tpu.vector_store_idx %arg9[%parallel_loop3A_147, %parallel_loop3A_150, %add3A_20], %parallel_loop3A_165 : memref<8x8x128xf32, #tpu.memory_space<vmem>>[vector<16xi32>, vector<16xi32>, vector<16xi32>], vector<16xf32>,
        %parallel_loop3A_166 = tpu.vector_load_idx %arg7[%add3A_23, %parallel_loop3A_144] : memref<128x64xf32, #tpu.memory_space<vmem>>[vector<16xi32>, vector<16xi32>], vector<16xf32>,
        %parallel_loop3A_167 = arith.addf %parallel_loop3A_166, %parallel_loop3A_153 : vector<16xf32>
        tpu.vector_store_idx %arg9[%parallel_loop3A_147, %parallel_loop3A_150, %add3A_23], %parallel_loop3A_167 : memref<8x8x128xf32, #tpu.memory_space<vmem>>[vector<16xi32>, vector<16xi32>, vector<16xi32>], vector<16xf32>,
        %parallel_loop3A_168 = tpu.vector_load_idx %arg7[%add3A_26, %parallel_loop3A_144] : memref<128x64xf32, #tpu.memory_space<vmem>>[vector<16xi32>, vector<16xi32>], vector<16xf32>,
        %parallel_loop3A_169 = arith.addf %parallel_loop3A_168, %parallel_loop3A_153 : vector<16xf32>
        tpu.vector_store_idx %arg9[%parallel_loop3A_147, %parallel_loop3A_150, %add3A_26], %parallel_loop3A_169 : memref<8x8x128xf32, #tpu.memory_space<vmem>>[vector<16xi32>, vector<16xi32>, vector<16xi32>], vector<16xf32>,
        %parallel_loop3A_170 = arith.constant 16 : i32
        %parallel_loop3A_171 = vector.broadcast %parallel_loop3A_170 : i32 to vector<16xi32>
        %parallel_loop3A_172 = arith.addi %parallel_loop3A_171, %parallel_loop3A_141 : vector<16xi32>
        %parallel_loop3A_173 = arith.constant 3 : i32
        %parallel_loop3A_174 = vector.broadcast %parallel_loop3A_173 : i32 to vector<16xi32>
        %parallel_loop3A_175 = arith.shrsi %parallel_loop3A_172, %parallel_loop3A_174 : vector<16xi32>
        %parallel_loop3A_176 = arith.constant 7 : i32
        %parallel_loop3A_177 = vector.broadcast %parallel_loop3A_176 : i32 to vector<16xi32>
        %parallel_loop3A_178 = arith.andi %parallel_loop3A_172, %parallel_loop3A_177 : vector<16xi32>
        %parallel_loop3A_179 = vector.broadcast %mul3A_80 : i32 to vector<16xi32>
        %parallel_loop3A_180 = arith.addi %parallel_loop3A_179, %parallel_loop3A_172 : vector<16xi32>
        %parallel_loop3A_181 = tpu.vector_load_idx %arg11[%parallel_loop3A_180] : memref<12800xf32, #tpu.memory_space<vmem>>[vector<16xi32>], vector<16xf32>,
        %parallel_loop3A_182 = tpu.vector_load_idx %arg7[%add3A_5, %parallel_loop3A_172] : memref<128x64xf32, #tpu.memory_space<vmem>>[vector<16xi32>, vector<16xi32>], vector<16xf32>,
        %parallel_loop3A_183 = arith.addf %parallel_loop3A_182, %parallel_loop3A_181 : vector<16xf32>
        tpu.vector_store_idx %arg9[%parallel_loop3A_175, %parallel_loop3A_178, %add3A_5], %parallel_loop3A_183 : memref<8x8x128xf32, #tpu.memory_space<vmem>>[vector<16xi32>, vector<16xi32>, vector<16xi32>], vector<16xf32>,
        %parallel_loop3A_184 = tpu.vector_load_idx %arg7[%add3A_8, %parallel_loop3A_172] : memref<128x64xf32, #tpu.memory_space<vmem>>[vector<16xi32>, vector<16xi32>], vector<16xf32>,
        %parallel_loop3A_185 = arith.addf %parallel_loop3A_184, %parallel_loop3A_181 : vector<16xf32>
        tpu.vector_store_idx %arg9[%parallel_loop3A_175, %parallel_loop3A_178, %add3A_8], %parallel_loop3A_185 : memref<8x8x128xf32, #tpu.memory_space<vmem>>[vector<16xi32>, vector<16xi32>, vector<16xi32>], vector<16xf32>,
        %parallel_loop3A_186 = tpu.vector_load_idx %arg7[%add3A_11, %parallel_loop3A_172] : memref<128x64xf32, #tpu.memory_space<vmem>>[vector<16xi32>, vector<16xi32>], vector<16xf32>,
        %parallel_loop3A_187 = arith.addf %parallel_loop3A_186, %parallel_loop3A_181 : vector<16xf32>
        tpu.vector_store_idx %arg9[%parallel_loop3A_175, %parallel_loop3A_178, %add3A_11], %parallel_loop3A_187 : memref<8x8x128xf32, #tpu.memory_space<vmem>>[vector<16xi32>, vector<16xi32>, vector<16xi32>], vector<16xf32>,
        %parallel_loop3A_188 = tpu.vector_load_idx %arg7[%add3A_14, %parallel_loop3A_172] : memref<128x64xf32, #tpu.memory_space<vmem>>[vector<16xi32>, vector<16xi32>], vector<16xf32>,
        %parallel_loop3A_189 = arith.addf %parallel_loop3A_188, %parallel_loop3A_181 : vector<16xf32>
        tpu.vector_store_idx %arg9[%parallel_loop3A_175, %parallel_loop3A_178, %add3A_14], %parallel_loop3A_189 : memref<8x8x128xf32, #tpu.memory_space<vmem>>[vector<16xi32>, vector<16xi32>, vector<16xi32>], vector<16xf32>,
        %parallel_loop3A_190 = tpu.vector_load_idx %arg7[%add3A_17, %parallel_loop3A_172] : memref<128x64xf32, #tpu.memory_space<vmem>>[vector<16xi32>, vector<16xi32>], vector<16xf32>,
        %parallel_loop3A_191 = arith.addf %parallel_loop3A_190, %parallel_loop3A_181 : vector<16xf32>
        tpu.vector_store_idx %arg9[%parallel_loop3A_175, %parallel_loop3A_178, %add3A_17], %parallel_loop3A_191 : memref<8x8x128xf32, #tpu.memory_space<vmem>>[vector<16xi32>, vector<16xi32>, vector<16xi32>], vector<16xf32>,
        %parallel_loop3A_192 = tpu.vector_load_idx %arg7[%add3A_20, %parallel_loop3A_172] : memref<128x64xf32, #tpu.memory_space<vmem>>[vector<16xi32>, vector<16xi32>], vector<16xf32>,
        %parallel_loop3A_193 = arith.addf %parallel_loop3A_192, %parallel_loop3A_181 : vector<16xf32>
        tpu.vector_store_idx %arg9[%parallel_loop3A_175, %parallel_loop3A_178, %add3A_20], %parallel_loop3A_193 : memref<8x8x128xf32, #tpu.memory_space<vmem>>[vector<16xi32>, vector<16xi32>, vector<16xi32>], vector<16xf32>,
        %parallel_loop3A_194 = tpu.vector_load_idx %arg7[%add3A_23, %parallel_loop3A_172] : memref<128x64xf32, #tpu.memory_space<vmem>>[vector<16xi32>, vector<16xi32>], vector<16xf32>,
        %parallel_loop3A_195 = arith.addf %parallel_loop3A_194, %parallel_loop3A_181 : vector<16xf32>
        tpu.vector_store_idx %arg9[%parallel_loop3A_175, %parallel_loop3A_178, %add3A_23], %parallel_loop3A_195 : memref<8x8x128xf32, #tpu.memory_space<vmem>>[vector<16xi32>, vector<16xi32>, vector<16xi32>], vector<16xf32>,
        %parallel_loop3A_196 = tpu.vector_load_idx %arg7[%add3A_26, %parallel_loop3A_172] : memref<128x64xf32, #tpu.memory_space<vmem>>[vector<16xi32>, vector<16xi32>], vector<16xf32>,
        %parallel_loop3A_197 = arith.addf %parallel_loop3A_196, %parallel_loop3A_181 : vector<16xf32>
        tpu.vector_store_idx %arg9[%parallel_loop3A_175, %parallel_loop3A_178, %add3A_26], %parallel_loop3A_197 : memref<8x8x128xf32, #tpu.memory_space<vmem>>[vector<16xi32>, vector<16xi32>, vector<16xi32>], vector<16xf32>,
        %parallel_loop3A_198 = arith.constant 32 : i32
        %parallel_loop3A_199 = vector.broadcast %parallel_loop3A_198 : i32 to vector<16xi32>
        %parallel_loop3A_200 = arith.addi %parallel_loop3A_199, %parallel_loop3A_141 : vector<16xi32>
        %parallel_loop3A_201 = arith.constant 3 : i32
        %parallel_loop3A_202 = vector.broadcast %parallel_loop3A_201 : i32 to vector<16xi32>
        %parallel_loop3A_203 = arith.shrsi %parallel_loop3A_200, %parallel_loop3A_202 : vector<16xi32>
        %parallel_loop3A_204 = arith.constant 7 : i32
        %parallel_loop3A_205 = vector.broadcast %parallel_loop3A_204 : i32 to vector<16xi32>
        %parallel_loop3A_206 = arith.andi %parallel_loop3A_200, %parallel_loop3A_205 : vector<16xi32>
        %parallel_loop3A_207 = vector.broadcast %mul3A_80 : i32 to vector<16xi32>
        %parallel_loop3A_208 = arith.addi %parallel_loop3A_207, %parallel_loop3A_200 : vector<16xi32>
        %parallel_loop3A_209 = tpu.vector_load_idx %arg11[%parallel_loop3A_208] : memref<12800xf32, #tpu.memory_space<vmem>>[vector<16xi32>], vector<16xf32>,
        %parallel_loop3A_210 = tpu.vector_load_idx %arg7[%add3A_5, %parallel_loop3A_200] : memref<128x64xf32, #tpu.memory_space<vmem>>[vector<16xi32>, vector<16xi32>], vector<16xf32>,
        %parallel_loop3A_211 = arith.addf %parallel_loop3A_210, %parallel_loop3A_209 : vector<16xf32>
        tpu.vector_store_idx %arg9[%parallel_loop3A_203, %parallel_loop3A_206, %add3A_5], %parallel_loop3A_211 : memref<8x8x128xf32, #tpu.memory_space<vmem>>[vector<16xi32>, vector<16xi32>, vector<16xi32>], vector<16xf32>,
        %parallel_loop3A_212 = tpu.vector_load_idx %arg7[%add3A_8, %parallel_loop3A_200] : memref<128x64xf32, #tpu.memory_space<vmem>>[vector<16xi32>, vector<16xi32>], vector<16xf32>,
        %parallel_loop3A_213 = arith.addf %parallel_loop3A_212, %parallel_loop3A_209 : vector<16xf32>
        tpu.vector_store_idx %arg9[%parallel_loop3A_203, %parallel_loop3A_206, %add3A_8], %parallel_loop3A_213 : memref<8x8x128xf32, #tpu.memory_space<vmem>>[vector<16xi32>, vector<16xi32>, vector<16xi32>], vector<16xf32>,
        %parallel_loop3A_214 = tpu.vector_load_idx %arg7[%add3A_11, %parallel_loop3A_200] : memref<128x64xf32, #tpu.memory_space<vmem>>[vector<16xi32>, vector<16xi32>], vector<16xf32>,
        %parallel_loop3A_215 = arith.addf %parallel_loop3A_214, %parallel_loop3A_209 : vector<16xf32>
        tpu.vector_store_idx %arg9[%parallel_loop3A_203, %parallel_loop3A_206, %add3A_11], %parallel_loop3A_215 : memref<8x8x128xf32, #tpu.memory_space<vmem>>[vector<16xi32>, vector<16xi32>, vector<16xi32>], vector<16xf32>,
        %parallel_loop3A_216 = tpu.vector_load_idx %arg7[%add3A_14, %parallel_loop3A_200] : memref<128x64xf32, #tpu.memory_space<vmem>>[vector<16xi32>, vector<16xi32>], vector<16xf32>,
        %parallel_loop3A_217 = arith.addf %parallel_loop3A_216, %parallel_loop3A_209 : vector<16xf32>
        tpu.vector_store_idx %arg9[%parallel_loop3A_203, %parallel_loop3A_206, %add3A_14], %parallel_loop3A_217 : memref<8x8x128xf32, #tpu.memory_space<vmem>>[vector<16xi32>, vector<16xi32>, vector<16xi32>], vector<16xf32>,
        %parallel_loop3A_218 = tpu.vector_load_idx %arg7[%add3A_17, %parallel_loop3A_200] : memref<128x64xf32, #tpu.memory_space<vmem>>[vector<16xi32>, vector<16xi32>], vector<16xf32>,
        %parallel_loop3A_219 = arith.addf %parallel_loop3A_218, %parallel_loop3A_209 : vector<16xf32>
        tpu.vector_store_idx %arg9[%parallel_loop3A_203, %parallel_loop3A_206, %add3A_17], %parallel_loop3A_219 : memref<8x8x128xf32, #tpu.memory_space<vmem>>[vector<16xi32>, vector<16xi32>, vector<16xi32>], vector<16xf32>,
        %parallel_loop3A_220 = tpu.vector_load_idx %arg7[%add3A_20, %parallel_loop3A_200] : memref<128x64xf32, #tpu.memory_space<vmem>>[vector<16xi32>, vector<16xi32>], vector<16xf32>,
        %parallel_loop3A_221 = arith.addf %parallel_loop3A_220, %parallel_loop3A_209 : vector<16xf32>
        tpu.vector_store_idx %arg9[%parallel_loop3A_203, %parallel_loop3A_206, %add3A_20], %parallel_loop3A_221 : memref<8x8x128xf32, #tpu.memory_space<vmem>>[vector<16xi32>, vector<16xi32>, vector<16xi32>], vector<16xf32>,
        %parallel_loop3A_222 = tpu.vector_load_idx %arg7[%add3A_23, %parallel_loop3A_200] : memref<128x64xf32, #tpu.memory_space<vmem>>[vector<16xi32>, vector<16xi32>], vector<16xf32>,
        %parallel_loop3A_223 = arith.addf %parallel_loop3A_222, %parallel_loop3A_209 : vector<16xf32>
        tpu.vector_store_idx %arg9[%parallel_loop3A_203, %parallel_loop3A_206, %add3A_23], %parallel_loop3A_223 : memref<8x8x128xf32, #tpu.memory_space<vmem>>[vector<16xi32>, vector<16xi32>, vector<16xi32>], vector<16xf32>,
        %parallel_loop3A_224 = tpu.vector_load_idx %arg7[%add3A_26, %parallel_loop3A_200] : memref<128x64xf32, #tpu.memory_space<vmem>>[vector<16xi32>, vector<16xi32>], vector<16xf32>,
        %parallel_loop3A_225 = arith.addf %parallel_loop3A_224, %parallel_loop3A_209 : vector<16xf32>
        tpu.vector_store_idx %arg9[%parallel_loop3A_203, %parallel_loop3A_206, %add3A_26], %parallel_loop3A_225 : memref<8x8x128xf32, #tpu.memory_space<vmem>>[vector<16xi32>, vector<16xi32>, vector<16xi32>], vector<16xf32>,
        %parallel_loop3A_226 = arith.constant 48 : i32
        %parallel_loop3A_227 = vector.broadcast %parallel_loop3A_226 : i32 to vector<16xi32>
        %parallel_loop3A_228 = arith.addi %parallel_loop3A_227, %parallel_loop3A_141 : vector<16xi32>
        %parallel_loop3A_229 = arith.constant 3 : i32
        %parallel_loop3A_230 = vector.broadcast %parallel_loop3A_229 : i32 to vector<16xi32>
        %parallel_loop3A_231 = arith.shrsi %parallel_loop3A_228, %parallel_loop3A_230 : vector<16xi32>
        %parallel_loop3A_232 = arith.constant 7 : i32
        %parallel_loop3A_233 = vector.broadcast %parallel_loop3A_232 : i32 to vector<16xi32>
        %parallel_loop3A_234 = arith.andi %parallel_loop3A_228, %parallel_loop3A_233 : vector<16xi32>
        %parallel_loop3A_235 = vector.broadcast %mul3A_80 : i32 to vector<16xi32>
        %parallel_loop3A_236 = arith.addi %parallel_loop3A_235, %parallel_loop3A_228 : vector<16xi32>
        %parallel_loop3A_237 = tpu.vector_load_idx %arg11[%parallel_loop3A_236] : memref<12800xf32, #tpu.memory_space<vmem>>[vector<16xi32>], vector<16xf32>,
        %parallel_loop3A_238 = tpu.vector_load_idx %arg7[%add3A_5, %parallel_loop3A_228] : memref<128x64xf32, #tpu.memory_space<vmem>>[vector<16xi32>, vector<16xi32>], vector<16xf32>,
        %parallel_loop3A_239 = arith.addf %parallel_loop3A_238, %parallel_loop3A_237 : vector<16xf32>
        tpu.vector_store_idx %arg9[%parallel_loop3A_231, %parallel_loop3A_234, %add3A_5], %parallel_loop3A_239 : memref<8x8x128xf32, #tpu.memory_space<vmem>>[vector<16xi32>, vector<16xi32>, vector<16xi32>], vector<16xf32>,
        %parallel_loop3A_240 = tpu.vector_load_idx %arg7[%add3A_8, %parallel_loop3A_228] : memref<128x64xf32, #tpu.memory_space<vmem>>[vector<16xi32>, vector<16xi32>], vector<16xf32>,
        %parallel_loop3A_241 = arith.addf %parallel_loop3A_240, %parallel_loop3A_237 : vector<16xf32>
        tpu.vector_store_idx %arg9[%parallel_loop3A_231, %parallel_loop3A_234, %add3A_8], %parallel_loop3A_241 : memref<8x8x128xf32, #tpu.memory_space<vmem>>[vector<16xi32>, vector<16xi32>, vector<16xi32>], vector<16xf32>,
        %parallel_loop3A_242 = tpu.vector_load_idx %arg7[%add3A_11, %parallel_loop3A_228] : memref<128x64xf32, #tpu.memory_space<vmem>>[vector<16xi32>, vector<16xi32>], vector<16xf32>,
        %parallel_loop3A_243 = arith.addf %parallel_loop3A_242, %parallel_loop3A_237 : vector<16xf32>
        tpu.vector_store_idx %arg9[%parallel_loop3A_231, %parallel_loop3A_234, %add3A_11], %parallel_loop3A_243 : memref<8x8x128xf32, #tpu.memory_space<vmem>>[vector<16xi32>, vector<16xi32>, vector<16xi32>], vector<16xf32>,
        %parallel_loop3A_244 = tpu.vector_load_idx %arg7[%add3A_14, %parallel_loop3A_228] : memref<128x64xf32, #tpu.memory_space<vmem>>[vector<16xi32>, vector<16xi32>], vector<16xf32>,
        %parallel_loop3A_245 = arith.addf %parallel_loop3A_244, %parallel_loop3A_237 : vector<16xf32>
        tpu.vector_store_idx %arg9[%parallel_loop3A_231, %parallel_loop3A_234, %add3A_14], %parallel_loop3A_245 : memref<8x8x128xf32, #tpu.memory_space<vmem>>[vector<16xi32>, vector<16xi32>, vector<16xi32>], vector<16xf32>,
        %parallel_loop3A_246 = tpu.vector_load_idx %arg7[%add3A_17, %parallel_loop3A_228] : memref<128x64xf32, #tpu.memory_space<vmem>>[vector<16xi32>, vector<16xi32>], vector<16xf32>,
        %parallel_loop3A_247 = arith.addf %parallel_loop3A_246, %parallel_loop3A_237 : vector<16xf32>
        tpu.vector_store_idx %arg9[%parallel_loop3A_231, %parallel_loop3A_234, %add3A_17], %parallel_loop3A_247 : memref<8x8x128xf32, #tpu.memory_space<vmem>>[vector<16xi32>, vector<16xi32>, vector<16xi32>], vector<16xf32>,
        %parallel_loop3A_248 = tpu.vector_load_idx %arg7[%add3A_20, %parallel_loop3A_228] : memref<128x64xf32, #tpu.memory_space<vmem>>[vector<16xi32>, vector<16xi32>], vector<16xf32>,
        %parallel_loop3A_249 = arith.addf %parallel_loop3A_248, %parallel_loop3A_237 : vector<16xf32>
        tpu.vector_store_idx %arg9[%parallel_loop3A_231, %parallel_loop3A_234, %add3A_20], %parallel_loop3A_249 : memref<8x8x128xf32, #tpu.memory_space<vmem>>[vector<16xi32>, vector<16xi32>, vector<16xi32>], vector<16xf32>,
        %parallel_loop3A_250 = tpu.vector_load_idx %arg7[%add3A_23, %parallel_loop3A_228] : memref<128x64xf32, #tpu.memory_space<vmem>>[vector<16xi32>, vector<16xi32>], vector<16xf32>,
        %parallel_loop3A_251 = arith.addf %parallel_loop3A_250, %parallel_loop3A_237 : vector<16xf32>
        tpu.vector_store_idx %arg9[%parallel_loop3A_231, %parallel_loop3A_234, %add3A_23], %parallel_loop3A_251 : memref<8x8x128xf32, #tpu.memory_space<vmem>>[vector<16xi32>, vector<16xi32>, vector<16xi32>], vector<16xf32>,
        %parallel_loop3A_252 = tpu.vector_load_idx %arg7[%add3A_26, %parallel_loop3A_228] : memref<128x64xf32, #tpu.memory_space<vmem>>[vector<16xi32>, vector<16xi32>], vector<16xf32>,
        %parallel_loop3A_253 = arith.addf %parallel_loop3A_252, %parallel_loop3A_237 : vector<16xf32>
        tpu.vector_store_idx %arg9[%parallel_loop3A_231, %parallel_loop3A_234, %add3A_26], %parallel_loop3A_253 : memref<8x8x128xf32, #tpu.memory_space<vmem>>[vector<16xi32>, vector<16xi32>, vector<16xi32>], vector<16xf32>,
      } {sc.loop_unroll_factor = 1 : i64, sc.parallel_access}
      %dma_start3A_83 = arith.constant 0 : i32
      %dma_start3A_84 = arith.constant 0 : i32
      %dma_start3A_85 = arith.constant 0 : i32
      %dma_start3A_86 = tpu.memref_slice %arg5[%add3A_70, %dma_start3A_83, %add3A, %dma_start3A_84, %dma_start3A_85] : memref<200x8x32x8x128xf32, #tpu.memory_space<hbm>> -> memref<1x8x1x8x128xf32, #tpu.memory_space<hbm>>
      %dma_start3A_87 = tpu.memref_squeeze %dma_start3A_86 : memref<1x8x1x8x128xf32, #tpu.memory_space<hbm>> -> memref<8x8x128xf32, #tpu.memory_space<hbm>>
      %dma_start3A_88 = arith.constant 0 : i32
      %dma_start3A_89 = arith.constant 0 : i32
      %dma_start3A_90 = arith.constant 0 : i32
      %dma_start3A_91 = tpu.memref_slice %arg5[%add3A_70, %dma_start3A_88, %add3A, %dma_start3A_89, %dma_start3A_90] : memref<200x8x32x8x128xf32, #tpu.memory_space<hbm>> -> memref<1x8x1x8x128xf32, #tpu.memory_space<hbm>>
      %dma_start3A_92 = tpu.memref_squeeze %dma_start3A_91 : memref<1x8x1x8x128xf32, #tpu.memory_space<hbm>> -> memref<8x8x128xf32, #tpu.memory_space<hbm>>
      tpu.enqueue_dma source(%arg9 : memref<8x8x128xf32, #tpu.memory_space<vmem>>) target(%dma_start3A_92 : memref<8x8x128xf32, #tpu.memory_space<hbm>>) target_semaphore(%arg14 : memref<!tpu.dma_semaphore, #tpu.memory_space<semaphore_mem>>)
      %add3A_93 = arith.constant 2 : i32
      %add3A_94 = arith.addi %add3A_70, %add3A_93 : i32
      %lt3A = arith.constant 200 : i32
      %lt3A_95 = arith.cmpi slt, %add3A_94, %lt3A : i32
      %convert_element_type3A_96 = arith.extui %lt3A_95 : i1 to i32
      %cond3A_97 = arith.constant 0 : i32
      %cond3A_98 = arith.cmpi ne, %convert_element_type3A_96, %cond3A_97 : i32
      scf.if %cond3A_98 {
        %add3A_136 = arith.constant 2 : i32
        %add3A_137 = arith.addi %add3A_70, %add3A_136 : i32
        %dma_start3A_138 = arith.constant 0 : i32
        %dma_start3A_139 = tpu.memref_slice %arg6[%add3A_137, %dma_start3A_138] : memref<200x128xi32, #tpu.memory_space<vmem>> -> memref<1x128xi32, #tpu.memory_space<vmem>>
        %dma_start3A_140 = tpu.memref_squeeze %dma_start3A_139 : memref<1x128xi32, #tpu.memory_space<vmem>> -> memref<128xi32, #tpu.memory_space<vmem>>
        %dma_start3A_141 = arith.constant 0 : i32
        %dma_start3A_142 = arith.constant 0 : i32
        %dma_start3A_143 = tpu.memref_slice %arg3[%dma_start3A_141, %dma_start3A_142] : memref<1000000x64xf32, #tpu.memory_space<hbm>> -> memref<1000000x64xf32, #tpu.memory_space<hbm>>
        tpu.enqueue_indirect_dma source(%dma_start3A_143 : memref<1000000x64xf32, #tpu.memory_space<hbm>>) target(%arg7 : memref<128x64xf32, #tpu.memory_space<vmem>>) offsets(%dma_start3A_140 : memref<128xi32, #tpu.memory_space<vmem>>) semaphore(%arg12 : memref<!tpu.dma_semaphore, #tpu.memory_space<semaphore_mem>>)
      } else {
      }
      %mul3A_99 = arith.constant 2 : i32
      %mul3A_100 = arith.muli %mul3A_99, %scan3A_66 : i32
      %add3A_101 = arith.constant 1 : i32
      %add3A_102 = arith.addi %mul3A_100, %add3A_101 : i32
      %dma_wait3A_103 = arith.constant 0 : i32
      %dma_wait3A_104 = tpu.memref_slice %arg6[%add3A_102, %dma_wait3A_103] : memref<200x128xi32, #tpu.memory_space<vmem>> -> memref<1x128xi32, #tpu.memory_space<vmem>>
      %dma_wait3A_105 = tpu.memref_squeeze %dma_wait3A_104 : memref<1x128xi32, #tpu.memory_space<vmem>> -> memref<128xi32, #tpu.memory_space<vmem>>
      %dma_wait3A_106 = arith.constant 0 : i32
      %dma_wait3A_107 = arith.constant 0 : i32
      %dma_wait3A_108 = tpu.memref_slice %arg3[%dma_wait3A_106, %dma_wait3A_107] : memref<1000000x64xf32, #tpu.memory_space<hbm>> -> memref<1000000x64xf32, #tpu.memory_space<hbm>>
      tpu.wait_indirect_dma semaphore(%arg13 : memref<!tpu.dma_semaphore, #tpu.memory_space<semaphore_mem>>) src(%dma_wait3A_108 : memref<1000000x64xf32, #tpu.memory_space<hbm>>) dst(%arg8 : memref<128x64xf32, #tpu.memory_space<vmem>>)
      %ge3A_109 = arith.constant 2 : i32
      %ge3A_110 = arith.cmpi sge, %add3A_102, %ge3A_109 : i32
      %convert_element_type3A_111 = arith.extui %ge3A_110 : i1 to i32
      %cond3A_112 = arith.constant 0 : i32
      %cond3A_113 = arith.cmpi ne, %convert_element_type3A_111, %cond3A_112 : i32
      scf.if %cond3A_113 {
        %dma_wait3A_136 = arith.constant 0 : i32
        %dma_wait3A_137 = arith.constant 0 : i32
        %dma_wait3A_138 = arith.constant 0 : i32
        %dma_wait3A_139 = tpu.memref_slice %arg5[%add3A_102, %dma_wait3A_136, %add3A, %dma_wait3A_137, %dma_wait3A_138] : memref<200x8x32x8x128xf32, #tpu.memory_space<hbm>> -> memref<1x8x1x8x128xf32, #tpu.memory_space<hbm>>
        %dma_wait3A_140 = tpu.memref_squeeze %dma_wait3A_139 : memref<1x8x1x8x128xf32, #tpu.memory_space<hbm>> -> memref<8x8x128xf32, #tpu.memory_space<hbm>>
        %dma_wait3A_141 = arith.constant 0 : i32
        %dma_wait3A_142 = arith.constant 0 : i32
        %dma_wait3A_143 = arith.constant 0 : i32
        %dma_wait3A_144 = tpu.memref_slice %arg5[%add3A_102, %dma_wait3A_141, %add3A, %dma_wait3A_142, %dma_wait3A_143] : memref<200x8x32x8x128xf32, #tpu.memory_space<hbm>> -> memref<1x8x1x8x128xf32, #tpu.memory_space<hbm>>
        %dma_wait3A_145 = tpu.memref_squeeze %dma_wait3A_144 : memref<1x8x1x8x128xf32, #tpu.memory_space<hbm>> -> memref<8x8x128xf32, #tpu.memory_space<hbm>>
        tpu.wait_dma2 semaphore(%arg15 : memref<!tpu.dma_semaphore, #tpu.memory_space<semaphore_mem>>) src(%arg10 : memref<8x8x128xf32, #tpu.memory_space<vmem>>) dst(%dma_wait3A_145 : memref<8x8x128xf32, #tpu.memory_space<hbm>>)
      } else {
      }
      %mul3A_114 = arith.constant 64 : i32
      %mul3A_115 = arith.muli %add3A_102, %mul3A_114 : i32
      %parallel_loop3A_116 = arith.constant 0 : i32
      %parallel_loop3A_117 = arith.constant 16 : i32
      %parallel_loop3A_118 = arith.constant 1 : i32
      scf.for %parallel_loop3A_136 = %parallel_loop3A_116 to %parallel_loop3A_117 step %parallel_loop3A_118  : i32 {
        %parallel_loop3A_137 = vector.broadcast %parallel_loop3A_136 : i32 to vector<16xi32>
        %parallel_loop3A_138 = arith.addi %iota3A, %parallel_loop3A_137 : vector<16xi32>
        %parallel_loop3A_139 = arith.constant 15 : i32
        %parallel_loop3A_140 = vector.broadcast %parallel_loop3A_139 : i32 to vector<16xi32>
        %parallel_loop3A_141 = arith.andi %parallel_loop3A_138, %parallel_loop3A_140 : vector<16xi32>
        %parallel_loop3A_142 = arith.constant 0 : i32
        %parallel_loop3A_143 = vector.broadcast %parallel_loop3A_142 : i32 to vector<16xi32>
        %parallel_loop3A_144 = arith.addi %parallel_loop3A_143, %parallel_loop3A_141 : vector<16xi32>
        %parallel_loop3A_145 = arith.constant 3 : i32
        %parallel_loop3A_146 = vector.broadcast %parallel_loop3A_145 : i32 to vector<16xi32>
        %parallel_loop3A_147 = arith.shrsi %parallel_loop3A_144, %parallel_loop3A_146 : vector<16xi32>
        %parallel_loop3A_148 = arith.constant 7 : i32
        %parallel_loop3A_149 = vector.broadcast %parallel_loop3A_148 : i32 to vector<16xi32>
        %parallel_loop3A_150 = arith.andi %parallel_loop3A_144, %parallel_loop3A_149 : vector<16xi32>
        %parallel_loop3A_151 = vector.broadcast %mul3A_115 : i32 to vector<16xi32>
        %parallel_loop3A_152 = arith.addi %parallel_loop3A_151, %parallel_loop3A_144 : vector<16xi32>
        %parallel_loop3A_153 = tpu.vector_load_idx %arg11[%parallel_loop3A_152] : memref<12800xf32, #tpu.memory_space<vmem>>[vector<16xi32>], vector<16xf32>,
        %parallel_loop3A_154 = tpu.vector_load_idx %arg8[%add3A_5, %parallel_loop3A_144] : memref<128x64xf32, #tpu.memory_space<vmem>>[vector<16xi32>, vector<16xi32>], vector<16xf32>,
        %parallel_loop3A_155 = arith.addf %parallel_loop3A_154, %parallel_loop3A_153 : vector<16xf32>
        tpu.vector_store_idx %arg10[%parallel_loop3A_147, %parallel_loop3A_150, %add3A_5], %parallel_loop3A_155 : memref<8x8x128xf32, #tpu.memory_space<vmem>>[vector<16xi32>, vector<16xi32>, vector<16xi32>], vector<16xf32>,
        %parallel_loop3A_156 = tpu.vector_load_idx %arg8[%add3A_8, %parallel_loop3A_144] : memref<128x64xf32, #tpu.memory_space<vmem>>[vector<16xi32>, vector<16xi32>], vector<16xf32>,
        %parallel_loop3A_157 = arith.addf %parallel_loop3A_156, %parallel_loop3A_153 : vector<16xf32>
        tpu.vector_store_idx %arg10[%parallel_loop3A_147, %parallel_loop3A_150, %add3A_8], %parallel_loop3A_157 : memref<8x8x128xf32, #tpu.memory_space<vmem>>[vector<16xi32>, vector<16xi32>, vector<16xi32>], vector<16xf32>,
        %parallel_loop3A_158 = tpu.vector_load_idx %arg8[%add3A_11, %parallel_loop3A_144] : memref<128x64xf32, #tpu.memory_space<vmem>>[vector<16xi32>, vector<16xi32>], vector<16xf32>,
        %parallel_loop3A_159 = arith.addf %parallel_loop3A_158, %parallel_loop3A_153 : vector<16xf32>
        tpu.vector_store_idx %arg10[%parallel_loop3A_147, %parallel_loop3A_150, %add3A_11], %parallel_loop3A_159 : memref<8x8x128xf32, #tpu.memory_space<vmem>>[vector<16xi32>, vector<16xi32>, vector<16xi32>], vector<16xf32>,
        %parallel_loop3A_160 = tpu.vector_load_idx %arg8[%add3A_14, %parallel_loop3A_144] : memref<128x64xf32, #tpu.memory_space<vmem>>[vector<16xi32>, vector<16xi32>], vector<16xf32>,
        %parallel_loop3A_161 = arith.addf %parallel_loop3A_160, %parallel_loop3A_153 : vector<16xf32>
        tpu.vector_store_idx %arg10[%parallel_loop3A_147, %parallel_loop3A_150, %add3A_14], %parallel_loop3A_161 : memref<8x8x128xf32, #tpu.memory_space<vmem>>[vector<16xi32>, vector<16xi32>, vector<16xi32>], vector<16xf32>,
        %parallel_loop3A_162 = tpu.vector_load_idx %arg8[%add3A_17, %parallel_loop3A_144] : memref<128x64xf32, #tpu.memory_space<vmem>>[vector<16xi32>, vector<16xi32>], vector<16xf32>,
        %parallel_loop3A_163 = arith.addf %parallel_loop3A_162, %parallel_loop3A_153 : vector<16xf32>
        tpu.vector_store_idx %arg10[%parallel_loop3A_147, %parallel_loop3A_150, %add3A_17], %parallel_loop3A_163 : memref<8x8x128xf32, #tpu.memory_space<vmem>>[vector<16xi32>, vector<16xi32>, vector<16xi32>], vector<16xf32>,
        %parallel_loop3A_164 = tpu.vector_load_idx %arg8[%add3A_20, %parallel_loop3A_144] : memref<128x64xf32, #tpu.memory_space<vmem>>[vector<16xi32>, vector<16xi32>], vector<16xf32>,
        %parallel_loop3A_165 = arith.addf %parallel_loop3A_164, %parallel_loop3A_153 : vector<16xf32>
        tpu.vector_store_idx %arg10[%parallel_loop3A_147, %parallel_loop3A_150, %add3A_20], %parallel_loop3A_165 : memref<8x8x128xf32, #tpu.memory_space<vmem>>[vector<16xi32>, vector<16xi32>, vector<16xi32>], vector<16xf32>,
        %parallel_loop3A_166 = tpu.vector_load_idx %arg8[%add3A_23, %parallel_loop3A_144] : memref<128x64xf32, #tpu.memory_space<vmem>>[vector<16xi32>, vector<16xi32>], vector<16xf32>,
        %parallel_loop3A_167 = arith.addf %parallel_loop3A_166, %parallel_loop3A_153 : vector<16xf32>
        tpu.vector_store_idx %arg10[%parallel_loop3A_147, %parallel_loop3A_150, %add3A_23], %parallel_loop3A_167 : memref<8x8x128xf32, #tpu.memory_space<vmem>>[vector<16xi32>, vector<16xi32>, vector<16xi32>], vector<16xf32>,
        %parallel_loop3A_168 = tpu.vector_load_idx %arg8[%add3A_26, %parallel_loop3A_144] : memref<128x64xf32, #tpu.memory_space<vmem>>[vector<16xi32>, vector<16xi32>], vector<16xf32>,
        %parallel_loop3A_169 = arith.addf %parallel_loop3A_168, %parallel_loop3A_153 : vector<16xf32>
        tpu.vector_store_idx %arg10[%parallel_loop3A_147, %parallel_loop3A_150, %add3A_26], %parallel_loop3A_169 : memref<8x8x128xf32, #tpu.memory_space<vmem>>[vector<16xi32>, vector<16xi32>, vector<16xi32>], vector<16xf32>,
        %parallel_loop3A_170 = arith.constant 16 : i32
        %parallel_loop3A_171 = vector.broadcast %parallel_loop3A_170 : i32 to vector<16xi32>
        %parallel_loop3A_172 = arith.addi %parallel_loop3A_171, %parallel_loop3A_141 : vector<16xi32>
        %parallel_loop3A_173 = arith.constant 3 : i32
        %parallel_loop3A_174 = vector.broadcast %parallel_loop3A_173 : i32 to vector<16xi32>
        %parallel_loop3A_175 = arith.shrsi %parallel_loop3A_172, %parallel_loop3A_174 : vector<16xi32>
        %parallel_loop3A_176 = arith.constant 7 : i32
        %parallel_loop3A_177 = vector.broadcast %parallel_loop3A_176 : i32 to vector<16xi32>
        %parallel_loop3A_178 = arith.andi %parallel_loop3A_172, %parallel_loop3A_177 : vector<16xi32>
        %parallel_loop3A_179 = vector.broadcast %mul3A_115 : i32 to vector<16xi32>
        %parallel_loop3A_180 = arith.addi %parallel_loop3A_179, %parallel_loop3A_172 : vector<16xi32>
        %parallel_loop3A_181 = tpu.vector_load_idx %arg11[%parallel_loop3A_180] : memref<12800xf32, #tpu.memory_space<vmem>>[vector<16xi32>], vector<16xf32>,
        %parallel_loop3A_182 = tpu.vector_load_idx %arg8[%add3A_5, %parallel_loop3A_172] : memref<128x64xf32, #tpu.memory_space<vmem>>[vector<16xi32>, vector<16xi32>], vector<16xf32>,
        %parallel_loop3A_183 = arith.addf %parallel_loop3A_182, %parallel_loop3A_181 : vector<16xf32>
        tpu.vector_store_idx %arg10[%parallel_loop3A_175, %parallel_loop3A_178, %add3A_5], %parallel_loop3A_183 : memref<8x8x128xf32, #tpu.memory_space<vmem>>[vector<16xi32>, vector<16xi32>, vector<16xi32>], vector<16xf32>,
        %parallel_loop3A_184 = tpu.vector_load_idx %arg8[%add3A_8, %parallel_loop3A_172] : memref<128x64xf32, #tpu.memory_space<vmem>>[vector<16xi32>, vector<16xi32>], vector<16xf32>,
        %parallel_loop3A_185 = arith.addf %parallel_loop3A_184, %parallel_loop3A_181 : vector<16xf32>
        tpu.vector_store_idx %arg10[%parallel_loop3A_175, %parallel_loop3A_178, %add3A_8], %parallel_loop3A_185 : memref<8x8x128xf32, #tpu.memory_space<vmem>>[vector<16xi32>, vector<16xi32>, vector<16xi32>], vector<16xf32>,
        %parallel_loop3A_186 = tpu.vector_load_idx %arg8[%add3A_11, %parallel_loop3A_172] : memref<128x64xf32, #tpu.memory_space<vmem>>[vector<16xi32>, vector<16xi32>], vector<16xf32>,
        %parallel_loop3A_187 = arith.addf %parallel_loop3A_186, %parallel_loop3A_181 : vector<16xf32>
        tpu.vector_store_idx %arg10[%parallel_loop3A_175, %parallel_loop3A_178, %add3A_11], %parallel_loop3A_187 : memref<8x8x128xf32, #tpu.memory_space<vmem>>[vector<16xi32>, vector<16xi32>, vector<16xi32>], vector<16xf32>,
        %parallel_loop3A_188 = tpu.vector_load_idx %arg8[%add3A_14, %parallel_loop3A_172] : memref<128x64xf32, #tpu.memory_space<vmem>>[vector<16xi32>, vector<16xi32>], vector<16xf32>,
        %parallel_loop3A_189 = arith.addf %parallel_loop3A_188, %parallel_loop3A_181 : vector<16xf32>
        tpu.vector_store_idx %arg10[%parallel_loop3A_175, %parallel_loop3A_178, %add3A_14], %parallel_loop3A_189 : memref<8x8x128xf32, #tpu.memory_space<vmem>>[vector<16xi32>, vector<16xi32>, vector<16xi32>], vector<16xf32>,
        %parallel_loop3A_190 = tpu.vector_load_idx %arg8[%add3A_17, %parallel_loop3A_172] : memref<128x64xf32, #tpu.memory_space<vmem>>[vector<16xi32>, vector<16xi32>], vector<16xf32>,
        %parallel_loop3A_191 = arith.addf %parallel_loop3A_190, %parallel_loop3A_181 : vector<16xf32>
        tpu.vector_store_idx %arg10[%parallel_loop3A_175, %parallel_loop3A_178, %add3A_17], %parallel_loop3A_191 : memref<8x8x128xf32, #tpu.memory_space<vmem>>[vector<16xi32>, vector<16xi32>, vector<16xi32>], vector<16xf32>,
        %parallel_loop3A_192 = tpu.vector_load_idx %arg8[%add3A_20, %parallel_loop3A_172] : memref<128x64xf32, #tpu.memory_space<vmem>>[vector<16xi32>, vector<16xi32>], vector<16xf32>,
        %parallel_loop3A_193 = arith.addf %parallel_loop3A_192, %parallel_loop3A_181 : vector<16xf32>
        tpu.vector_store_idx %arg10[%parallel_loop3A_175, %parallel_loop3A_178, %add3A_20], %parallel_loop3A_193 : memref<8x8x128xf32, #tpu.memory_space<vmem>>[vector<16xi32>, vector<16xi32>, vector<16xi32>], vector<16xf32>,
        %parallel_loop3A_194 = tpu.vector_load_idx %arg8[%add3A_23, %parallel_loop3A_172] : memref<128x64xf32, #tpu.memory_space<vmem>>[vector<16xi32>, vector<16xi32>], vector<16xf32>,
        %parallel_loop3A_195 = arith.addf %parallel_loop3A_194, %parallel_loop3A_181 : vector<16xf32>
        tpu.vector_store_idx %arg10[%parallel_loop3A_175, %parallel_loop3A_178, %add3A_23], %parallel_loop3A_195 : memref<8x8x128xf32, #tpu.memory_space<vmem>>[vector<16xi32>, vector<16xi32>, vector<16xi32>], vector<16xf32>,
        %parallel_loop3A_196 = tpu.vector_load_idx %arg8[%add3A_26, %parallel_loop3A_172] : memref<128x64xf32, #tpu.memory_space<vmem>>[vector<16xi32>, vector<16xi32>], vector<16xf32>,
        %parallel_loop3A_197 = arith.addf %parallel_loop3A_196, %parallel_loop3A_181 : vector<16xf32>
        tpu.vector_store_idx %arg10[%parallel_loop3A_175, %parallel_loop3A_178, %add3A_26], %parallel_loop3A_197 : memref<8x8x128xf32, #tpu.memory_space<vmem>>[vector<16xi32>, vector<16xi32>, vector<16xi32>], vector<16xf32>,
        %parallel_loop3A_198 = arith.constant 32 : i32
        %parallel_loop3A_199 = vector.broadcast %parallel_loop3A_198 : i32 to vector<16xi32>
        %parallel_loop3A_200 = arith.addi %parallel_loop3A_199, %parallel_loop3A_141 : vector<16xi32>
        %parallel_loop3A_201 = arith.constant 3 : i32
        %parallel_loop3A_202 = vector.broadcast %parallel_loop3A_201 : i32 to vector<16xi32>
        %parallel_loop3A_203 = arith.shrsi %parallel_loop3A_200, %parallel_loop3A_202 : vector<16xi32>
        %parallel_loop3A_204 = arith.constant 7 : i32
        %parallel_loop3A_205 = vector.broadcast %parallel_loop3A_204 : i32 to vector<16xi32>
        %parallel_loop3A_206 = arith.andi %parallel_loop3A_200, %parallel_loop3A_205 : vector<16xi32>
        %parallel_loop3A_207 = vector.broadcast %mul3A_115 : i32 to vector<16xi32>
        %parallel_loop3A_208 = arith.addi %parallel_loop3A_207, %parallel_loop3A_200 : vector<16xi32>
        %parallel_loop3A_209 = tpu.vector_load_idx %arg11[%parallel_loop3A_208] : memref<12800xf32, #tpu.memory_space<vmem>>[vector<16xi32>], vector<16xf32>,
        %parallel_loop3A_210 = tpu.vector_load_idx %arg8[%add3A_5, %parallel_loop3A_200] : memref<128x64xf32, #tpu.memory_space<vmem>>[vector<16xi32>, vector<16xi32>], vector<16xf32>,
        %parallel_loop3A_211 = arith.addf %parallel_loop3A_210, %parallel_loop3A_209 : vector<16xf32>
        tpu.vector_store_idx %arg10[%parallel_loop3A_203, %parallel_loop3A_206, %add3A_5], %parallel_loop3A_211 : memref<8x8x128xf32, #tpu.memory_space<vmem>>[vector<16xi32>, vector<16xi32>, vector<16xi32>], vector<16xf32>,
        %parallel_loop3A_212 = tpu.vector_load_idx %arg8[%add3A_8, %parallel_loop3A_200] : memref<128x64xf32, #tpu.memory_space<vmem>>[vector<16xi32>, vector<16xi32>], vector<16xf32>,
        %parallel_loop3A_213 = arith.addf %parallel_loop3A_212, %parallel_loop3A_209 : vector<16xf32>
        tpu.vector_store_idx %arg10[%parallel_loop3A_203, %parallel_loop3A_206, %add3A_8], %parallel_loop3A_213 : memref<8x8x128xf32, #tpu.memory_space<vmem>>[vector<16xi32>, vector<16xi32>, vector<16xi32>], vector<16xf32>,
        %parallel_loop3A_214 = tpu.vector_load_idx %arg8[%add3A_11, %parallel_loop3A_200] : memref<128x64xf32, #tpu.memory_space<vmem>>[vector<16xi32>, vector<16xi32>], vector<16xf32>,
        %parallel_loop3A_215 = arith.addf %parallel_loop3A_214, %parallel_loop3A_209 : vector<16xf32>
        tpu.vector_store_idx %arg10[%parallel_loop3A_203, %parallel_loop3A_206, %add3A_11], %parallel_loop3A_215 : memref<8x8x128xf32, #tpu.memory_space<vmem>>[vector<16xi32>, vector<16xi32>, vector<16xi32>], vector<16xf32>,
        %parallel_loop3A_216 = tpu.vector_load_idx %arg8[%add3A_14, %parallel_loop3A_200] : memref<128x64xf32, #tpu.memory_space<vmem>>[vector<16xi32>, vector<16xi32>], vector<16xf32>,
        %parallel_loop3A_217 = arith.addf %parallel_loop3A_216, %parallel_loop3A_209 : vector<16xf32>
        tpu.vector_store_idx %arg10[%parallel_loop3A_203, %parallel_loop3A_206, %add3A_14], %parallel_loop3A_217 : memref<8x8x128xf32, #tpu.memory_space<vmem>>[vector<16xi32>, vector<16xi32>, vector<16xi32>], vector<16xf32>,
        %parallel_loop3A_218 = tpu.vector_load_idx %arg8[%add3A_17, %parallel_loop3A_200] : memref<128x64xf32, #tpu.memory_space<vmem>>[vector<16xi32>, vector<16xi32>], vector<16xf32>,
        %parallel_loop3A_219 = arith.addf %parallel_loop3A_218, %parallel_loop3A_209 : vector<16xf32>
        tpu.vector_store_idx %arg10[%parallel_loop3A_203, %parallel_loop3A_206, %add3A_17], %parallel_loop3A_219 : memref<8x8x128xf32, #tpu.memory_space<vmem>>[vector<16xi32>, vector<16xi32>, vector<16xi32>], vector<16xf32>,
        %parallel_loop3A_220 = tpu.vector_load_idx %arg8[%add3A_20, %parallel_loop3A_200] : memref<128x64xf32, #tpu.memory_space<vmem>>[vector<16xi32>, vector<16xi32>], vector<16xf32>,
        %parallel_loop3A_221 = arith.addf %parallel_loop3A_220, %parallel_loop3A_209 : vector<16xf32>
        tpu.vector_store_idx %arg10[%parallel_loop3A_203, %parallel_loop3A_206, %add3A_20], %parallel_loop3A_221 : memref<8x8x128xf32, #tpu.memory_space<vmem>>[vector<16xi32>, vector<16xi32>, vector<16xi32>], vector<16xf32>,
        %parallel_loop3A_222 = tpu.vector_load_idx %arg8[%add3A_23, %parallel_loop3A_200] : memref<128x64xf32, #tpu.memory_space<vmem>>[vector<16xi32>, vector<16xi32>], vector<16xf32>,
        %parallel_loop3A_223 = arith.addf %parallel_loop3A_222, %parallel_loop3A_209 : vector<16xf32>
        tpu.vector_store_idx %arg10[%parallel_loop3A_203, %parallel_loop3A_206, %add3A_23], %parallel_loop3A_223 : memref<8x8x128xf32, #tpu.memory_space<vmem>>[vector<16xi32>, vector<16xi32>, vector<16xi32>], vector<16xf32>,
        %parallel_loop3A_224 = tpu.vector_load_idx %arg8[%add3A_26, %parallel_loop3A_200] : memref<128x64xf32, #tpu.memory_space<vmem>>[vector<16xi32>, vector<16xi32>], vector<16xf32>,
        %parallel_loop3A_225 = arith.addf %parallel_loop3A_224, %parallel_loop3A_209 : vector<16xf32>
        tpu.vector_store_idx %arg10[%parallel_loop3A_203, %parallel_loop3A_206, %add3A_26], %parallel_loop3A_225 : memref<8x8x128xf32, #tpu.memory_space<vmem>>[vector<16xi32>, vector<16xi32>, vector<16xi32>], vector<16xf32>,
        %parallel_loop3A_226 = arith.constant 48 : i32
        %parallel_loop3A_227 = vector.broadcast %parallel_loop3A_226 : i32 to vector<16xi32>
        %parallel_loop3A_228 = arith.addi %parallel_loop3A_227, %parallel_loop3A_141 : vector<16xi32>
        %parallel_loop3A_229 = arith.constant 3 : i32
        %parallel_loop3A_230 = vector.broadcast %parallel_loop3A_229 : i32 to vector<16xi32>
        %parallel_loop3A_231 = arith.shrsi %parallel_loop3A_228, %parallel_loop3A_230 : vector<16xi32>
        %parallel_loop3A_232 = arith.constant 7 : i32
        %parallel_loop3A_233 = vector.broadcast %parallel_loop3A_232 : i32 to vector<16xi32>
        %parallel_loop3A_234 = arith.andi %parallel_loop3A_228, %parallel_loop3A_233 : vector<16xi32>
        %parallel_loop3A_235 = vector.broadcast %mul3A_115 : i32 to vector<16xi32>
        %parallel_loop3A_236 = arith.addi %parallel_loop3A_235, %parallel_loop3A_228 : vector<16xi32>
        %parallel_loop3A_237 = tpu.vector_load_idx %arg11[%parallel_loop3A_236] : memref<12800xf32, #tpu.memory_space<vmem>>[vector<16xi32>], vector<16xf32>,
        %parallel_loop3A_238 = tpu.vector_load_idx %arg8[%add3A_5, %parallel_loop3A_228] : memref<128x64xf32, #tpu.memory_space<vmem>>[vector<16xi32>, vector<16xi32>], vector<16xf32>,
        %parallel_loop3A_239 = arith.addf %parallel_loop3A_238, %parallel_loop3A_237 : vector<16xf32>
        tpu.vector_store_idx %arg10[%parallel_loop3A_231, %parallel_loop3A_234, %add3A_5], %parallel_loop3A_239 : memref<8x8x128xf32, #tpu.memory_space<vmem>>[vector<16xi32>, vector<16xi32>, vector<16xi32>], vector<16xf32>,
        %parallel_loop3A_240 = tpu.vector_load_idx %arg8[%add3A_8, %parallel_loop3A_228] : memref<128x64xf32, #tpu.memory_space<vmem>>[vector<16xi32>, vector<16xi32>], vector<16xf32>,
        %parallel_loop3A_241 = arith.addf %parallel_loop3A_240, %parallel_loop3A_237 : vector<16xf32>
        tpu.vector_store_idx %arg10[%parallel_loop3A_231, %parallel_loop3A_234, %add3A_8], %parallel_loop3A_241 : memref<8x8x128xf32, #tpu.memory_space<vmem>>[vector<16xi32>, vector<16xi32>, vector<16xi32>], vector<16xf32>,
        %parallel_loop3A_242 = tpu.vector_load_idx %arg8[%add3A_11, %parallel_loop3A_228] : memref<128x64xf32, #tpu.memory_space<vmem>>[vector<16xi32>, vector<16xi32>], vector<16xf32>,
        %parallel_loop3A_243 = arith.addf %parallel_loop3A_242, %parallel_loop3A_237 : vector<16xf32>
        tpu.vector_store_idx %arg10[%parallel_loop3A_231, %parallel_loop3A_234, %add3A_11], %parallel_loop3A_243 : memref<8x8x128xf32, #tpu.memory_space<vmem>>[vector<16xi32>, vector<16xi32>, vector<16xi32>], vector<16xf32>,
        %parallel_loop3A_244 = tpu.vector_load_idx %arg8[%add3A_14, %parallel_loop3A_228] : memref<128x64xf32, #tpu.memory_space<vmem>>[vector<16xi32>, vector<16xi32>], vector<16xf32>,
        %parallel_loop3A_245 = arith.addf %parallel_loop3A_244, %parallel_loop3A_237 : vector<16xf32>
        tpu.vector_store_idx %arg10[%parallel_loop3A_231, %parallel_loop3A_234, %add3A_14], %parallel_loop3A_245 : memref<8x8x128xf32, #tpu.memory_space<vmem>>[vector<16xi32>, vector<16xi32>, vector<16xi32>], vector<16xf32>,
        %parallel_loop3A_246 = tpu.vector_load_idx %arg8[%add3A_17, %parallel_loop3A_228] : memref<128x64xf32, #tpu.memory_space<vmem>>[vector<16xi32>, vector<16xi32>], vector<16xf32>,
        %parallel_loop3A_247 = arith.addf %parallel_loop3A_246, %parallel_loop3A_237 : vector<16xf32>
        tpu.vector_store_idx %arg10[%parallel_loop3A_231, %parallel_loop3A_234, %add3A_17], %parallel_loop3A_247 : memref<8x8x128xf32, #tpu.memory_space<vmem>>[vector<16xi32>, vector<16xi32>, vector<16xi32>], vector<16xf32>,
        %parallel_loop3A_248 = tpu.vector_load_idx %arg8[%add3A_20, %parallel_loop3A_228] : memref<128x64xf32, #tpu.memory_space<vmem>>[vector<16xi32>, vector<16xi32>], vector<16xf32>,
        %parallel_loop3A_249 = arith.addf %parallel_loop3A_248, %parallel_loop3A_237 : vector<16xf32>
        tpu.vector_store_idx %arg10[%parallel_loop3A_231, %parallel_loop3A_234, %add3A_20], %parallel_loop3A_249 : memref<8x8x128xf32, #tpu.memory_space<vmem>>[vector<16xi32>, vector<16xi32>, vector<16xi32>], vector<16xf32>,
        %parallel_loop3A_250 = tpu.vector_load_idx %arg8[%add3A_23, %parallel_loop3A_228] : memref<128x64xf32, #tpu.memory_space<vmem>>[vector<16xi32>, vector<16xi32>], vector<16xf32>,
        %parallel_loop3A_251 = arith.addf %parallel_loop3A_250, %parallel_loop3A_237 : vector<16xf32>
        tpu.vector_store_idx %arg10[%parallel_loop3A_231, %parallel_loop3A_234, %add3A_23], %parallel_loop3A_251 : memref<8x8x128xf32, #tpu.memory_space<vmem>>[vector<16xi32>, vector<16xi32>, vector<16xi32>], vector<16xf32>,
        %parallel_loop3A_252 = tpu.vector_load_idx %arg8[%add3A_26, %parallel_loop3A_228] : memref<128x64xf32, #tpu.memory_space<vmem>>[vector<16xi32>, vector<16xi32>], vector<16xf32>,
        %parallel_loop3A_253 = arith.addf %parallel_loop3A_252, %parallel_loop3A_237 : vector<16xf32>
        tpu.vector_store_idx %arg10[%parallel_loop3A_231, %parallel_loop3A_234, %add3A_26], %parallel_loop3A_253 : memref<8x8x128xf32, #tpu.memory_space<vmem>>[vector<16xi32>, vector<16xi32>, vector<16xi32>], vector<16xf32>,
      } {sc.loop_unroll_factor = 1 : i64, sc.parallel_access}
      %dma_start3A_119 = arith.constant 0 : i32
      %dma_start3A_120 = arith.constant 0 : i32
      %dma_start3A_121 = arith.constant 0 : i32
      %dma_start3A_122 = tpu.memref_slice %arg5[%add3A_102, %dma_start3A_119, %add3A, %dma_start3A_120, %dma_start3A_121] : memref<200x8x32x8x128xf32, #tpu.memory_space<hbm>> -> memref<1x8x1x8x128xf32, #tpu.memory_space<hbm>>
      %dma_start3A_123 = tpu.memref_squeeze %dma_start3A_122 : memref<1x8x1x8x128xf32, #tpu.memory_space<hbm>> -> memref<8x8x128xf32, #tpu.memory_space<hbm>>
      %dma_start3A_124 = arith.constant 0 : i32
      %dma_start3A_125 = arith.constant 0 : i32
      %dma_start3A_126 = arith.constant 0 : i32
      %dma_start3A_127 = tpu.memref_slice %arg5[%add3A_102, %dma_start3A_124, %add3A, %dma_start3A_125, %dma_start3A_126] : memref<200x8x32x8x128xf32, #tpu.memory_space<hbm>> -> memref<1x8x1x8x128xf32, #tpu.memory_space<hbm>>
      %dma_start3A_128 = tpu.memref_squeeze %dma_start3A_127 : memref<1x8x1x8x128xf32, #tpu.memory_space<hbm>> -> memref<8x8x128xf32, #tpu.memory_space<hbm>>
      tpu.enqueue_dma source(%arg10 : memref<8x8x128xf32, #tpu.memory_space<vmem>>) target(%dma_start3A_128 : memref<8x8x128xf32, #tpu.memory_space<hbm>>) target_semaphore(%arg15 : memref<!tpu.dma_semaphore, #tpu.memory_space<semaphore_mem>>)
      %add3A_129 = arith.constant 2 : i32
      %add3A_130 = arith.addi %add3A_102, %add3A_129 : i32
      %lt3A_131 = arith.constant 200 : i32
      %lt3A_132 = arith.cmpi slt, %add3A_130, %lt3A_131 : i32
      %convert_element_type3A_133 = arith.extui %lt3A_132 : i1 to i32
      %cond3A_134 = arith.constant 0 : i32
      %cond3A_135 = arith.cmpi ne, %convert_element_type3A_133, %cond3A_134 : i32
      scf.if %cond3A_135 {
        %add3A_136 = arith.constant 2 : i32
        %add3A_137 = arith.addi %add3A_102, %add3A_136 : i32
        %dma_start3A_138 = arith.constant 0 : i32
        %dma_start3A_139 = tpu.memref_slice %arg6[%add3A_137, %dma_start3A_138] : memref<200x128xi32, #tpu.memory_space<vmem>> -> memref<1x128xi32, #tpu.memory_space<vmem>>
        %dma_start3A_140 = tpu.memref_squeeze %dma_start3A_139 : memref<1x128xi32, #tpu.memory_space<vmem>> -> memref<128xi32, #tpu.memory_space<vmem>>
        %dma_start3A_141 = arith.constant 0 : i32
        %dma_start3A_142 = arith.constant 0 : i32
        %dma_start3A_143 = tpu.memref_slice %arg3[%dma_start3A_141, %dma_start3A_142] : memref<1000000x64xf32, #tpu.memory_space<hbm>> -> memref<1000000x64xf32, #tpu.memory_space<hbm>>
        tpu.enqueue_indirect_dma source(%dma_start3A_143 : memref<1000000x64xf32, #tpu.memory_space<hbm>>) target(%arg8 : memref<128x64xf32, #tpu.memory_space<vmem>>) offsets(%dma_start3A_140 : memref<128xi32, #tpu.memory_space<vmem>>) semaphore(%arg13 : memref<!tpu.dma_semaphore, #tpu.memory_space<semaphore_mem>>)
      } else {
      }
    }
    %scan3A_44 = arith.constant 100 : i32
    %dma_wait3A = arith.constant 198 : i32
    %dma_wait3A_45 = arith.constant 0 : i32
    %dma_wait3A_46 = arith.constant 0 : i32
    %dma_wait3A_47 = arith.constant 0 : i32
    %dma_wait3A_48 = tpu.memref_slice %arg5[%dma_wait3A, %dma_wait3A_45, %add3A, %dma_wait3A_46, %dma_wait3A_47] : memref<200x8x32x8x128xf32, #tpu.memory_space<hbm>> -> memref<1x8x1x8x128xf32, #tpu.memory_space<hbm>>
    %dma_wait3A_49 = tpu.memref_squeeze %dma_wait3A_48 : memref<1x8x1x8x128xf32, #tpu.memory_space<hbm>> -> memref<8x8x128xf32, #tpu.memory_space<hbm>>
    %dma_wait3A_50 = arith.constant 0 : i32
    %dma_wait3A_51 = arith.constant 0 : i32
    %dma_wait3A_52 = arith.constant 0 : i32
    %dma_wait3A_53 = tpu.memref_slice %arg5[%dma_wait3A, %dma_wait3A_50, %add3A, %dma_wait3A_51, %dma_wait3A_52] : memref<200x8x32x8x128xf32, #tpu.memory_space<hbm>> -> memref<1x8x1x8x128xf32, #tpu.memory_space<hbm>>
    %dma_wait3A_54 = tpu.memref_squeeze %dma_wait3A_53 : memref<1x8x1x8x128xf32, #tpu.memory_space<hbm>> -> memref<8x8x128xf32, #tpu.memory_space<hbm>>
    tpu.wait_dma2 semaphore(%arg14 : memref<!tpu.dma_semaphore, #tpu.memory_space<semaphore_mem>>) src(%arg9 : memref<8x8x128xf32, #tpu.memory_space<vmem>>) dst(%dma_wait3A_54 : memref<8x8x128xf32, #tpu.memory_space<hbm>>)
    %dma_wait3A_55 = arith.constant 199 : i32
    %dma_wait3A_56 = arith.constant 0 : i32
    %dma_wait3A_57 = arith.constant 0 : i32
    %dma_wait3A_58 = arith.constant 0 : i32
    %dma_wait3A_59 = tpu.memref_slice %arg5[%dma_wait3A_55, %dma_wait3A_56, %add3A, %dma_wait3A_57, %dma_wait3A_58] : memref<200x8x32x8x128xf32, #tpu.memory_space<hbm>> -> memref<1x8x1x8x128xf32, #tpu.memory_space<hbm>>
    %dma_wait3A_60 = tpu.memref_squeeze %dma_wait3A_59 : memref<1x8x1x8x128xf32, #tpu.memory_space<hbm>> -> memref<8x8x128xf32, #tpu.memory_space<hbm>>
    %dma_wait3A_61 = arith.constant 0 : i32
    %dma_wait3A_62 = arith.constant 0 : i32
    %dma_wait3A_63 = arith.constant 0 : i32
    %dma_wait3A_64 = tpu.memref_slice %arg5[%dma_wait3A_55, %dma_wait3A_61, %add3A, %dma_wait3A_62, %dma_wait3A_63] : memref<200x8x32x8x128xf32, #tpu.memory_space<hbm>> -> memref<1x8x1x8x128xf32, #tpu.memory_space<hbm>>
    %dma_wait3A_65 = tpu.memref_squeeze %dma_wait3A_64 : memref<1x8x1x8x128xf32, #tpu.memory_space<hbm>> -> memref<8x8x128xf32, #tpu.memory_space<hbm>>
    tpu.wait_dma2 semaphore(%arg15 : memref<!tpu.dma_semaphore, #tpu.memory_space<semaphore_mem>>) src(%arg10 : memref<8x8x128xf32, #tpu.memory_space<vmem>>) dst(%dma_wait3A_65 : memref<8x8x128xf32, #tpu.memory_space<hbm>>)
    return
  }
}

</mosaic_0001>

<sc_bundles>
// kernel: _run.3.cloned.1.call-start
scs
__scs_entry_jumppad:
0x0: {  	(pc) =	sbr.rel $0x88, $3  }
0x1: {  	(tag) =	ssettag $0x0;
	lr =	simm.s32 $0x1  }
0x2: {  	[smem:$0x3F9E] =	sst lr;
	_ =	strace $0xD0000000  }
0x3: {  	_ = 	snop  }
0x4: {  	_ = 	snop  }
0x5: {  	_ = 	snop  }
0x6: {  	_ = 	snop  }
0x7: {  	_ = 	snop  }
__scs_overlays_trampoline_lowered:
0x8: {  	[smem:$0x3FAD] =	sst s0  }
0x9: {  	[smem:$0x3FAE] =	sst s1  }
0xa: {  	[smem:$0x3FAF] =	sst s2  }
0xb: {  	[smem:$0x3FB0] =	sst s3  }
0xc: {  	[smem:$0x3FB1] =	sst s4  }
0xd: {  	[smem:$0x3FB2] =	sst s5  }
0xe: {  	[smem:$0x3FB3] =	sst s6  }
0xf: {  	[smem:$0x3FB4] =	sst s7  }
0x10: {  	[smem:$0x3FB5] =	sst s8  }
0x11: {  	[smem:$0x3FB6] =	sst s9;
	s0 =	simm.s32 @!p0 $0x0  }
0x12: {  	s1 =	sld [smem:$0x3F9C];
	s0 =	simm.s32 @p0 $0x1  }
0x13: {  	[smem:$0x3FB7] =	sst s0;
	s0 =	simm.s32 @!p1 $0x0  }
0x14: {  	s2 =	sld [smem:$0x3F9B];
	s0 =	simm.s32 @p1 $0x1  }
0x15: {  	[smem:$0x3FB8] =	sst s0;
	s0 =	simm.s32 @!p2 $0x0  }
0x16: {  	s3 =	sld [smem:$0x3FDB];
	s0 =	simm.s32 @p2 $0x1  }
0x17: {  	s4 =	simm.s32 $0x1BF5;
	[smem:$0x3FBA] =	sst s0  }
0x18: {  	s0 =	sld [smem:$0x3F9D];
	_ =	swait.ge [sflag:s4], $0x0  }
0x19: {  	s7 =	sld [smem:$0x3F9E]  }
0x1a: {  	s8 =	sadd.s32 $0xFFFFE003, lr  }
0x1b: {  	s9 =	sadd.s32 $0xFFFFFEF7, lr;
	s5 =	simm.s32 $0xFFFFFFFF;
	p2 =	slt.u32 s8, $0xFFFFF086  }
0x1c: {  	p1 =	slt.u32 s9, $0xF7A;
	s5 =	simm.s32 @!p2 $0x0  }
0x1d: {  	s5 =	simm.s32 @p1 $0x1;
	p0 =	seq.s32 s7, s2  }
0x1e: {  	s7 =	smul.u32 @!p0 $0xF7A, s2;
	p2 =	seq.s32 @!p0 s5, $0x0  }
0x1f: {  	s9 =	smul.u32 $0xF7A, s1;
	s8 =	simm.s32 @!p0 $0x1BF5;
	p2 =	por !p2, p0  }
0x20: {  	[sflag:s8] =	ssyncset.s32 @!p0 $0xFFFFF086;
	s6 =	sadd.s32 @!p0 s3, s7;
	s7 =	simm.s32 @!p0 $0x108  }
0x21: {  	s3 =	sadd.s32 s3, s9;
	s6 =	sadd.s32 @!p0 $0x88, s6;
	s7 =	simm.s32 @p2 $0x1082  }
0x22: {  	[simem:s7], [sflag:s8] =	dma.local @!p0 [hbm:s6], $0xF7A  }
0x23: {  	s9 =	sor.u32 $0xD0000000, s2;
	s6 =	simm.s32 $0x108;
	_ =	swait.ge @!p0 [sflag:s8], $0x0  }
0x24: {  	s3 =	sadd.s32 $0x88, s3;
	s6 =	simm.s32 @!p1 $0x1082;
	[sflag:s4] =	ssyncset.s32 $0xFFFFF086  }
0x25: {  	[simem:s6], [sflag:s4] =	dma.local [hbm:s3], $0xF7A  }
0x26: {  	[smem:$0x3F9E] =	sst s1;
	(tag) =	ssettag s2;
	_ =	strace s9  }
0x27: {  	s1 =	sld [smem:$0x3FAE]  }
0x28: {  	s2 =	sld [smem:$0x3FAF]  }
0x29: {  	s4 =	sld [smem:$0x3FB1]  }
0x2a: {  	p0 =	seq.s32 s5, $0x0;
	s5 =	sld [smem:$0x3FB2]  }
0x2b: {  	s6 =	sld [smem:$0x3FB3]  }
0x2c: {  	s7 =	sld [smem:$0x3FB4]  }
0x2d: {  	s3 =	simm.s32 $0x108;
	s8 =	sld [smem:$0x3FB5]  }
0x2e: {  	s3 =	simm.s32 @!p0 $0x1082;
	s9 =	sld [smem:$0x3FB6]  }
0x2f: {  	lr =	sadd.s32 s0, s3;
	s0 =	sld [smem:$0x3FAD]  }
0x30: {  	s3 =	sld [smem:$0x3FB0]  }
0x31: {  	[smem:$0x3FB9] =	sst s10  }
0x32: {  	s10 =	sld [smem:$0x3FB7];
	_ =	sdelay $0x3  }
0x33: {  	p0 =	seq.s32 s10, $0x1;
	s10 =	sld [smem:$0x3FB9];
	_ =	sdelay $0x3  }
0x34: {  	[smem:$0x3FB9] =	sst s10  }
0x35: {  	s10 =	sld [smem:$0x3FB8];
	_ =	sdelay $0x3  }
0x36: {  	p1 =	seq.s32 s10, $0x1;
	s10 =	sld [smem:$0x3FB9];
	_ =	sdelay $0x3  }
0x37: {  	[smem:$0x3FB9] =	sst s10  }
0x38: {  	s10 =	sld [smem:$0x3FBA]  }
0x39: {  	_ = 	snop;
	(pc) =	sbr.ind lr, $3  }
0x3a: {  	_ = 	snop  }
0x3b: {  	_ = 	snop  }
0x3c: {  	p2 =	seq.s32 s10, $0x1;
	s10 =	sld [smem:$0x3FB9]  }
0x3d: {  	_ =	shalt  }
0x3e: {  	_ =	shalt  }
0x3f: {  	_ =	shalt  }
0x40: {  	_ =	shalt  }
0x41: {  	_ =	shalt  }
0x42: {  	_ =	shalt  }
0x43: {  	_ =	shalt  }
0x44: {  	_ =	shalt  }
0x45: {  	_ =	shalt  }
0x46: {  	_ =	shalt  }
0x47: {  	_ =	shalt  }
0x48: {  	_ =	shalt  }
0x49: {  	_ =	shalt  }
0x4a: {  	_ =	shalt  }
0x4b: {  	_ =	shalt  }
0x4c: {  	_ =	shalt  }
0x4d: {  	_ =	shalt  }
0x4e: {  	_ =	shalt  }
0x4f: {  	_ =	shalt  }
0x50: {  	_ =	shalt  }
0x51: {  	_ =	shalt  }
0x52: {  	_ =	shalt  }
0x53: {  	_ =	shalt  }
0x54: {  	_ =	shalt  }
0x55: {  	_ =	shalt  }
0x56: {  	_ =	shalt  }
0x57: {  	_ =	shalt  }
0x58: {  	_ =	shalt  }
0x59: {  	_ =	shalt  }
0x5a: {  	_ =	shalt  }
0x5b: {  	_ =	shalt  }
0x5c: {  	_ =	shalt  }
0x5d: {  	_ =	shalt  }
0x5e: {  	_ =	shalt  }
0x5f: {  	_ =	shalt  }
0x60: {  	_ =	shalt  }
0x61: {  	_ =	shalt  }
0x62: {  	_ =	shalt  }
0x63: {  	_ =	shalt  }
0x64: {  	_ =	shalt  }
0x65: {  	_ =	shalt  }
0x66: {  	_ =	shalt  }
0x67: {  	_ =	shalt  }
0x68: {  	_ =	shalt  }
0x69: {  	_ =	shalt  }
0x6a: {  	_ =	shalt  }
0x6b: {  	_ =	shalt  }
0x6c: {  	_ =	shalt  }
0x6d: {  	_ =	shalt  }
0x6e: {  	_ =	shalt  }
0x6f: {  	_ =	shalt  }
0x70: {  	_ =	shalt  }
0x71: {  	_ =	shalt  }
0x72: {  	_ =	shalt  }
0x73: {  	_ =	shalt  }
0x74: {  	_ =	shalt  }
0x75: {  	_ =	shalt  }
0x76: {  	_ =	shalt  }
0x77: {  	_ =	shalt  }
0x78: {  	_ =	shalt  }
0x79: {  	_ =	shalt  }
0x7a: {  	_ =	shalt  }
0x7b: {  	_ =	shalt  }
0x7c: {  	_ =	shalt  }
0x7d: {  	_ =	shalt  }
0x7e: {  	_ =	shalt  }
0x7f: {  	_ =	shalt  }
0x80: {  	_ =	shalt  }
0x81: {  	_ =	shalt  }
0x82: {  	_ =	shalt  }
0x83: {  	_ =	shalt  }
0x84: {  	_ =	shalt  }
0x85: {  	_ =	shalt  }
0x86: {  	_ =	shalt  }
0x87: {  	_ =	shalt  }
.Lfunc_end0:
.L_simem_size_0:
called_computation_lowered:
.L_overlay_start_0:
0x88: {  	s2 =	sld [smem:$0x3FD9]  }
0x89: {  	s3 =	sld [smem:$0x3FFE];
	_ =	sdelay $0x1  }
0x8a: {  	s1 =	srdreg.scid  }
0x8b: {  	s0 =	sand.u32 $0x1, s1  }
0x8c: {  	s17 =	sshll.u32 s0, $0xA;
	s2 =	sadd.s32 s3, s2  }
0x8d: {  	s2 =	sadd.s32 s2, s17  }
0x8e: {  	[smem:$0x3FC5] =	sst s2  }
0x8f: {  	_ = 	snop  }
0x90: {  	s2 =	sld [smem:$0x3FC7]  }
0x91: {  	s18 =	sld [smem:$0x3FD0];
	(tm) =	ssettm $0x1  }
0x92: {  	s4 =	sld [smem:$0x3FFB];
	_ =	sdelay $0x3  }
0x93: {  	_ =	strace s4  }
0x94: {  	s4 =	sld [smem:$0x3FFC];
	_ =	sdelay $0x3  }
0x95: {  	_ =	strace s4  }
0x96: {  	s4 =	sld [smem:$0x3FFD];
	_ =	sdelay $0x3  }
0x97: {  	_ =	strace s4  }
0x98: {  	_ =	strace $0x8FFFFFFF  }
0x99: {  	s19 =	sld [smem:$0x3FDB];
	_ =	sdelay $0x1  }
0x9a: {  	s5 =	simm.s32 $_scs_section_size  }
0x9b: {  	s6 =	simm.s32 $_size__tile_overlayer_lowered;
	s7 =	simm.s32 $_tile_overlayer_lowered  }
0x9c: {  	s22 =	simm.s32 $0x1BFF;
	s21 =	sshll.u32 s7, $0x1;
	s4 =	sadd.s32 s5, s19  }
0x9d: {  	s8 =	simm.s32 $0x0;
	s20 =	sshll.u32 s6, $0x1;
	s6 =	sadd.s32 s21, s4  }
0x9e: {  	[timem:s8], [sflag:s22] =	dma.local [hbm:s6], s20  }
0x9f: {  	_ =	swait.ge [sflag:s22], s20  }
0xa0: {  	s5 =	ssub.s32 $0x0, s20;
	[sflag:s22] =	ssyncset.done $0x0  }
0xa1: {  	[sflag:s22] =	ssyncadd.s32 s5;
	_ =	sdelay $0x1  }
0xa2: {  	s23 =	simm.s32 $0x1B8B  }
0xa3: {  	_ =	swait.ge [sflag:s23], $0x1  }
0xa4: {  	[sflag:s23] =	ssyncset.done $0x0  }
0xa5: {  	s25 =	simm.s32 $0x1B8E;
	s24 =	sld [smem:$0x3FFE];
	[sflag:s23] =	ssyncadd.s32 $0xFFFFFFFF  }
0xa6: {  	s26 =	simm.s32 $execute0_lowered;
	[smem:$0x3FD2] =	sst s25  }
0xa7: {  	s6 =	sshll.u32 s26, $0x1;
	_ =	strace $0x80000046;
	[dreg:$0x1] =	wrdreg $0xFFFFFFFF  }
0xa8: {  	s28 =	simm.s32 $_size_execute0_lowered;
	s4 =	sadd.s32 s4, s6;
	[dreg:$0x0] =	wrdreg $0x0  }
0xa9: {  	s6 =	sshll.u32 s28, $0x1;
	[dreg:$0x2] =	wrdreg s4  }
0xaa: {  	[dreg:$0x3] =	wrdreg s6  }
0xab: {  	[dreg:$0x4] =	wrdreg $0xC0  }
0xac: {  	_ =	task [dreg:s8], $0x5FFFF  }
0xad: {  	[dreg:$0x1] =	wrdreg $0xFFFFFFFF  }
0xae: {  	[dreg:$0x0] =	wrdreg $0x60  }
0xaf: {  	[dreg:$0x2] =	wrdreg s24  }
0xb0: {  	[dreg:$0x3] =	wrdreg s2  }
0xb1: {  	[dreg:$0x4] =	wrdreg s18  }
0xb2: {  	[dreg:$0x5] =	wrdreg $0x9  }
0xb3: {  	_ =	task.clear_ibuf [dreg:s8], $0x6FFFF;
	_ =	strace $0x90000046  }
0xb4: {  	s29 =	simm.s32 $0x9;
	_ =	strace $0x80000048  }
0xb5: {  	_ =	swait.ge [sflag:s29], $0x1  }
0xb6: {  	[sflag:s29] =	ssyncadd.s32 $0xFFFFFFFF  }
0xb7: {  	_ =	strace $0x90000048  }
0xb8: {  	_ =	sfence  }
0xb9: {  	s30 =	sld [smem:$0x0];
	_ =	sdelay $0x2  }
0xba: {  	s31 =	sshll.u32 s1, $0xD;
	s1 =	sshrl.u32 s1, $0x2  }
0xbb: {  	s3 =	sand.u32 $0x4000, s31;
	s1 =	sadd.s32 s1, s30  }
0xbc: {  	s0 =	sor.u32 s3, s0;
	s1 =	sshll.u32 s1, $0x11  }
0xbd: {  	s0 =	sor.u32 s1, s0  }
0xbe: {  	s0 =	sadd.s32 $0x8F2B, s0  }
0xbf: {  	[sflag:s0] =	ssyncadd.remote.s32 $0x1  }
0xc0: {  	_ =	sfence.sel $0xFFFF  }
0xc1: {  	[dreg:$0x0] =	wrdreg $0xFFFFFFFF;
	(pc) =	sbr.abs _section_cstart, $3  }
0xc2: {  	[dreg:$0x1] =	wrdreg $0xFFFFFFFF  }
0xc3: {  	_ =	task.clear_ibuf [dreg:s8], $0x2FFFF;
	_ =	strace $0x9FFFFFFF  }
0xc4: {  	(tm) =	ssettm $0x7FFFFFFF  }
0xc5: {  	_ =	shalt  }
tec
execute0_lowered:
.L_overlay_start_1:
0x0: {  	(tag) =	ssettag $0x1  }
0x1: {  	s5 =	rddreg [dreg:$0x0]  }
0x2: {  	s2 =	rddreg [dreg:$0x1]  }
0x3: {  	s3 =	rddreg [dreg:$0x2]  }
0x4: {  	s0 =	rddreg [dreg:$0x3]  }
0x5: {  	s6 =	srdreg.scid;
	s1 =	stileid.u32;
	s4 =	simm.s32 $0x0  }
0x6: {  	s10 =	simm.s32 $0x5;
	s11 =	simm.s32 $0x80;
	s12 =	simm.s32 $0x1000  }
0x7: {  	s13 =	simm.s32 $0x6400;
	s14 =	simm.s32 $0x8400;
	s15 =	simm.s32 $0x1  }
0x8: {  	s16 =	simm.s32 $0xA400;
	s17 =	simm.s32 $0x400;
	s18 =	simm.s32 $0x8000  }
0x9: {  	s19 =	simm.s32 $0x2;
	s20 =	simm.s32 $0xC400;
	s21 =	simm.s32 $0x3  }
0xa: {  	v0 =	vlaneseq.u32;
	s22 =	simm.s32 $0x4;
	s23 =	simm.s32 $0x0;
	s6 =	sand.u32 $0x1, s6  }
.Ltmp0:
0xb: {  	s7 =	sshll.u32 s1, $0x1;
	[smem:$0x7FF] =	sst s4;
	v1 =	vmul.u32 $0x40, v0;
	v3 =	vor.u32 $0x10, v0;
	v5 =	vor.u32 $0x20, v0;
	(pc) =	sbr.rel .LBB2_1-.Ltmp0, $4  }
0xc: {  	v7 =	vor.u32 $0x30, v0;
	v9 =	vor.u32 $0x40, v0;
	v11 =	vor.u32 $0x50, v0;
	s7 =	sor.u32 s6, s7;
	s6 =	ssub.s32 $0x2, s6;
	_ =	strace $0x80000047  }
0xd: {  	v13 =	vor.u32 $0x60, v0;
	v15 =	vor.u32 $0x70, v0;
	s8 =	sshll.u32 s7, $0x4;
	s9 =	sshrl.u32 s6, $0x1;
	s7 =	sshll.u32 s7, $0xA;
	v2 =	vor.u32 $0x400, v1  }
0xe: {  	v4 =	vor.u32 $0x800, v1;
	v6 =	vor.u32 $0xC00, v1;
	v8 =	vor.u32 $0x1000, v1;
	s8 =	sadd.s32 s8, s5;
	s5 =	sadd.s32 $0xF42A00, s5;
	s9 =	ssub.s32 s6, s9  }
0xf: {  	v10 =	vor.u32 $0x1400, v1;
	v12 =	vor.u32 $0x1800, v1;
	v14 =	vor.u32 $0x1C00, v1;
	s6 =	sadd.s32 $0x600, s8;
	s8 =	smax.u32 s9, $0x1;
	s9 =	simm.s32 $0xE400  }
.LBB2_8:
0x10: {  	s23 =	sadd.s32 $0x1, s23  }
0x11: {  	_ =	swait.ge [sflag:s21], $0x2000;
	p0 =	sne.s32 s23, s8  }
.Ltmp1:
0x12: {  	[sflag:s21] =	ssyncset.done $0x0;
	(pc) =	sbr.rel @!p0 .LBB2_9-.Ltmp1, $4  }
0x13: {  	[sflag:s21] =	ssyncadd.s32 $0xFFFFE000  }
0x14: {  	_ =	swait.ge [sflag:s22], $0x2000  }
0x15: {  	[sflag:s22] =	ssyncset.done $0x0  }
0x16: {  	[sflag:s22] =	ssyncadd.s32 $0xFFFFE000  }
.LBB2_1:
0x17: {  	[tilespmem:s9], [sflag:$0x5] =	stream.linear.gather [hbm4b:s2+s4], $0x3200, $0x38;
	[tilespmem:$0x11600] =	vst v63  }
0x18: {  	_ =	swait.ge [sflag:s10], $0x3200  }
0x19: {  	[sflag:s10] =	ssyncset.done $0x0  }
0x1a: {  	[sflag:s10] =	ssyncadd.s32 $0xFFFFCE00  }
0x1b: {  	[tilespmem:s4], [sflag:$0x5] =	stream.strided.gather [hbm4b:s6+s11], $0x6400, s12, s11, $0x38;
	[tilespmem:$0x11600] =	vst v63  }
0x1c: {  	_ =	swait.ge [sflag:s10], $0x6400  }
0x1d: {  	[sflag:s10] =	ssyncset.done $0x0  }
0x1e: {  	[sflag:s10] =	ssyncadd.s32 $0xFFFF9C00  }
0x1f: {  	[tilespmem:s13], [sflag:$0x1] =	stream.indirect.gather [hbm4b:s5+s11], $0x40, s4, s11, $0xb8;
	[tilespmem:$0x11600] =	vst v63  }
0x20: {  	s24 =	simm.s32 $0x0  }
0x21: {  	[tilespmem:s14], [sflag:$0x2] =	stream.indirect.gather [hbm4b:s5+s11], $0x40, s11, s11, $0xb8;
	[tilespmem:$0x11600] =	vst v63  }
.LBB2_2:
0x22: {  	s25 =	simm.s32 $0x0  }
0x23: {  	s26 =	sshll.u32 s24, $0x7;
	v18 =	vadd.s32 s25, v0  }
0x24: {  	_ =	swait.ge [sflag:s15], $0x2000;
	v16 =	vmov s26;
	v19 =	vand.u32 $0xF, v18  }
0x25: {  	p0 =	seq.s32 s24, $0x0;
	[sflag:s15] =	ssyncset.done $0x0;
	v17 =	vor.u32 v16, v19  }
0x26: {  	s25 =	simm.s32 @!p0 $0x3;
	[sflag:s15] =	ssyncadd.s32 $0xFFFFE000;
	v20 =	vor.u32 v1, v19  }
0x27: {  	_ =	swait.ge @!p0 [sflag:s25], $0x2000  }
0x28: {  	[sflag:s25] =	ssyncset.done @!p0 $0x0  }
0x29: {  	[sflag:s25] =	ssyncadd.s32 @!p0 $0xFFFFE000  }
0x2a: {  	v21 =	vld.idx.msk [tilespmem:v17+s9+$0x0], $0xffff  }
0x2b: {  	v22 =	vshll.u32 v18, $0x7;
	v17 =	vld.idx.msk [tilespmem:v20+s13+$0x0], $0xffff  }
0x2c: {  	v23 =	vand.u32 $0x780, v22  }
0x2d: {  	v20 =	vor.u32 v0, v23  }
0x2e: {  	v24 =	vor.u32 v2, v19;
	_ =	sdelay $0x1  }
0x2f: {  	v17 =	vadd.f32 v17, v21;
	_ =	sdelay $0x1  }
0x30: {  	[tilespmem:v20+s16+$0x0] =	vst.idx.msk $0xffff, v17  }
0x31: {  	v17 =	vld.idx.msk [tilespmem:v24+s13+$0x0], $0xffff;
	_ =	sdelay $0x1  }
0x32: {  	v20 =	vor.u32 v3, v23  }
0x33: {  	v24 =	vor.u32 v4, v19;
	_ =	sdelay $0x1  }
0x34: {  	v17 =	vadd.f32 v17, v21;
	_ =	sdelay $0x1  }
0x35: {  	[tilespmem:v20+s16+$0x0] =	vst.idx.msk $0xffff, v17  }
0x36: {  	v17 =	vld.idx.msk [tilespmem:v24+s13+$0x0], $0xffff;
	_ =	sdelay $0x1  }
0x37: {  	v20 =	vor.u32 v5, v23  }
0x38: {  	v24 =	vor.u32 v6, v19;
	_ =	sdelay $0x1  }
0x39: {  	v17 =	vadd.f32 v17, v21;
	_ =	sdelay $0x1  }
0x3a: {  	[tilespmem:v20+s16+$0x0] =	vst.idx.msk $0xffff, v17  }
0x3b: {  	v17 =	vld.idx.msk [tilespmem:v24+s13+$0x0], $0xffff;
	_ =	sdelay $0x1  }
0x3c: {  	v20 =	vor.u32 v7, v23  }
0x3d: {  	v24 =	vor.u32 v8, v19;
	_ =	sdelay $0x1  }
0x3e: {  	v17 =	vadd.f32 v17, v21;
	_ =	sdelay $0x1  }
0x3f: {  	[tilespmem:v20+s16+$0x0] =	vst.idx.msk $0xffff, v17  }
0x40: {  	v20 =	vld.idx.msk [tilespmem:v24+s13+$0x0], $0xffff;
	_ =	sdelay $0x1  }
0x41: {  	v24 =	vor.u32 v9, v23  }
0x42: {  	s26 =	simm.s32 $0x1;
	v25 =	vor.u32 v10, v19  }
0x43: {  	v17 =	vadd.s32 s26, v0  }
0x44: {  	v26 =	vadd.f32 v20, v21;
	v20 =	vand.u32 $0xF, v17  }
0x45: {  	v27 =	vor.u32 v16, v20  }
0x46: {  	v28 =	vor.u32 v1, v20;
	[tilespmem:v24+s16+$0x0] =	vst.idx.msk $0xffff, v26  }
0x47: {  	v24 =	vld.idx.msk [tilespmem:v25+s13+$0x0], $0xffff;
	_ =	sdelay $0x1  }
0x48: {  	v25 =	vor.u32 v11, v23  }
0x49: {  	v26 =	vld.idx.msk [tilespmem:v27+s9+$0x0], $0xffff;
	v27 =	vor.u32 v12, v19  }
0x4a: {  	v30 =	vshll.u32 v17, $0x7;
	v28 =	vld.idx.msk [tilespmem:v28+s13+$0x0], $0xffff  }
0x4b: {  	v29 =	vand.u32 $0x780, v30;
	v24 =	vadd.f32 v24, v21  }
0x4c: {  	v31 =	vor.u32 v0, v29  }
0x4d: {  	[tilespmem:v25+s16+$0x0] =	vst.idx.msk $0xffff, v24;
	v24 =	vor.u32 v2, v20  }
0x4e: {  	v25 =	vld.idx.msk [tilespmem:v27+s13+$0x0], $0xffff  }
0x4f: {  	v27 =	vadd.f32 v28, v26  }
0x50: {  	v28 =	vor.u32 v13, v23  }
0x51: {  	[tilespmem:v31+s16+$0x0] =	vst.idx.msk $0xffff, v27;
	v27 =	vor.u32 v14, v19  }
0x52: {  	v24 =	vld.idx.msk [tilespmem:v24+s13+$0x0], $0xffff  }
0x53: {  	v25 =	vadd.f32 v25, v21  }
0x54: {  	v31 =	vor.u32 v3, v29  }
0x55: {  	[tilespmem:v28+s16+$0x0] =	vst.idx.msk $0xffff, v25;
	v25 =	vor.u32 v4, v20  }
0x56: {  	v27 =	vld.idx.msk [tilespmem:v27+s13+$0x0], $0xffff  }
0x57: {  	v24 =	vadd.f32 v24, v26  }
0x58: {  	v23 =	vor.u32 v15, v23;
	v28 =	vor.u32 $0x10, v18  }
0x59: {  	v32 =	vor.u32 v16, v28;
	v33 =	vand.u32 $0x1F, v28;
	[tilespmem:v31+s16+$0x0] =	vst.idx.msk $0xffff, v24  }
0x5a: {  	v24 =	vor.u32 v1, v33;
	v25 =	vld.idx.msk [tilespmem:v25+s13+$0x0], $0xffff  }
0x5b: {  	v21 =	vadd.f32 v27, v21  }
0x5c: {  	v27 =	vor.u32 v5, v29  }
0x5d: {  	v31 =	vor.u32 v6, v20;
	[tilespmem:v23+s16+$0x0] =	vst.idx.msk $0xffff, v21  }
0x5e: {  	v21 =	vshll.u32 v28, $0x7;
	v28 =	vld.idx.msk [tilespmem:v32+s9+$0x0], $0xffff  }
0x5f: {  	v23 =	vand.u32 $0x380, v22;
	v22 =	vld.idx.msk [tilespmem:v24+s13+$0x0], $0xffff;
	v21 =	vand.u32 $0xC00, v21;
	v24 =	vadd.f32 v25, v26  }
0x60: {  	v35 =	vor.u32 v23, v21  }
0x61: {  	v21 =	vor.u32 v0, v35;
	[tilespmem:v27+s16+$0x0] =	vst.idx.msk $0xffff, v24  }
0x62: {  	v24 =	vor.u32 v2, v33;
	v25 =	vld.idx.msk [tilespmem:v31+s13+$0x0], $0xffff;
	_ =	sdelay $0x1  }
0x63: {  	v27 =	vor.u32 v7, v29;
	v22 =	vadd.f32 v22, v28  }
0x64: {  	v31 =	vor.u32 v8, v20  }
0x65: {  	[tilespmem:v21+s16+$0x0] =	vst.idx.msk $0xffff, v22  }
0x66: {  	v21 =	vld.idx.msk [tilespmem:v24+s13+$0x0], $0xffff;
	v22 =	vadd.f32 v25, v26;
	_ =	sdelay $0x1  }
0x67: {  	[tilespmem:v27+s16+$0x0] =	vst.idx.msk $0xffff, v22;
	v22 =	vor.u32 v3, v35  }
0x68: {  	v25 =	vor.u32 v4, v33;
	v24 =	vld.idx.msk [tilespmem:v31+s13+$0x0], $0xffff;
	_ =	sdelay $0x1  }
0x69: {  	v27 =	vor.u32 v9, v29;
	v21 =	vadd.f32 v21, v28  }
0x6a: {  	s28 =	simm.s32 $0x2;
	v62 =	vor.u32 v10, v20  }
0x6b: {  	[tilespmem:v22+s16+$0x0] =	vst.idx.msk $0xffff, v21;
	v22 =	vadd.s32 s28, v0  }
0x6c: {  	v21 =	vadd.f32 v24, v26;
	v24 =	vld.idx.msk [tilespmem:v25+s13+$0x0], $0xffff;
	v31 =	vand.u32 $0xF, v22  }
0x6d: {  	v25 =	vor.u32 v16, v31  }
0x6e: {  	v34 =	vor.u32 v1, v31;
	[tilespmem:v27+s16+$0x0] =	vst.idx.msk $0xffff, v21;
	v21 =	vor.u32 v5, v35  }
0x6f: {  	v36 =	vor.u32 v6, v33;
	v32 =	vld.idx.msk [tilespmem:v62+s13+$0x0], $0xffff;
	_ =	sdelay $0x1  }
0x70: {  	v37 =	vor.u32 v11, v29;
	v38 =	vadd.f32 v24, v28  }
0x71: {  	v27 =	vld.idx.msk [tilespmem:v25+s9+$0x0], $0xffff;
	v25 =	vor.u32 v12, v20  }
0x72: {  	v24 =	vshll.u32 v22, $0x7;
	v34 =	vld.idx.msk [tilespmem:v34+s13+$0x0], $0xffff;
	[tilespmem:v21+s16+$0x0] =	vst.idx.msk $0xffff, v38  }
0x73: {  	v21 =	vadd.f32 v32, v26;
	v36 =	vld.idx.msk [tilespmem:v36+s13+$0x0], $0xffff;
	v32 =	vand.u32 $0x780, v24  }
0x74: {  	v63 =	vor.u32 v0, v32  }
0x75: {  	v44 =	vor.u32 v7, v35;
	[tilespmem:v37+s16+$0x0] =	vst.idx.msk $0xffff, v21;
	v21 =	vor.u32 v2, v31  }
0x76: {  	v39 =	vor.u32 v8, v33;
	v25 =	vld.idx.msk [tilespmem:v25+s13+$0x0], $0xffff  }
0x77: {  	v34 =	vadd.f32 v34, v27  }
0x78: {  	v40 =	vor.u32 v13, v29;
	v36 =	vadd.f32 v36, v28  }
0x79: {  	v45 =	vor.u32 v14, v20;
	[tilespmem:v63+s16+$0x0] =	vst.idx.msk $0xffff, v34  }
0x7a: {  	v21 =	vld.idx.msk [tilespmem:v21+s13+$0x0], $0xffff;
	[tilespmem:v44+s16+$0x0] =	vst.idx.msk $0xffff, v36  }
0x7b: {  	v25 =	vadd.f32 v25, v26;
	v36 =	vld.idx.msk [tilespmem:v39+s13+$0x0], $0xffff  }
0x7c: {  	v46 =	vor.u32 v3, v32  }
0x7d: {  	v47 =	vor.u32 v9, v35;
	[tilespmem:v40+s16+$0x0] =	vst.idx.msk $0xffff, v25;
	v25 =	vor.u32 v4, v31  }
0x7e: {  	v48 =	vor.u32 v10, v33;
	v34 =	vld.idx.msk [tilespmem:v45+s13+$0x0], $0xffff  }
0x7f: {  	v21 =	vadd.f32 v21, v27  }
0x80: {  	v49 =	vor.u32 $0x10, v17;
	v41 =	vor.u32 v15, v29;
	v36 =	vadd.f32 v36, v28  }
0x81: {  	v42 =	vor.u32 v16, v49;
	v29 =	vand.u32 $0x1F, v49;
	[tilespmem:v46+s16+$0x0] =	vst.idx.msk $0xffff, v21  }
0x82: {  	v50 =	vor.u32 v1, v29;
	v25 =	vld.idx.msk [tilespmem:v25+s13+$0x0], $0xffff;
	[tilespmem:v47+s16+$0x0] =	vst.idx.msk $0xffff, v36  }
0x83: {  	v21 =	vadd.f32 v34, v26;
	v51 =	vld.idx.msk [tilespmem:v48+s13+$0x0], $0xffff  }
0x84: {  	v52 =	vor.u32 v5, v32  }
0x85: {  	v54 =	vor.u32 v11, v35;
	v53 =	vor.u32 v6, v31;
	[tilespmem:v41+s16+$0x0] =	vst.idx.msk $0xffff, v21  }
0x86: {  	v55 =	vor.u32 v12, v33;
	v40 =	vshll.u32 v49, $0x7;
	v26 =	vld.idx.msk [tilespmem:v42+s9+$0x0], $0xffff  }
0x87: {  	v56 =	vand.u32 $0xC00, v40;
	v21 =	vand.u32 $0x380, v30;
	v30 =	vld.idx.msk [tilespmem:v50+s13+$0x0], $0xffff;
	v57 =	vadd.f32 v25, v27  }
0x88: {  	v25 =	vor.u32 v21, v56;
	v34 =	vadd.f32 v51, v28  }
0x89: {  	v58 =	vor.u32 v0, v25;
	[tilespmem:v52+s16+$0x0] =	vst.idx.msk $0xffff, v57  }
0x8a: {  	v59 =	vor.u32 v2, v29;
	v38 =	vld.idx.msk [tilespmem:v53+s13+$0x0], $0xffff;
	[tilespmem:v54+s16+$0x0] =	vst.idx.msk $0xffff, v34  }
0x8b: {  	v34 =	vld.idx.msk [tilespmem:v55+s13+$0x0], $0xffff  }
0x8c: {  	v60 =	vor.u32 v7, v32;
	v30 =	vadd.f32 v30, v26  }
0x8d: {  	v61 =	vor.u32 v8, v31;
	v62 =	vor.u32 v13, v35  }
0x8e: {  	[tilespmem:v58+s16+$0x0] =	vst.idx.msk $0xffff, v30;
	v30 =	vor.u32 v14, v33  }
0x8f: {  	v63 =	vld.idx.msk [tilespmem:v59+s13+$0x0], $0xffff;
	v43 =	vadd.f32 v38, v27  }
0x90: {  	v34 =	vadd.f32 v34, v28  }
0x91: {  	v44 =	vor.u32 v3, v25;
	[tilespmem:v60+s16+$0x0] =	vst.idx.msk $0xffff, v43  }
0x92: {  	v46 =	vor.u32 v4, v29;
	v45 =	vld.idx.msk [tilespmem:v61+s13+$0x0], $0xffff;
	[tilespmem:v62+s16+$0x0] =	vst.idx.msk $0xffff, v34  }
0x93: {  	v47 =	vand.u32 $0x7, v18;
	v48 =	vor.u32 $0x20, v19;
	v49 =	vld.idx.msk [tilespmem:v30+s13+$0x0], $0xffff  }
0x94: {  	v50 =	vor.u32 v9, v32;
	v19 =	vadd.f32 v63, v26;
	v30 =	vand.u32 $0x28, v48  }
0x95: {  	s29 =	simm.s32 $0x3;
	v35 =	vor.u32 v15, v35;
	v51 =	vor.u32 v10, v31;
	v34 =	vor.u32 v47, v30  }
0x96: {  	[tilespmem:v44+s16+$0x0] =	vst.idx.msk $0xffff, v19;
	v19 =	vadd.s32 s29, v0;
	v52 =	vor.u32 v16, v34  }
0x97: {  	v53 =	vor.u32 v1, v34;
	v38 =	vld.idx.msk [tilespmem:v46+s13+$0x0], $0xffff;
	v30 =	vand.u32 $0xF, v19;
	v37 =	vadd.f32 v45, v27  }
0x98: {  	v54 =	vor.u32 v16, v30;
	v28 =	vadd.f32 v49, v28  }
0x99: {  	v55 =	vor.u32 v5, v25;
	v44 =	vor.u32 v1, v30;
	[tilespmem:v50+s16+$0x0] =	vst.idx.msk $0xffff, v37  }
0x9a: {  	v56 =	vor.u32 v6, v29;
	v41 =	vld.idx.msk [tilespmem:v51+s13+$0x0], $0xffff;
	[tilespmem:v35+s16+$0x0] =	vst.idx.msk $0xffff, v28  }
0x9b: {  	v57 =	vshll.u32 v48, $0x7;
	v33 =	vld.idx.msk [tilespmem:v52+s9+$0x0], $0xffff  }
0x9c: {  	v58 =	vor.u32 v11, v32;
	v59 =	vand.u32 $0x1400, v57;
	v45 =	vld.idx.msk [tilespmem:v53+s13+$0x0], $0xffff;
	v38 =	vadd.f32 v38, v26  }
0x9d: {  	v60 =	vor.u32 v12, v31;
	v43 =	vor.u32 v23, v59;
	v36 =	vld.idx.msk [tilespmem:v54+s9+$0x0], $0xffff  }
0x9e: {  	v61 =	vor.u32 v0, v43;
	v28 =	vshll.u32 v19, $0x7;
	v44 =	vld.idx.msk [tilespmem:v44+s13+$0x0], $0xffff;
	[tilespmem:v55+s16+$0x0] =	vst.idx.msk $0xffff, v38  }
0x9f: {  	v63 =	vor.u32 v2, v34;
	v42 =	vand.u32 $0x780, v28;
	v35 =	vld.idx.msk [tilespmem:v56+s13+$0x0], $0xffff;
	v62 =	vadd.f32 v41, v27  }
0xa0: {  	v48 =	vor.u32 v7, v25;
	v46 =	vor.u32 v0, v42  }
0xa1: {  	v47 =	vor.u32 v2, v30;
	v50 =	vadd.f32 v45, v33;
	[tilespmem:v58+s16+$0x0] =	vst.idx.msk $0xffff, v62  }
0xa2: {  	v51 =	vor.u32 v8, v29;
	v40 =	vld.idx.msk [tilespmem:v60+s13+$0x0], $0xffff  }
0xa3: {  	v44 =	vadd.f32 v44, v36;
	[tilespmem:v61+s16+$0x0] =	vst.idx.msk $0xffff, v50  }
0xa4: {  	v52 =	vor.u32 v13, v32;
	v35 =	vadd.f32 v35, v26;
	v37 =	vld.idx.msk [tilespmem:v63+s13+$0x0], $0xffff  }
0xa5: {  	v53 =	vor.u32 v14, v31;
	[tilespmem:v46+s16+$0x0] =	vst.idx.msk $0xffff, v44  }
0xa6: {  	v54 =	vor.u32 v3, v43;
	v44 =	vld.idx.msk [tilespmem:v47+s13+$0x0], $0xffff;
	[tilespmem:v48+s16+$0x0] =	vst.idx.msk $0xffff, v35  }
0xa7: {  	v55 =	vor.u32 v4, v34;
	v39 =	vld.idx.msk [tilespmem:v51+s13+$0x0], $0xffff;
	v40 =	vadd.f32 v40, v27  }
0xa8: {  	v57 =	vor.u32 v4, v30;
	v56 =	vor.u32 v3, v42  }
0xa9: {  	v58 =	vor.u32 v9, v25;
	v37 =	vadd.f32 v37, v33;
	[tilespmem:v52+s16+$0x0] =	vst.idx.msk $0xffff, v40  }
0xaa: {  	v59 =	vor.u32 v10, v29;
	v41 =	vld.idx.msk [tilespmem:v53+s13+$0x0], $0xffff  }
0xab: {  	v60 =	vadd.f32 v44, v36;
	[tilespmem:v54+s16+$0x0] =	vst.idx.msk $0xffff, v37  }
0xac: {  	v32 =	vor.u32 v15, v32;
	v62 =	vor.u32 $0x10, v22;
	v61 =	vadd.f32 v39, v26;
	v63 =	vld.idx.msk [tilespmem:v55+s13+$0x0], $0xffff  }
0xad: {  	v38 =	vand.u32 $0x1F, v62;
	v52 =	vor.u32 v16, v62;
	[tilespmem:v56+s16+$0x0] =	vst.idx.msk $0xffff, v60  }
0xae: {  	v54 =	vor.u32 v1, v38;
	v55 =	vor.u32 v5, v43;
	v53 =	vld.idx.msk [tilespmem:v57+s13+$0x0], $0xffff;
	[tilespmem:v58+s16+$0x0] =	vst.idx.msk $0xffff, v61  }
0xaf: {  	v56 =	vor.u32 v6, v34;
	v40 =	vld.idx.msk [tilespmem:v59+s13+$0x0], $0xffff;
	v27 =	vadd.f32 v41, v27  }
0xb0: {  	v49 =	vor.u32 v11, v25;
	v57 =	vor.u32 v5, v42  }
0xb1: {  	v58 =	vor.u32 v6, v30;
	[tilespmem:v32+s16+$0x0] =	vst.idx.msk $0xffff, v27;
	v27 =	vadd.f32 v63, v33  }
0xb2: {  	v37 =	vshll.u32 v62, $0x7;
	v59 =	vor.u32 v12, v29;
	v39 =	vld.idx.msk [tilespmem:v52+s9+$0x0], $0xffff  }
0xb3: {  	v24 =	vand.u32 $0x380, v24;
	v37 =	vand.u32 $0xC00, v37;
	v60 =	vadd.f32 v53, v36;
	v35 =	vld.idx.msk [tilespmem:v54+s13+$0x0], $0xffff;
	[tilespmem:v55+s16+$0x0] =	vst.idx.msk $0xffff, v27  }
0xb4: {  	v41 =	vor.u32 v24, v37;
	v27 =	vadd.f32 v40, v26;
	v61 =	vld.idx.msk [tilespmem:v56+s13+$0x0], $0xffff  }
0xb5: {  	v37 =	vor.u32 v0, v41;
	[tilespmem:v57+s16+$0x0] =	vst.idx.msk $0xffff, v60  }
0xb6: {  	v62 =	vor.u32 v7, v43;
	v44 =	vld.idx.msk [tilespmem:v58+s13+$0x0], $0xffff;
	[tilespmem:v49+s16+$0x0] =	vst.idx.msk $0xffff, v27;
	v27 =	vor.u32 v2, v38  }
0xb7: {  	v63 =	vor.u32 v8, v34;
	v32 =	vld.idx.msk [tilespmem:v59+s13+$0x0], $0xffff  }
0xb8: {  	v52 =	vor.u32 v7, v42;
	v35 =	vadd.f32 v35, v39  }
0xb9: {  	v53 =	vor.u32 v8, v30;
	v54 =	vor.u32 v13, v25;
	v40 =	vadd.f32 v61, v33  }
0xba: {  	v29 =	vor.u32 v14, v29;
	[tilespmem:v37+s16+$0x0] =	vst.idx.msk $0xffff, v35  }
0xbb: {  	v55 =	vadd.f32 v44, v36;
	v27 =	vld.idx.msk [tilespmem:v27+s13+$0x0], $0xffff;
	[tilespmem:v62+s16+$0x0] =	vst.idx.msk $0xffff, v40  }
0xbc: {  	v32 =	vadd.f32 v32, v26;
	v56 =	vld.idx.msk [tilespmem:v63+s13+$0x0], $0xffff  }
0xbd: {  	v57 =	vor.u32 v3, v41;
	v60 =	vor.u32 v9, v43;
	[tilespmem:v52+s16+$0x0] =	vst.idx.msk $0xffff, v55  }
0xbe: {  	v20 =	vor.u32 $0x20, v20;
	v58 =	vand.u32 $0x7, v17;
	v62 =	vor.u32 v4, v38;
	v59 =	vld.idx.msk [tilespmem:v53+s13+$0x0], $0xffff;
	[tilespmem:v54+s16+$0x0] =	vst.idx.msk $0xffff, v32  }
0xbf: {  	v61 =	vor.u32 v10, v30;
	v52 =	vor.u32 v10, v34;
	v63 =	vand.u32 $0x28, v20;
	v29 =	vld.idx.msk [tilespmem:v29+s13+$0x0], $0xffff  }
0xc0: {  	s30 =	simm.s32 $0x4;
	v53 =	vor.u32 v9, v42;
	v54 =	vor.u32 v15, v25;
	v50 =	vadd.f32 v27, v39  }
0xc1: {  	v25 =	vadd.s32 s30, v0;
	v27 =	vor.u32 v58, v63;
	v37 =	vadd.f32 v56, v33  }
0xc2: {  	v32 =	vand.u32 $0xF, v25;
	v47 =	vor.u32 v16, v27;
	[tilespmem:v57+s16+$0x0] =	vst.idx.msk $0xffff, v50  }
0xc3: {  	v55 =	vadd.f32 v59, v36;
	v56 =	vor.u32 v1, v27;
	v62 =	vld.idx.msk [tilespmem:v62+s13+$0x0], $0xffff;
	[tilespmem:v60+s16+$0x0] =	vst.idx.msk $0xffff, v37  }
0xc4: {  	v57 =	vor.u32 v16, v32;
	v26 =	vadd.f32 v29, v26;
	v63 =	vld.idx.msk [tilespmem:v52+s13+$0x0], $0xffff  }
0xc5: {  	v20 =	vshll.u32 v20, $0x7;
	v58 =	vor.u32 v1, v32;
	v59 =	vor.u32 v5, v41;
	[tilespmem:v53+s16+$0x0] =	vst.idx.msk $0xffff, v55  }
0xc6: {  	v60 =	vor.u32 v6, v38;
	v45 =	vld.idx.msk [tilespmem:v61+s13+$0x0], $0xffff;
	v61 =	vor.u32 v11, v43;
	[tilespmem:v54+s16+$0x0] =	vst.idx.msk $0xffff, v26  }
0xc7: {  	v51 =	vor.u32 v12, v34;
	v20 =	vand.u32 $0x1400, v20;
	v26 =	vld.idx.msk [tilespmem:v47+s9+$0x0], $0xffff  }
0xc8: {  	v35 =	vshll.u32 v25, $0x7;
	v52 =	vor.u32 v11, v42;
	v44 =	vld.idx.msk [tilespmem:v56+s13+$0x0], $0xffff;
	v53 =	vadd.f32 v62, v39  }
0xc9: {  	v29 =	vor.u32 v21, v20;
	v54 =	vor.u32 v12, v30;
	v37 =	vld.idx.msk [tilespmem:v57+s9+$0x0], $0xffff;
	v20 =	vadd.f32 v63, v33  }
0xca: {  	v40 =	vand.u32 $0x780, v35;
	v62 =	vor.u32 v0, v29;
	v63 =	vld.idx.msk [tilespmem:v58+s13+$0x0], $0xffff;
	[tilespmem:v59+s16+$0x0] =	vst.idx.msk $0xffff, v53  }
0xcb: {  	v50 =	vor.u32 v2, v27;
	v45 =	vadd.f32 v45, v36;
	v49 =	vld.idx.msk [tilespmem:v60+s13+$0x0], $0xffff;
	[tilespmem:v61+s16+$0x0] =	vst.idx.msk $0xffff, v20  }
0xcc: {  	v56 =	vor.u32 v0, v40;
	v57 =	vor.u32 v2, v32;
	v20 =	vld.idx.msk [tilespmem:v51+s13+$0x0], $0xffff  }
0xcd: {  	v58 =	vor.u32 v7, v41;
	[tilespmem:v52+s16+$0x0] =	vst.idx.msk $0xffff, v45;
	v44 =	vadd.f32 v44, v26  }
0xce: {  	v59 =	vor.u32 v8, v38;
	v60 =	vor.u32 v13, v43;
	v61 =	vld.idx.msk [tilespmem:v54+s13+$0x0], $0xffff  }
0xcf: {  	v34 =	vor.u32 v14, v34;
	[tilespmem:v62+s16+$0x0] =	vst.idx.msk $0xffff, v44;
	v62 =	vadd.f32 v63, v37  }
0xd0: {  	v63 =	vor.u32 v13, v42;
	v50 =	vld.idx.msk [tilespmem:v50+s13+$0x0], $0xffff;
	v49 =	vadd.f32 v49, v39  }
0xd1: {  	[tilespmem:v56+s16+$0x0] =	vst.idx.msk $0xffff, v62;
	v56 =	vor.u32 v14, v30;
	v20 =	vadd.f32 v20, v33  }
0xd2: {  	v45 =	vld.idx.msk [tilespmem:v57+s13+$0x0], $0xffff;
	[tilespmem:v58+s16+$0x0] =	vst.idx.msk $0xffff, v49;
	v57 =	vor.u32 v3, v29  }
0xd3: {  	v58 =	vadd.f32 v61, v36;
	v61 =	vor.u32 v4, v27;
	v59 =	vld.idx.msk [tilespmem:v59+s13+$0x0], $0xffff;
	[tilespmem:v60+s16+$0x0] =	vst.idx.msk $0xffff, v20  }
0xd4: {  	v53 =	vor.u32 v3, v40;
	v62 =	vor.u32 v4, v32;
	v44 =	vld.idx.msk [tilespmem:v34+s13+$0x0], $0xffff  }
0xd5: {  	v18 =	vor.u32 $0x30, v18;
	[tilespmem:v63+s16+$0x0] =	vst.idx.msk $0xffff, v58;
	v20 =	vadd.f32 v50, v26;
	v63 =	vor.u32 v9, v41  }
0xd6: {  	v55 =	vor.u32 v16, v18;
	v43 =	vor.u32 v15, v43;
	v60 =	vor.u32 v10, v38;
	v46 =	vld.idx.msk [tilespmem:v56+s13+$0x0], $0xffff  }
0xd7: {  	v42 =	vor.u32 v15, v42;
	[tilespmem:v57+s16+$0x0] =	vst.idx.msk $0xffff, v20;
	v45 =	vadd.f32 v45, v37;
	v20 =	vand.u32 $0x3F, v18  }
0xd8: {  	v50 =	vor.u32 $0x10, v19;
	v47 =	vld.idx.msk [tilespmem:v61+s13+$0x0], $0xffff;
	v51 =	vadd.f32 v59, v39;
	v61 =	vor.u32 v1, v20  }
0xd9: {  	v34 =	vand.u32 $0x1F, v50;
	v56 =	vor.u32 v16, v50;
	[tilespmem:v53+s16+$0x0] =	vst.idx.msk $0xffff, v45;
	v33 =	vadd.f32 v44, v33  }
0xda: {  	v44 =	vor.u32 v1, v34;
	v45 =	vld.idx.msk [tilespmem:v62+s13+$0x0], $0xffff;
	[tilespmem:v63+s16+$0x0] =	vst.idx.msk $0xffff, v51;
	v62 =	vor.u32 v5, v29  }
0xdb: {  	v63 =	vor.u32 v6, v27;
	v36 =	vadd.f32 v46, v36;
	v46 =	vld.idx.msk [tilespmem:v60+s13+$0x0], $0xffff;
	[tilespmem:v43+s16+$0x0] =	vst.idx.msk $0xffff, v33  }
0xdc: {  	v28 =	vand.u32 $0x380, v28;
	v54 =	vshll.u32 v18, $0x7;
	v57 =	vshll.u32 v50, $0x7;
	v18 =	vld.idx.msk [tilespmem:v55+s9+$0x0], $0xffff  }
0xdd: {  	v51 =	vor.u32 v5, v40;
	[tilespmem:v42+s16+$0x0] =	vst.idx.msk $0xffff, v36;
	v58 =	vadd.f32 v47, v26;
	v42 =	vld.idx.msk [tilespmem:v61+s13+$0x0], $0xffff  }
0xde: {  	v50 =	vor.u32 v6, v32;
	v59 =	vand.u32 $0x1C00, v54;
	v60 =	vor.u32 v11, v41;
	v33 =	vld.idx.msk [tilespmem:v56+s9+$0x0], $0xffff  }
0xdf: {  	v23 =	vor.u32 v23, v59;
	v61 =	vor.u32 v12, v38;
	v44 =	vld.idx.msk [tilespmem:v44+s13+$0x0], $0xffff;
	[tilespmem:v62+s16+$0x0] =	vst.idx.msk $0xffff, v58  }
0xe0: {  	v43 =	vand.u32 $0xC00, v57;
	v45 =	vadd.f32 v45, v37;
	v62 =	vld.idx.msk [tilespmem:v63+s13+$0x0], $0xffff;
	v63 =	vor.u32 v0, v23  }
0xe1: {  	v36 =	vor.u32 v28, v43;
	v56 =	vor.u32 v2, v20;
	v55 =	vadd.f32 v46, v39  }
0xe2: {  	v59 =	vor.u32 v7, v29;
	v57 =	vor.u32 v0, v36;
	[tilespmem:v51+s16+$0x0] =	vst.idx.msk $0xffff, v45  }
0xe3: {  	v58 =	vor.u32 v2, v34;
	v50 =	vld.idx.msk [tilespmem:v50+s13+$0x0], $0xffff;
	[tilespmem:v60+s16+$0x0] =	vst.idx.msk $0xffff, v55;
	v42 =	vadd.f32 v42, v18  }
0xe4: {  	v60 =	vor.u32 v8, v27;
	v52 =	vld.idx.msk [tilespmem:v61+s13+$0x0], $0xffff  }
0xe5: {  	v61 =	vor.u32 v7, v40;
	v44 =	vadd.f32 v44, v33;
	[tilespmem:v63+s16+$0x0] =	vst.idx.msk $0xffff, v42  }
0xe6: {  	v48 =	vor.u32 v8, v32;
	v47 =	vadd.f32 v62, v26;
	v46 =	vld.idx.msk [tilespmem:v56+s13+$0x0], $0xffff;
	v56 =	vor.u32 v13, v41  }
0xe7: {  	v38 =	vor.u32 v14, v38;
	[tilespmem:v57+s16+$0x0] =	vst.idx.msk $0xffff, v44  }
0xe8: {  	v63 =	vor.u32 v3, v23;
	v45 =	vld.idx.msk [tilespmem:v58+s13+$0x0], $0xffff;
	[tilespmem:v59+s16+$0x0] =	vst.idx.msk $0xffff, v47;
	v62 =	vadd.f32 v50, v37  }
0xe9: {  	v58 =	vor.u32 v4, v20;
	v43 =	vld.idx.msk [tilespmem:v60+s13+$0x0], $0xffff;
	v57 =	vadd.f32 v52, v39  }
0xea: {  	v54 =	vor.u32 v10, v27;
	v53 =	vor.u32 $0x20, v31;
	v59 =	vor.u32 v3, v36;
	[tilespmem:v61+s16+$0x0] =	vst.idx.msk $0xffff, v62  }
0xeb: {  	v61 =	vor.u32 v9, v29;
	v48 =	vld.idx.msk [tilespmem:v48+s13+$0x0], $0xffff;
	[tilespmem:v56+s16+$0x0] =	vst.idx.msk $0xffff, v57;
	v31 =	vadd.f32 v46, v18  }
0xec: {  	v44 =	vor.u32 v10, v32;
	v60 =	vand.u32 $0x7, v22;
	v46 =	vor.u32 v4, v34;
	v50 =	vld.idx.msk [tilespmem:v38+s13+$0x0], $0xffff  }
0xed: {  	v62 =	vand.u32 $0x28, v53;
	v45 =	vadd.f32 v45, v33;
	[tilespmem:v63+s16+$0x0] =	vst.idx.msk $0xffff, v31;
	v63 =	vor.u32 v9, v40  }
0xee: {  	v41 =	vor.u32 v15, v41;
	v38 =	vor.u32 v60, v62;
	v43 =	vadd.f32 v43, v26;
	v51 =	vld.idx.msk [tilespmem:v58+s13+$0x0], $0xffff  }
0xef: {  	s31 =	simm.s32 $0x5;
	v57 =	vor.u32 v16, v38;
	[tilespmem:v59+s16+$0x0] =	vst.idx.msk $0xffff, v45;
	v58 =	vor.u32 v5, v23  }
0xf0: {  	v31 =	vadd.s32 s31, v0;
	[tilespmem:v61+s16+$0x0] =	vst.idx.msk $0xffff, v43;
	v60 =	vadd.f32 v48, v37;
	v61 =	vor.u32 v1, v38  }
0xf1: {  	v45 =	vand.u32 $0xF, v31;
	v59 =	vor.u32 v6, v20;
	v46 =	vld.idx.msk [tilespmem:v46+s13+$0x0], $0xffff;
	v39 =	vadd.f32 v50, v39  }
0xf2: {  	v56 =	vor.u32 v16, v45;
	v55 =	vor.u32 v1, v45;
	v42 =	vld.idx.msk [tilespmem:v54+s13+$0x0], $0xffff;
	[tilespmem:v63+s16+$0x0] =	vst.idx.msk $0xffff, v60  }
0xf3: {  	v50 =	vor.u32 v5, v36;
	v52 =	vld.idx.msk [tilespmem:v44+s13+$0x0], $0xffff;
	[tilespmem:v41+s16+$0x0] =	vst.idx.msk $0xffff, v39;
	v62 =	vadd.f32 v51, v18  }
0xf4: {  	v49 =	vor.u32 v6, v34;
	v43 =	vor.u32 v11, v29;
	v54 =	vor.u32 v11, v40;
	v39 =	vld.idx.msk [tilespmem:v57+s9+$0x0], $0xffff  }
0xf5: {  	v63 =	vshll.u32 v53, $0x7;
	v44 =	vor.u32 v12, v27;
	v47 =	vld.idx.msk [tilespmem:v61+s13+$0x0], $0xffff;
	[tilespmem:v58+s16+$0x0] =	vst.idx.msk $0xffff, v62  }
0xf6: {  	s25 =	sshll.u32 s24, $0x1;
	s26 =	simm.s32 $0x6;
	v51 =	vshll.u32 v31, $0x7;
	v48 =	vand.u32 $0x1400, v63;
	v53 =	vadd.f32 v46, v33;
	v41 =	vld.idx.msk [tilespmem:v59+s13+$0x0], $0xffff  }
.LBB2_3:
0xf7: {  	p1 =	sne.s32 s26, $0xF;
	v56 =	vld.idx.msk [tilespmem:v56+s9+$0x0], $0xffff;
	v57 =	vor.u32 v12, v32;
	v48 =	vor.u32 v24, v48;
	v42 =	vadd.f32 v42, v26  }
0xf8: {  	v55 =	vld.idx.msk [tilespmem:v55+s13+$0x0], $0xffff;
	[tilespmem:v50+s16+$0x0] =	vst.idx.msk $0xffff, v53;
	v50 =	vor.u32 v0, v48;
	v53 =	vor.u32 v7, v23  }
0xf9: {  	v58 =	vor.u32 v2, v38;
	v59 =	vadd.f32 v52, v37;
	v49 =	vld.idx.msk [tilespmem:v49+s13+$0x0], $0xffff;
	[tilespmem:v43+s16+$0x0] =	vst.idx.msk $0xffff, v42  }
0xfa: {  	v46 =	vmovc v45;
	v45 =	vmovc v26;
	v42 =	vand.u32 $0x780, v51;
	v26 =	vmov v39;
	v43 =	vld.idx.msk [tilespmem:v44+s13+$0x0], $0xffff;
	v44 =	vor.u32 v8, v20  }
0xfb: {  	v52 =	vmov v35;
	v39 =	vor.u32 v0, v42;
	v47 =	vadd.f32 v47, v26;
	[tilespmem:v54+s16+$0x0] =	vst.idx.msk $0xffff, v59  }
0xfc: {  	v54 =	vor.u32 v2, v46;
	v59 =	vor.u32 v7, v36;
	v41 =	vadd.f32 v41, v18;
	v57 =	vld.idx.msk [tilespmem:v57+s13+$0x0], $0xffff  }
0xfd: {  	v60 =	vor.u32 v8, v34;
	v35 =	vmov v51;
	[tilespmem:v50+s16+$0x0] =	vst.idx.msk $0xffff, v47;
	v47 =	vor.u32 v13, v29  }
0xfe: {  	v50 =	vadd.f32 v55, v56;
	v55 =	vor.u32 v14, v27;
	v51 =	vld.idx.msk [tilespmem:v58+s13+$0x0], $0xffff;
	[tilespmem:v53+s16+$0x0] =	vst.idx.msk $0xffff, v41  }
0xff: {  	v27 =	vmovc v38;
	v41 =	vor.u32 v13, v40;
	v49 =	vadd.f32 v49, v33;
	v53 =	vor.u32 $0x30, v17;
	v44 =	vld.idx.msk [tilespmem:v44+s13+$0x0], $0xffff  }
0x100: {  	v38 =	vor.u32 v14, v32;
	v17 =	vadd.f32 v43, v45;
	[tilespmem:v39+s16+$0x0] =	vst.idx.msk $0xffff, v50;
	v39 =	vor.u32 $0x10, v25  }
0x101: {  	v50 =	vor.u32 v9, v23;
	v43 =	vld.idx.msk [tilespmem:v54+s13+$0x0], $0xffff;
	[tilespmem:v59+s16+$0x0] =	vst.idx.msk $0xffff, v49;
	v49 =	vor.u32 v3, v48  }
0x102: {  	v58 =	vor.u32 v4, v27;
	v54 =	vadd.f32 v57, v37;
	v57 =	vld.idx.msk [tilespmem:v60+s13+$0x0], $0xffff;
	[tilespmem:v47+s16+$0x0] =	vst.idx.msk $0xffff, v17  }
0x103: {  	v59 =	vor.u32 v16, v53;
	v47 =	vor.u32 v16, v39;
	v60 =	vor.u32 v10, v20;
	v55 =	vld.idx.msk [tilespmem:v55+s13+$0x0], $0xffff  }
0x104: {  	v61 =	vor.u32 v3, v42;
	v17 =	vmov v22;
	[tilespmem:v41+s16+$0x0] =	vst.idx.msk $0xffff, v54;
	v41 =	vadd.f32 v51, v26  }
0x105: {  	v22 =	vor.u32 v4, v46;
	v51 =	vor.u32 v9, v36;
	v44 =	vadd.f32 v44, v18;
	v38 =	vld.idx.msk [tilespmem:v38+s13+$0x0], $0xffff  }
0x106: {  	v29 =	vor.u32 v15, v29;
	v54 =	vor.u32 v10, v34;
	[tilespmem:v49+s16+$0x0] =	vst.idx.msk $0xffff, v41;
	v41 =	vshll.u32 v53, $0x7  }
0x107: {  	v43 =	vadd.f32 v43, v56;
	v49 =	vand.u32 $0x1F, v39;
	v53 =	vand.u32 $0x3F, v53;
	v58 =	vld.idx.msk [tilespmem:v58+s13+$0x0], $0xffff;
	[tilespmem:v50+s16+$0x0] =	vst.idx.msk $0xffff, v44  }
0x108: {  	v40 =	vor.u32 v15, v40;
	v44 =	vadd.f32 v57, v33;
	v50 =	vor.u32 v1, v53;
	v57 =	vld.idx.msk [tilespmem:v60+s13+$0x0], $0xffff  }
0x109: {  	v39 =	vshll.u32 v39, $0x7;
	v45 =	vadd.f32 v55, v45;
	[tilespmem:v61+s16+$0x0] =	vst.idx.msk $0xffff, v43;
	v43 =	vor.u32 v1, v49  }
0x10a: {  	v22 =	vld.idx.msk [tilespmem:v22+s13+$0x0], $0xffff;
	[tilespmem:v51+s16+$0x0] =	vst.idx.msk $0xffff, v44;
	v44 =	vor.u32 v5, v48;
	v51 =	vor.u32 v11, v23  }
0x10b: {  	v55 =	vor.u32 v6, v27;
	v38 =	vadd.f32 v38, v37;
	v54 =	vld.idx.msk [tilespmem:v54+s13+$0x0], $0xffff;
	[tilespmem:v29+s16+$0x0] =	vst.idx.msk $0xffff, v45  }
0x10c: {  	v37 =	vmovc v56;
	v45 =	vor.u32 v6, v46;
	v29 =	vand.u32 $0x1C00, v41;
	v41 =	vor.u32 v12, v20;
	v59 =	vld.idx.msk [tilespmem:v59+s9+$0x0], $0xffff  }
0x10d: {  	v56 =	vor.u32 v5, v42;
	[tilespmem:v40+s16+$0x0] =	vst.idx.msk $0xffff, v38;
	v38 =	vadd.f32 v58, v26;
	v40 =	vld.idx.msk [tilespmem:v50+s13+$0x0], $0xffff  }
0x10e: {  	v50 =	vor.u32 v11, v36;
	v58 =	vor.u32 v12, v34;
	v57 =	vadd.f32 v57, v18;
	v47 =	vld.idx.msk [tilespmem:v47+s9+$0x0], $0xffff  }
0x10f: {  	v52 =	vand.u32 $0x380, v52;
	v39 =	vand.u32 $0xC00, v39;
	v43 =	vld.idx.msk [tilespmem:v43+s13+$0x0], $0xffff;
	[tilespmem:v44+s16+$0x0] =	vst.idx.msk $0xffff, v38;
	v44 =	vor.u32 v21, v29  }
0x110: {  	v21 =	vadd.f32 v22, v37;
	v22 =	vld.idx.msk [tilespmem:v55+s13+$0x0], $0xffff;
	v38 =	vor.u32 v0, v44;
	[tilespmem:v51+s16+$0x0] =	vst.idx.msk $0xffff, v57  }
0x111: {  	v51 =	vor.u32 v52, v39;
	v39 =	vadd.f32 v54, v33;
	v54 =	vor.u32 v2, v53;
	v41 =	vld.idx.msk [tilespmem:v41+s13+$0x0], $0xffff  }
0x112: {  	v29 =	vmov v48;
	v55 =	vor.u32 v0, v51;
	[tilespmem:v56+s16+$0x0] =	vst.idx.msk $0xffff, v21;
	v56 =	vor.u32 v2, v49  }
0x113: {  	v48 =	vadd.f32 v40, v59;
	v45 =	vld.idx.msk [tilespmem:v45+s13+$0x0], $0xffff;
	[tilespmem:v50+s16+$0x0] =	vst.idx.msk $0xffff, v39;
	v39 =	vor.u32 v7, v29  }
0x114: {  	v57 =	vor.u32 v8, v27;
	v40 =	vmovc v42;
	v21 =	vmov v24;
	v50 =	vld.idx.msk [tilespmem:v58+s13+$0x0], $0xffff;
	v58 =	vor.u32 v13, v23  }
0x115: {  	v60 =	vadd.f32 v43, v47;
	[tilespmem:v38+s16+$0x0] =	vst.idx.msk $0xffff, v48;
	v38 =	vor.u32 v14, v20;
	v20 =	vmov v53  }
0x116: {  	v42 =	vor.u32 v7, v40;
	v43 =	vor.u32 v8, v46;
	v22 =	vadd.f32 v22, v26;
	v48 =	vld.idx.msk [tilespmem:v54+s13+$0x0], $0xffff  }
0x117: {  	v24 =	vmov v28;
	v53 =	vor.u32 v13, v36;
	v41 =	vadd.f32 v41, v18;
	[tilespmem:v55+s16+$0x0] =	vst.idx.msk $0xffff, v60  }
0x118: {  	v28 =	vmov v52;
	v55 =	vor.u32 v14, v34;
	v34 =	vmov v49;
	v54 =	vld.idx.msk [tilespmem:v56+s13+$0x0], $0xffff;
	[tilespmem:v39+s16+$0x0] =	vst.idx.msk $0xffff, v22  }
0x119: {  	v49 =	vor.u32 v3, v44;
	v39 =	vadd.f32 v45, v37;
	v45 =	vld.idx.msk [tilespmem:v57+s13+$0x0], $0xffff;
	[tilespmem:v58+s16+$0x0] =	vst.idx.msk $0xffff, v41  }
0x11a: {  	v41 =	vadd.f32 v50, v33;
	v50 =	vor.u32 v4, v20;
	v22 =	vmovc v19;
	v19 =	vmov v25;
	v52 =	vld.idx.msk [tilespmem:v38+s13+$0x0], $0xffff  }
0x11b: {  	v57 =	vor.u32 $0x20, v30;
	v25 =	vmovc v31;
	v38 =	vand.u32 $0x7, v22;
	[tilespmem:v42+s16+$0x0] =	vst.idx.msk $0xffff, v39;
	v39 =	vor.u32 v3, v51  }
0x11c: {  	v31 =	vadd.f32 v48, v59;
	v30 =	vld.idx.msk [tilespmem:v43+s13+$0x0], $0xffff;
	[tilespmem:v53+s16+$0x0] =	vst.idx.msk $0xffff, v41;
	v41 =	vor.u32 v9, v29  }
0x11d: {  	v23 =	vor.u32 v15, v23;
	v42 =	vor.u32 v4, v34;
	v43 =	vor.u32 v10, v46;
	v48 =	vld.idx.msk [tilespmem:v55+s13+$0x0], $0xffff  }
0x11e: {  	v53 =	vadd.f32 v54, v47;
	v54 =	vand.u32 $0x28, v57;
	v55 =	vor.u32 v10, v27;
	[tilespmem:v49+s16+$0x0] =	vst.idx.msk $0xffff, v31  }
0x11f: {  	v49 =	vor.u32 v9, v40;
	v38 =	vor.u32 v38, v54;
	v45 =	vadd.f32 v45, v26;
	v54 =	vld.idx.msk [tilespmem:v50+s13+$0x0], $0xffff  }
0x120: {  	v36 =	vor.u32 v15, v36;
	[tilespmem:v39+s16+$0x0] =	vst.idx.msk $0xffff, v53;
	v39 =	vadd.f32 v52, v18;
	v18 =	vmov v59  }
0x121: {  	v31 =	vadd.s32 s26, v0;
	v53 =	vor.u32 v16, v38;
	[tilespmem:v41+s16+$0x0] =	vst.idx.msk $0xffff, v45;
	v41 =	vor.u32 v5, v44  }
0x122: {  	v59 =	vor.u32 v1, v38;
	v30 =	vadd.f32 v30, v37;
	v58 =	vld.idx.msk [tilespmem:v42+s13+$0x0], $0xffff;
	[tilespmem:v23+s16+$0x0] =	vst.idx.msk $0xffff, v39  }
0x123: {  	v60 =	vor.u32 v6, v20;
	v45 =	vand.u32 $0xF, v31;
	v39 =	vadd.f32 v48, v33;
	v33 =	vmovc v47;
	v42 =	vld.idx.msk [tilespmem:v55+s13+$0x0], $0xffff  }
.Ltmp2:
0x124: {  	v56 =	vor.u32 v16, v45;
	v23 =	vmov v44;
	v55 =	vor.u32 v1, v45;
	[tilespmem:v49+s16+$0x0] =	vst.idx.msk $0xffff, v30;
	(pc) =	sbr.rel @p1 .LBB2_3-.Ltmp2, $4  }
0x125: {  	v50 =	vor.u32 v5, v51;
	v48 =	vadd.f32 v54, v18;
	v52 =	vld.idx.msk [tilespmem:v43+s13+$0x0], $0xffff;
	[tilespmem:v36+s16+$0x0] =	vst.idx.msk $0xffff, v39  }
0x126: {  	v49 =	vor.u32 v6, v34;
	v43 =	vor.u32 v11, v29;
	v36 =	vmovc v51;
	v30 =	vmov v32;
	v39 =	vld.idx.msk [tilespmem:v53+s9+$0x0], $0xffff  }
0x127: {  	v57 =	vshll.u32 v57, $0x7;
	v44 =	vor.u32 v12, v27;
	v51 =	vshll.u32 v31, $0x7;
	v47 =	vld.idx.msk [tilespmem:v59+s13+$0x0], $0xffff;
	[tilespmem:v41+s16+$0x0] =	vst.idx.msk $0xffff, v48  }
0x128: {  	s26 =	sadd.s32 $0x1, s26;
	v54 =	vor.u32 v11, v40;
	v32 =	vmovc v46;
	v53 =	vadd.f32 v58, v33;
	v48 =	vand.u32 $0x1400, v57;
	v41 =	vld.idx.msk [tilespmem:v60+s13+$0x0], $0xffff  }
0x129: {  	_ =	sdelay $0x3  }
0x12a: {  	v46 =	vld.idx.msk [tilespmem:v56+s9+$0x0], $0xffff  }
0x12b: {  	v55 =	vld.idx.msk [tilespmem:v55+s13+$0x0], $0xffff  }
0x12c: {  	v56 =	vand.u32 $0x780, v51  }
0x12d: {  	v57 =	vor.u32 v0, v56  }
0x12e: {  	v58 =	vor.u32 v2, v45;
	_ =	sdelay $0x1  }
0x12f: {  	v55 =	vadd.f32 v55, v46;
	_ =	sdelay $0x1  }
0x130: {  	[tilespmem:v57+s16+$0x0] =	vst.idx.msk $0xffff, v55  }
0x131: {  	v55 =	vld.idx.msk [tilespmem:v58+s13+$0x0], $0xffff;
	_ =	sdelay $0x1  }
0x132: {  	v60 =	vor.u32 v3, v56  }
0x133: {  	v61 =	vor.u32 v4, v45;
	_ =	sdelay $0x1  }
0x134: {  	v55 =	vadd.f32 v55, v46;
	_ =	sdelay $0x1  }
0x135: {  	[tilespmem:v60+s16+$0x0] =	vst.idx.msk $0xffff, v55  }
0x136: {  	v55 =	vld.idx.msk [tilespmem:v61+s13+$0x0], $0xffff;
	_ =	sdelay $0x1  }
0x137: {  	v62 =	vor.u32 v5, v56  }
0x138: {  	v63 =	vor.u32 v6, v45;
	_ =	sdelay $0x1  }
0x139: {  	v55 =	vadd.f32 v55, v46;
	_ =	sdelay $0x1  }
0x13a: {  	[tilespmem:v62+s16+$0x0] =	vst.idx.msk $0xffff, v55  }
0x13b: {  	v55 =	vld.idx.msk [tilespmem:v63+s13+$0x0], $0xffff;
	_ =	sdelay $0x1  }
0x13c: {  	v60 =	vor.u32 v7, v56  }
0x13d: {  	v61 =	vor.u32 v8, v45;
	_ =	sdelay $0x1  }
0x13e: {  	v55 =	vadd.f32 v55, v46;
	_ =	sdelay $0x1  }
0x13f: {  	[tilespmem:v60+s16+$0x0] =	vst.idx.msk $0xffff, v55  }
0x140: {  	v55 =	vld.idx.msk [tilespmem:v61+s13+$0x0], $0xffff;
	_ =	sdelay $0x1  }
0x141: {  	v62 =	vor.u32 v9, v56  }
0x142: {  	v63 =	vor.u32 v10, v45;
	_ =	sdelay $0x1  }
0x143: {  	v55 =	vadd.f32 v55, v46;
	_ =	sdelay $0x1  }
0x144: {  	[tilespmem:v62+s16+$0x0] =	vst.idx.msk $0xffff, v55  }
0x145: {  	v55 =	vld.idx.msk [tilespmem:v63+s13+$0x0], $0xffff  }
0x146: {  	v60 =	vor.u32 v12, v32  }
0x147: {  	v61 =	vor.u32 v11, v56  }
0x148: {  	v59 =	vor.u32 v12, v45;
	v52 =	vadd.f32 v52, v37;
	_ =	sdelay $0x1  }
0x149: {  	[tilespmem:v54+s16+$0x0] =	vst.idx.msk $0xffff, v52;
	v62 =	vadd.f32 v55, v46  }
0x14a: {  	v54 =	vld.idx.msk [tilespmem:v60+s13+$0x0], $0xffff  }
0x14b: {  	[tilespmem:v61+s16+$0x0] =	vst.idx.msk $0xffff, v62  }
0x14c: {  	v52 =	vor.u32 v13, v40;
	v63 =	vld.idx.msk [tilespmem:v59+s13+$0x0], $0xffff  }
0x14d: {  	v60 =	vor.u32 v14, v32  }
0x14e: {  	v61 =	vor.u32 v13, v56  }
0x14f: {  	v54 =	vadd.f32 v54, v37;
	v62 =	vor.u32 v14, v45;
	_ =	sdelay $0x1  }
0x150: {  	[tilespmem:v52+s16+$0x0] =	vst.idx.msk $0xffff, v54;
	v63 =	vadd.f32 v63, v46  }
0x151: {  	v54 =	vld.idx.msk [tilespmem:v60+s13+$0x0], $0xffff  }
0x152: {  	v52 =	vor.u32 $0x10, v25;
	[tilespmem:v61+s16+$0x0] =	vst.idx.msk $0xffff, v63  }
0x153: {  	v40 =	vor.u32 v15, v40;
	v58 =	vand.u32 $0x1F, v52;
	v55 =	vld.idx.msk [tilespmem:v62+s13+$0x0], $0xffff  }
0x154: {  	v59 =	vor.u32 v1, v58  }
0x155: {  	v57 =	vor.u32 v16, v52;
	v60 =	vor.u32 $0x10, v31;
	v56 =	vor.u32 v15, v56  }
0x156: {  	v37 =	vadd.f32 v54, v37;
	v54 =	vor.u32 v16, v60;
	v61 =	vand.u32 $0x1F, v60  }
0x157: {  	v62 =	vor.u32 v1, v61  }
0x158: {  	[tilespmem:v40+s16+$0x0] =	vst.idx.msk $0xffff, v37;
	v37 =	vadd.f32 v55, v46  }
0x159: {  	v63 =	vld.idx.msk [tilespmem:v59+s13+$0x0], $0xffff;
	v46 =	vshll.u32 v52, $0x7  }
0x15a: {  	v35 =	vand.u32 $0x380, v35;
	v52 =	vld.idx.msk [tilespmem:v57+s9+$0x0], $0xffff;
	v40 =	vand.u32 $0xC00, v46;
	[tilespmem:v56+s16+$0x0] =	vst.idx.msk $0xffff, v37  }
0x15b: {  	v60 =	vshll.u32 v60, $0x7;
	v56 =	vor.u32 v35, v40;
	v46 =	vld.idx.msk [tilespmem:v54+s9+$0x0], $0xffff  }
0x15c: {  	v37 =	vand.u32 $0x380, v51;
	v40 =	vand.u32 $0xC00, v60;
	v54 =	vor.u32 v0, v56;
	v51 =	vld.idx.msk [tilespmem:v62+s13+$0x0], $0xffff  }
0x15d: {  	v57 =	vor.u32 v2, v58;
	v59 =	vor.u32 v37, v40  }
0x15e: {  	v40 =	vor.u32 v0, v59  }
0x15f: {  	v60 =	vor.u32 v2, v61;
	v55 =	vadd.f32 v63, v52;
	_ =	sdelay $0x1  }
0x160: {  	[tilespmem:v54+s16+$0x0] =	vst.idx.msk $0xffff, v55;
	v51 =	vadd.f32 v51, v46  }
0x161: {  	v54 =	vld.idx.msk [tilespmem:v57+s13+$0x0], $0xffff  }
0x162: {  	[tilespmem:v40+s16+$0x0] =	vst.idx.msk $0xffff, v51  }
0x163: {  	v40 =	vor.u32 v3, v56;
	v51 =	vld.idx.msk [tilespmem:v60+s13+$0x0], $0xffff  }
0x164: {  	v55 =	vor.u32 v4, v58  }
0x165: {  	v57 =	vor.u32 v3, v59  }
0x166: {  	v60 =	vor.u32 v4, v61;
	v54 =	vadd.f32 v54, v52;
	_ =	sdelay $0x1  }
0x167: {  	[tilespmem:v40+s16+$0x0] =	vst.idx.msk $0xffff, v54;
	v62 =	vadd.f32 v51, v46  }
0x168: {  	v63 =	vld.idx.msk [tilespmem:v55+s13+$0x0], $0xffff  }
0x169: {  	[tilespmem:v57+s16+$0x0] =	vst.idx.msk $0xffff, v62  }
0x16a: {  	[tilespmem:v50+s16+$0x0] =	vst.idx.msk $0xffff, v53;
	v40 =	vor.u32 v5, v56;
	v54 =	vld.idx.msk [tilespmem:v60+s13+$0x0], $0xffff  }
0x16b: {  	v49 =	vld.idx.msk [tilespmem:v49+s13+$0x0], $0xffff;
	v50 =	vor.u32 v6, v58  }
0x16c: {  	v53 =	vor.u32 v5, v59  }
0x16d: {  	v55 =	vor.u32 v6, v61;
	v57 =	vor.u32 v7, v36;
	v51 =	vadd.f32 v63, v52  }
0x16e: {  	v60 =	vor.u32 v8, v34  }
0x16f: {  	[tilespmem:v40+s16+$0x0] =	vst.idx.msk $0xffff, v51;
	v62 =	vadd.f32 v54, v46  }
0x170: {  	v49 =	vadd.f32 v49, v33;
	v50 =	vld.idx.msk [tilespmem:v50+s13+$0x0], $0xffff  }
0x171: {  	[tilespmem:v53+s16+$0x0] =	vst.idx.msk $0xffff, v62  }
0x172: {  	[tilespmem:v57+s16+$0x0] =	vst.idx.msk $0xffff, v49;
	v40 =	vor.u32 v7, v56;
	v51 =	vld.idx.msk [tilespmem:v55+s13+$0x0], $0xffff  }
0x173: {  	v49 =	vor.u32 v8, v58;
	v53 =	vld.idx.msk [tilespmem:v60+s13+$0x0], $0xffff  }
0x174: {  	v54 =	vor.u32 v7, v59  }
0x175: {  	v57 =	vor.u32 v9, v36;
	v55 =	vor.u32 v8, v61;
	v50 =	vadd.f32 v50, v52  }
0x176: {  	v60 =	vor.u32 v10, v34  }
0x177: {  	[tilespmem:v40+s16+$0x0] =	vst.idx.msk $0xffff, v50;
	v63 =	vadd.f32 v51, v46  }
0x178: {  	v62 =	vadd.f32 v53, v33;
	v49 =	vld.idx.msk [tilespmem:v49+s13+$0x0], $0xffff  }
0x179: {  	[tilespmem:v54+s16+$0x0] =	vst.idx.msk $0xffff, v63  }
0x17a: {  	v40 =	vor.u32 v9, v56;
	[tilespmem:v57+s16+$0x0] =	vst.idx.msk $0xffff, v62;
	v51 =	vld.idx.msk [tilespmem:v55+s13+$0x0], $0xffff  }
0x17b: {  	v50 =	vor.u32 v10, v58;
	v53 =	vld.idx.msk [tilespmem:v60+s13+$0x0], $0xffff  }
0x17c: {  	v54 =	vor.u32 v9, v59  }
0x17d: {  	v57 =	vor.u32 v11, v36;
	v55 =	vor.u32 v10, v61;
	v49 =	vadd.f32 v49, v52  }
0x17e: {  	v60 =	vor.u32 v12, v34  }
0x17f: {  	[tilespmem:v40+s16+$0x0] =	vst.idx.msk $0xffff, v49;
	v63 =	vadd.f32 v51, v46  }
0x180: {  	v62 =	vadd.f32 v53, v33;
	v49 =	vld.idx.msk [tilespmem:v50+s13+$0x0], $0xffff  }
0x181: {  	[tilespmem:v54+s16+$0x0] =	vst.idx.msk $0xffff, v63  }
0x182: {  	v40 =	vor.u32 v11, v56;
	[tilespmem:v57+s16+$0x0] =	vst.idx.msk $0xffff, v62;
	v51 =	vld.idx.msk [tilespmem:v55+s13+$0x0], $0xffff  }
0x183: {  	v50 =	vor.u32 v12, v58;
	v53 =	vld.idx.msk [tilespmem:v60+s13+$0x0], $0xffff  }
0x184: {  	v54 =	vor.u32 v11, v59  }
0x185: {  	v57 =	vor.u32 v13, v36;
	v55 =	vor.u32 v12, v61;
	v49 =	vadd.f32 v49, v52  }
0x186: {  	v60 =	vor.u32 v14, v34  }
0x187: {  	[tilespmem:v40+s16+$0x0] =	vst.idx.msk $0xffff, v49;
	v63 =	vadd.f32 v51, v46  }
0x188: {  	v62 =	vadd.f32 v53, v33;
	v40 =	vld.idx.msk [tilespmem:v50+s13+$0x0], $0xffff  }
0x189: {  	[tilespmem:v54+s16+$0x0] =	vst.idx.msk $0xffff, v63  }
0x18a: {  	v34 =	vor.u32 v24, v48;
	v48 =	vor.u32 v13, v56;
	[tilespmem:v57+s16+$0x0] =	vst.idx.msk $0xffff, v62;
	v50 =	vld.idx.msk [tilespmem:v55+s13+$0x0], $0xffff  }
0x18b: {  	v49 =	vor.u32 v14, v58;
	v54 =	vor.u32 $0x20, v30;
	v30 =	vld.idx.msk [tilespmem:v60+s13+$0x0], $0xffff  }
0x18c: {  	v53 =	vand.u32 $0x7, v19;
	v55 =	vor.u32 v13, v59  }
0x18d: {  	v60 =	vor.u32 v14, v61;
	v57 =	vand.u32 $0x28, v54;
	v58 =	vadd.f32 v40, v52  }
0x18e: {  	v47 =	vadd.f32 v47, v39;
	v51 =	vor.u32 v0, v34;
	v40 =	vor.u32 v53, v57  }
0x18f: {  	v32 =	vor.u32 $0x20, v32;
	v53 =	vor.u32 v15, v36;
	[tilespmem:v48+s16+$0x0] =	vst.idx.msk $0xffff, v58;
	v36 =	vadd.f32 v50, v46  }
0x190: {  	v62 =	vand.u32 $0x28, v32;
	v61 =	vor.u32 v2, v38;
	v30 =	vadd.f32 v30, v33;
	v49 =	vld.idx.msk [tilespmem:v49+s13+$0x0], $0xffff  }
0x191: {  	v63 =	vand.u32 $0x7, v25;
	v33 =	vor.u32 v15, v56;
	v48 =	vor.u32 v16, v40;
	[tilespmem:v55+s16+$0x0] =	vst.idx.msk $0xffff, v36  }
0x192: {  	v50 =	vor.u32 v1, v40;
	v36 =	vor.u32 v63, v62;
	v55 =	vor.u32 $0x20, v45;
	v56 =	vld.idx.msk [tilespmem:v60+s13+$0x0], $0xffff  }
0x193: {  	[tilespmem:v51+s16+$0x0] =	vst.idx.msk $0xffff, v47;
	v63 =	vand.u32 $0x7, v31;
	v47 =	vor.u32 v16, v36;
	v60 =	vand.u32 $0x28, v55  }
0x194: {  	v51 =	vor.u32 v15, v59;
	v57 =	vor.u32 v1, v36;
	v45 =	vor.u32 v63, v60  }
0x195: {  	v58 =	vld.idx.msk [tilespmem:v61+s13+$0x0], $0xffff;
	[tilespmem:v53+s16+$0x0] =	vst.idx.msk $0xffff, v30;
	v62 =	vor.u32 v16, v45;
	v49 =	vadd.f32 v49, v52  }
0x196: {  	v63 =	vshll.u32 v54, $0x7;
	v30 =	vld.idx.msk [tilespmem:v48+s9+$0x0], $0xffff;
	v59 =	vor.u32 v1, v45  }
0x197: {  	v50 =	vld.idx.msk [tilespmem:v50+s13+$0x0], $0xffff;
	v48 =	vand.u32 $0x1400, v63;
	[tilespmem:v33+s16+$0x0] =	vst.idx.msk $0xffff, v49;
	v46 =	vadd.f32 v56, v46  }
0x198: {  	v32 =	vshll.u32 v32, $0x7;
	v48 =	vor.u32 v28, v48;
	v33 =	vld.idx.msk [tilespmem:v47+s9+$0x0], $0xffff  }
0x199: {  	v32 =	vand.u32 $0x1400, v32;
	v63 =	vor.u32 v0, v48;
	v60 =	vld.idx.msk [tilespmem:v57+s13+$0x0], $0xffff;
	[tilespmem:v51+s16+$0x0] =	vst.idx.msk $0xffff, v46  }
0x19a: {  	v61 =	vshll.u32 v55, $0x7;
	v47 =	vor.u32 v35, v32;
	v51 =	vor.u32 v2, v40;
	v32 =	vld.idx.msk [tilespmem:v62+s9+$0x0], $0xffff  }
0x19b: {  	v52 =	vor.u32 v3, v34;
	v46 =	vand.u32 $0x1400, v61;
	v62 =	vor.u32 v0, v47;
	v53 =	vld.idx.msk [tilespmem:v59+s13+$0x0], $0xffff  }
0x19c: {  	v56 =	vor.u32 v2, v36;
	v50 =	vadd.f32 v50, v30;
	v46 =	vor.u32 v37, v46  }
0x19d: {  	v57 =	vor.u32 v4, v38;
	v59 =	vor.u32 v0, v46  }
0x19e: {  	[tilespmem:v63+s16+$0x0] =	vst.idx.msk $0xffff, v50;
	v50 =	vor.u32 v2, v45;
	v63 =	vadd.f32 v60, v33  }
0x19f: {  	v60 =	vadd.f32 v58, v39;
	v51 =	vld.idx.msk [tilespmem:v51+s13+$0x0], $0xffff  }
0x1a0: {  	[tilespmem:v62+s16+$0x0] =	vst.idx.msk $0xffff, v63;
	v61 =	vadd.f32 v53, v32  }
0x1a1: {  	[tilespmem:v52+s16+$0x0] =	vst.idx.msk $0xffff, v60;
	v62 =	vor.u32 v3, v48;
	v63 =	vld.idx.msk [tilespmem:v56+s13+$0x0], $0xffff  }
0x1a2: {  	v55 =	vor.u32 v4, v40;
	v54 =	vld.idx.msk [tilespmem:v57+s13+$0x0], $0xffff;
	[tilespmem:v59+s16+$0x0] =	vst.idx.msk $0xffff, v61  }
0x1a3: {  	v60 =	vor.u32 v3, v47;
	v50 =	vld.idx.msk [tilespmem:v50+s13+$0x0], $0xffff  }
0x1a4: {  	v57 =	vor.u32 v4, v36;
	v61 =	vor.u32 v5, v34;
	v51 =	vadd.f32 v51, v30  }
0x1a5: {  	v58 =	vor.u32 v6, v38;
	v59 =	vor.u32 v3, v46  }
0x1a6: {  	v52 =	vor.u32 v4, v45;
	[tilespmem:v62+s16+$0x0] =	vst.idx.msk $0xffff, v51;
	v62 =	vadd.f32 v63, v33  }
0x1a7: {  	v63 =	vadd.f32 v54, v39;
	v54 =	vld.idx.msk [tilespmem:v55+s13+$0x0], $0xffff  }
0x1a8: {  	[tilespmem:v60+s16+$0x0] =	vst.idx.msk $0xffff, v62;
	v60 =	vadd.f32 v50, v32  }
0x1a9: {  	[tilespmem:v61+s16+$0x0] =	vst.idx.msk $0xffff, v63;
	v61 =	vor.u32 v5, v48;
	v51 =	vld.idx.msk [tilespmem:v57+s13+$0x0], $0xffff  }
0x1aa: {  	v55 =	vor.u32 v6, v40;
	v53 =	vld.idx.msk [tilespmem:v58+s13+$0x0], $0xffff;
	[tilespmem:v59+s16+$0x0] =	vst.idx.msk $0xffff, v60  }
0x1ab: {  	v62 =	vor.u32 v5, v47;
	v52 =	vld.idx.msk [tilespmem:v52+s13+$0x0], $0xffff  }
0x1ac: {  	v63 =	vor.u32 v7, v34;
	v60 =	vor.u32 v6, v36;
	v54 =	vadd.f32 v54, v30  }
0x1ad: {  	v58 =	vor.u32 v8, v38;
	v59 =	vor.u32 v5, v46  }
0x1ae: {  	[tilespmem:v61+s16+$0x0] =	vst.idx.msk $0xffff, v54;
	v61 =	vadd.f32 v51, v33;
	v51 =	vor.u32 v6, v45  }
0x1af: {  	v53 =	vadd.f32 v53, v39;
	v54 =	vld.idx.msk [tilespmem:v55+s13+$0x0], $0xffff  }
0x1b0: {  	[tilespmem:v62+s16+$0x0] =	vst.idx.msk $0xffff, v61;
	v62 =	vadd.f32 v52, v32  }
0x1b1: {  	[tilespmem:v63+s16+$0x0] =	vst.idx.msk $0xffff, v53;
	v63 =	vor.u32 v7, v48;
	v60 =	vld.idx.msk [tilespmem:v60+s13+$0x0], $0xffff  }
0x1b2: {  	v55 =	vor.u32 v8, v40;
	v53 =	vld.idx.msk [tilespmem:v58+s13+$0x0], $0xffff;
	[tilespmem:v59+s16+$0x0] =	vst.idx.msk $0xffff, v62  }
0x1b3: {  	v61 =	vor.u32 v7, v47;
	v51 =	vld.idx.msk [tilespmem:v51+s13+$0x0], $0xffff  }
0x1b4: {  	v56 =	vor.u32 v9, v34;
	v62 =	vor.u32 v8, v36;
	v54 =	vadd.f32 v54, v30  }
0x1b5: {  	v58 =	vor.u32 v10, v38;
	v59 =	vor.u32 v7, v46  }
0x1b6: {  	[tilespmem:v63+s16+$0x0] =	vst.idx.msk $0xffff, v54;
	v63 =	vadd.f32 v60, v33;
	v60 =	vor.u32 v8, v45  }
0x1b7: {  	v53 =	vadd.f32 v53, v39;
	v54 =	vld.idx.msk [tilespmem:v55+s13+$0x0], $0xffff  }
0x1b8: {  	[tilespmem:v61+s16+$0x0] =	vst.idx.msk $0xffff, v63;
	v61 =	vadd.f32 v51, v32  }
0x1b9: {  	v50 =	vor.u32 v9, v48;
	[tilespmem:v56+s16+$0x0] =	vst.idx.msk $0xffff, v53;
	v62 =	vld.idx.msk [tilespmem:v62+s13+$0x0], $0xffff  }
0x1ba: {  	v55 =	vor.u32 v10, v40;
	v53 =	vld.idx.msk [tilespmem:v58+s13+$0x0], $0xffff;
	[tilespmem:v59+s16+$0x0] =	vst.idx.msk $0xffff, v61  }
0x1bb: {  	v42 =	vadd.f32 v42, v26;
	v63 =	vor.u32 v9, v47;
	v52 =	vld.idx.msk [tilespmem:v60+s13+$0x0], $0xffff  }
0x1bc: {  	v61 =	vor.u32 v10, v36;
	v60 =	vor.u32 v11, v34;
	v54 =	vadd.f32 v54, v30  }
0x1bd: {  	[tilespmem:v43+s16+$0x0] =	vst.idx.msk $0xffff, v42;
	v43 =	vor.u32 v9, v46;
	v59 =	vor.u32 v12, v38  }
0x1be: {  	v44 =	vld.idx.msk [tilespmem:v44+s13+$0x0], $0xffff;
	v51 =	vor.u32 v10, v45;
	[tilespmem:v50+s16+$0x0] =	vst.idx.msk $0xffff, v54;
	v62 =	vadd.f32 v62, v33  }
0x1bf: {  	v53 =	vadd.f32 v53, v39;
	v54 =	vld.idx.msk [tilespmem:v55+s13+$0x0], $0xffff  }
0x1c0: {  	v55 =	vor.u32 v13, v29;
	[tilespmem:v63+s16+$0x0] =	vst.idx.msk $0xffff, v62;
	v63 =	vadd.f32 v52, v32  }
0x1c1: {  	v27 =	vor.u32 v14, v27;
	[tilespmem:v60+s16+$0x0] =	vst.idx.msk $0xffff, v53;
	v60 =	vor.u32 v11, v48;
	v61 =	vld.idx.msk [tilespmem:v61+s13+$0x0], $0xffff  }
0x1c2: {  	v56 =	vor.u32 v12, v40;
	v42 =	vld.idx.msk [tilespmem:v59+s13+$0x0], $0xffff;
	[tilespmem:v43+s16+$0x0] =	vst.idx.msk $0xffff, v63  }
0x1c3: {  	v41 =	vadd.f32 v41, v18;
	v62 =	vadd.f32 v44, v26;
	v44 =	vor.u32 v11, v47;
	v49 =	vld.idx.msk [tilespmem:v51+s13+$0x0], $0xffff  }
0x1c4: {  	v57 =	vor.u32 v12, v36;
	v63 =	vor.u32 v13, v34;
	v54 =	vadd.f32 v54, v30  }
0x1c5: {  	v17 =	vor.u32 $0x30, v17;
	v38 =	vor.u32 v14, v38;
	v43 =	vor.u32 v11, v46;
	[tilespmem:v55+s16+$0x0] =	vst.idx.msk $0xffff, v62  }
0x1c6: {  	v55 =	vld.idx.msk [tilespmem:v27+s13+$0x0], $0xffff;
	[tilespmem:v60+s16+$0x0] =	vst.idx.msk $0xffff, v54;
	v60 =	vadd.f32 v61, v33;
	v61 =	vor.u32 v12, v45  }
0x1c7: {  	v29 =	vor.u32 v15, v29;
	v62 =	vshll.u32 v17, $0x7;
	v42 =	vadd.f32 v42, v39;
	v56 =	vld.idx.msk [tilespmem:v56+s13+$0x0], $0xffff  }
0x1c8: {  	v27 =	vand.u32 $0x3F, v17;
	v54 =	vor.u32 v16, v17;
	[tilespmem:v44+s16+$0x0] =	vst.idx.msk $0xffff, v60;
	v17 =	vadd.f32 v49, v32  }
0x1c9: {  	v40 =	vor.u32 v14, v40;
	[tilespmem:v63+s16+$0x0] =	vst.idx.msk $0xffff, v42;
	v63 =	vor.u32 v13, v48;
	v57 =	vld.idx.msk [tilespmem:v57+s13+$0x0], $0xffff  }
0x1ca: {  	v36 =	vor.u32 v14, v36;
	v53 =	vor.u32 v7, v23;
	v38 =	vld.idx.msk [tilespmem:v38+s13+$0x0], $0xffff;
	[tilespmem:v43+s16+$0x0] =	vst.idx.msk $0xffff, v17  }
0x1cb: {  	v59 =	vor.u32 v13, v47;
	v58 =	vand.u32 $0x1C00, v62;
	v26 =	vadd.f32 v55, v26;
	v60 =	vld.idx.msk [tilespmem:v61+s13+$0x0], $0xffff  }
0x1cc: {  	v34 =	vor.u32 v15, v34;
	v17 =	vor.u32 v21, v58;
	v21 =	vadd.f32 v56, v30  }
0x1cd: {  	v44 =	vor.u32 v1, v27;
	[tilespmem:v29+s16+$0x0] =	vst.idx.msk $0xffff, v26;
	v29 =	vor.u32 v13, v46  }
0x1ce: {  	v45 =	vor.u32 v14, v45;
	v26 =	vor.u32 $0x30, v22;
	[tilespmem:v63+s16+$0x0] =	vst.idx.msk $0xffff, v21;
	v61 =	vadd.f32 v57, v33  }
0x1cf: {  	v62 =	vor.u32 v16, v26;
	v22 =	vand.u32 $0x3F, v26;
	v38 =	vadd.f32 v38, v39;
	v63 =	vld.idx.msk [tilespmem:v40+s13+$0x0], $0xffff  }
0x1d0: {  	v21 =	vld.idx.msk [tilespmem:v54+s9+$0x0], $0xffff;
	v52 =	vor.u32 v1, v22;
	[tilespmem:v59+s16+$0x0] =	vst.idx.msk $0xffff, v61;
	v54 =	vadd.f32 v60, v32  }
0x1d1: {  	v25 =	vor.u32 $0x30, v25;
	v55 =	vor.u32 v15, v48;
	[tilespmem:v34+s16+$0x0] =	vst.idx.msk $0xffff, v38;
	v34 =	vor.u32 $0x30, v19;
	v36 =	vld.idx.msk [tilespmem:v36+s13+$0x0], $0xffff  }
0x1d2: {  	v56 =	vld.idx.msk [tilespmem:v44+s13+$0x0], $0xffff;
	v57 =	vshll.u32 v26, $0x7;
	v58 =	vor.u32 v16, v34;
	v26 =	vand.u32 $0x3F, v34;
	[tilespmem:v29+s16+$0x0] =	vst.idx.msk $0xffff, v54  }
0x1d3: {  	v47 =	vor.u32 v15, v47;
	v51 =	vor.u32 v0, v17;
	v59 =	vor.u32 v1, v26;
	v45 =	vld.idx.msk [tilespmem:v45+s13+$0x0], $0xffff  }
0x1d4: {  	v60 =	vor.u32 v16, v25;
	v19 =	vld.idx.msk [tilespmem:v62+s9+$0x0], $0xffff;
	v29 =	vadd.f32 v63, v30;
	v30 =	vand.u32 $0x3F, v25  }
0x1d5: {  	v46 =	vor.u32 v15, v46;
	v62 =	vor.u32 $0x30, v31;
	v40 =	vld.idx.msk [tilespmem:v52+s13+$0x0], $0xffff;
	v61 =	vor.u32 v1, v30  }
0x1d6: {  	v31 =	vand.u32 $0x3F, v62;
	v63 =	vor.u32 v16, v62;
	[tilespmem:v55+s16+$0x0] =	vst.idx.msk $0xffff, v29;
	v33 =	vadd.f32 v36, v33  }
0x1d7: {  	v38 =	vor.u32 v2, v27;
	v43 =	vadd.f32 v56, v21;
	v52 =	vor.u32 v1, v31;
	v16 =	vld.idx.msk [tilespmem:v58+s9+$0x0], $0xffff  }
0x1d8: {  	v29 =	vand.u32 $0x1C00, v57;
	v42 =	vld.idx.msk [tilespmem:v59+s13+$0x0], $0xffff;
	[tilespmem:v47+s16+$0x0] =	vst.idx.msk $0xffff, v33;
	v32 =	vadd.f32 v45, v32  }
0x1d9: {  	[tilespmem:v53+s16+$0x0] =	vst.idx.msk $0xffff, v41;
	v25 =	vshll.u32 v25, $0x7;
	v55 =	vshll.u32 v34, $0x7;
	v29 =	vor.u32 v24, v29;
	v24 =	vld.idx.msk [tilespmem:v60+s9+$0x0], $0xffff  }
0x1da: {  	v56 =	vor.u32 v2, v22;
	v58 =	vand.u32 $0x1C00, v25;
	v33 =	vand.u32 $0x1C00, v55;
	v57 =	vld.idx.msk [tilespmem:v61+s13+$0x0], $0xffff;
	[tilespmem:v46+s16+$0x0] =	vst.idx.msk $0xffff, v32  }
0x1db: {  	v59 =	vshll.u32 v62, $0x7;
	v54 =	vor.u32 v0, v29;
	v28 =	vor.u32 v28, v33;
	v25 =	vld.idx.msk [tilespmem:v63+s9+$0x0], $0xffff  }
0x1dc: {  	v33 =	vand.u32 $0x1C00, v59;
	v60 =	vor.u32 v0, v28;
	v32 =	vor.u32 v35, v58;
	v61 =	vld.idx.msk [tilespmem:v52+s13+$0x0], $0xffff  }
0x1dd: {  	v62 =	vor.u32 v2, v26;
	v33 =	vor.u32 v37, v33;
	v63 =	vor.u32 v0, v32  }
0x1de: {  	v49 =	vor.u32 v2, v30;
	v48 =	vadd.f32 v40, v19;
	v50 =	vor.u32 v0, v33  }
0x1df: {  	[tilespmem:v51+s16+$0x0] =	vst.idx.msk $0xffff, v43;
	v52 =	vor.u32 v2, v31;
	v42 =	vadd.f32 v42, v16  }
0x1e0: {  	v53 =	vor.u32 v8, v20;
	v38 =	vld.idx.msk [tilespmem:v38+s13+$0x0], $0xffff;
	[tilespmem:v54+s16+$0x0] =	vst.idx.msk $0xffff, v48;
	v54 =	vadd.f32 v57, v24  }
0x1e1: {  	v34 =	vld.idx.msk [tilespmem:v56+s13+$0x0], $0xffff;
	[tilespmem:v60+s16+$0x0] =	vst.idx.msk $0xffff, v42;
	v35 =	vadd.f32 v61, v25  }
0x1e2: {  	v55 =	vor.u32 v3, v17;
	v56 =	vld.idx.msk [tilespmem:v62+s13+$0x0], $0xffff;
	[tilespmem:v63+s16+$0x0] =	vst.idx.msk $0xffff, v54  }
0x1e3: {  	v58 =	vor.u32 v3, v29;
	v57 =	vor.u32 v4, v27;
	v40 =	vld.idx.msk [tilespmem:v49+s13+$0x0], $0xffff;
	[tilespmem:v50+s16+$0x0] =	vst.idx.msk $0xffff, v35  }
0x1e4: {  	v59 =	vor.u32 v4, v22;
	v60 =	vor.u32 v3, v28;
	v43 =	vld.idx.msk [tilespmem:v52+s13+$0x0], $0xffff  }
0x1e5: {  	v38 =	vadd.f32 v38, v21;
	v61 =	vld.idx.msk [tilespmem:v53+s13+$0x0], $0xffff;
	v62 =	vor.u32 v4, v26;
	v63 =	vor.u32 v3, v32  }
0x1e6: {  	v53 =	vor.u32 v3, v33;
	v34 =	vadd.f32 v34, v19;
	v52 =	vor.u32 v4, v30  }
0x1e7: {  	[tilespmem:v55+s16+$0x0] =	vst.idx.msk $0xffff, v38;
	v55 =	vor.u32 v4, v31;
	v54 =	vadd.f32 v56, v16  }
0x1e8: {  	v37 =	vld.idx.msk [tilespmem:v57+s13+$0x0], $0xffff;
	[tilespmem:v58+s16+$0x0] =	vst.idx.msk $0xffff, v34;
	v56 =	vadd.f32 v40, v24  }
0x1e9: {  	v35 =	vor.u32 v9, v23;
	v57 =	vld.idx.msk [tilespmem:v59+s13+$0x0], $0xffff;
	[tilespmem:v60+s16+$0x0] =	vst.idx.msk $0xffff, v54;
	v58 =	vadd.f32 v43, v25  }
0x1ea: {  	v59 =	vadd.f32 v61, v18;
	v60 =	vor.u32 v5, v17;
	v61 =	vld.idx.msk [tilespmem:v62+s13+$0x0], $0xffff;
	[tilespmem:v63+s16+$0x0] =	vst.idx.msk $0xffff, v56  }
0x1eb: {  	v62 =	vor.u32 v6, v27;
	v63 =	vor.u32 v5, v29;
	v48 =	vld.idx.msk [tilespmem:v52+s13+$0x0], $0xffff;
	[tilespmem:v53+s16+$0x0] =	vst.idx.msk $0xffff, v58  }
0x1ec: {  	v51 =	vor.u32 v6, v26;
	v49 =	vor.u32 v6, v22;
	v50 =	vor.u32 v5, v28;
	v38 =	vld.idx.msk [tilespmem:v55+s13+$0x0], $0xffff  }
0x1ed: {  	v54 =	vor.u32 v5, v33;
	v37 =	vadd.f32 v37, v21;
	v52 =	vor.u32 v5, v32  }
0x1ee: {  	[tilespmem:v35+s16+$0x0] =	vst.idx.msk $0xffff, v59;
	v53 =	vor.u32 v6, v30;
	v39 =	vadd.f32 v57, v19  }
0x1ef: {  	v56 =	vor.u32 v6, v31;
	[tilespmem:v60+s16+$0x0] =	vst.idx.msk $0xffff, v37;
	v55 =	vadd.f32 v61, v16  }
0x1f0: {  	v57 =	vor.u32 v10, v20;
	v34 =	vld.idx.msk [tilespmem:v62+s13+$0x0], $0xffff;
	[tilespmem:v63+s16+$0x0] =	vst.idx.msk $0xffff, v39;
	v58 =	vadd.f32 v48, v24  }
0x1f1: {  	v35 =	vld.idx.msk [tilespmem:v49+s13+$0x0], $0xffff;
	[tilespmem:v50+s16+$0x0] =	vst.idx.msk $0xffff, v55;
	v59 =	vadd.f32 v38, v25  }
0x1f2: {  	v60 =	vor.u32 v7, v17;
	v61 =	vld.idx.msk [tilespmem:v51+s13+$0x0], $0xffff;
	[tilespmem:v52+s16+$0x0] =	vst.idx.msk $0xffff, v58  }
0x1f3: {  	v62 =	vor.u32 v8, v27;
	v63 =	vor.u32 v7, v29;
	v52 =	vld.idx.msk [tilespmem:v53+s13+$0x0], $0xffff;
	[tilespmem:v54+s16+$0x0] =	vst.idx.msk $0xffff, v59  }
0x1f4: {  	v36 =	vor.u32 v11, v23;
	v53 =	vor.u32 v8, v22;
	v54 =	vor.u32 v7, v28;
	v41 =	vld.idx.msk [tilespmem:v56+s13+$0x0], $0xffff  }
0x1f5: {  	v55 =	vor.u32 v8, v26;
	v42 =	vld.idx.msk [tilespmem:v57+s13+$0x0], $0xffff;
	v34 =	vadd.f32 v34, v21;
	v56 =	vor.u32 v7, v32  }
0x1f6: {  	v57 =	vor.u32 v8, v30;
	v58 =	vor.u32 v7, v33;
	v35 =	vadd.f32 v35, v19  }
0x1f7: {  	[tilespmem:v60+s16+$0x0] =	vst.idx.msk $0xffff, v34;
	v60 =	vor.u32 v8, v31;
	v59 =	vadd.f32 v61, v16  }
0x1f8: {  	v61 =	vld.idx.msk [tilespmem:v62+s13+$0x0], $0xffff;
	[tilespmem:v63+s16+$0x0] =	vst.idx.msk $0xffff, v35;
	v62 =	vadd.f32 v52, v24  }
0x1f9: {  	v63 =	vld.idx.msk [tilespmem:v53+s13+$0x0], $0xffff;
	[tilespmem:v54+s16+$0x0] =	vst.idx.msk $0xffff, v59;
	v50 =	vadd.f32 v41, v25  }
0x1fa: {  	v51 =	vadd.f32 v42, v18;
	v52 =	vor.u32 v9, v17;
	v53 =	vld.idx.msk [tilespmem:v55+s13+$0x0], $0xffff;
	[tilespmem:v56+s16+$0x0] =	vst.idx.msk $0xffff, v62  }
0x1fb: {  	v54 =	vor.u32 v10, v27;
	v55 =	vor.u32 v9, v29;
	v56 =	vld.idx.msk [tilespmem:v57+s13+$0x0], $0xffff;
	[tilespmem:v58+s16+$0x0] =	vst.idx.msk $0xffff, v50  }
0x1fc: {  	[tilespmem:v36+s16+$0x0] =	vst.idx.msk $0xffff, v51;
	v57 =	vor.u32 v10, v22;
	v58 =	vor.u32 v9, v28;
	v37 =	vld.idx.msk [tilespmem:v60+s13+$0x0], $0xffff  }
0x1fd: {  	v59 =	vor.u32 v10, v26;
	v38 =	vadd.f32 v61, v21;
	v60 =	vor.u32 v9, v32  }
0x1fe: {  	v62 =	vor.u32 v9, v33;
	v61 =	vor.u32 v10, v30;
	v39 =	vadd.f32 v63, v19  }
0x1ff: {  	v48 =	vor.u32 v10, v31;
	[tilespmem:v52+s16+$0x0] =	vst.idx.msk $0xffff, v38;
	v63 =	vadd.f32 v53, v16  }
0x200: {  	v35 =	vld.idx.msk [tilespmem:v54+s13+$0x0], $0xffff;
	[tilespmem:v55+s16+$0x0] =	vst.idx.msk $0xffff, v39;
	v50 =	vadd.f32 v56, v24  }
0x201: {  	v34 =	vld.idx.msk [tilespmem:v57+s13+$0x0], $0xffff;
	[tilespmem:v58+s16+$0x0] =	vst.idx.msk $0xffff, v63;
	v51 =	vadd.f32 v37, v25  }
0x202: {  	v49 =	vor.u32 v12, v20;
	v52 =	vor.u32 v11, v17;
	v38 =	vld.idx.msk [tilespmem:v59+s13+$0x0], $0xffff;
	[tilespmem:v60+s16+$0x0] =	vst.idx.msk $0xffff, v50  }
0x203: {  	v53 =	vor.u32 v12, v27;
	v54 =	vor.u32 v11, v29;
	v55 =	vld.idx.msk [tilespmem:v61+s13+$0x0], $0xffff;
	[tilespmem:v62+s16+$0x0] =	vst.idx.msk $0xffff, v51  }
0x204: {  	v56 =	vor.u32 v12, v22;
	v57 =	vor.u32 v11, v28;
	v41 =	vld.idx.msk [tilespmem:v48+s13+$0x0], $0xffff  }
0x205: {  	v58 =	vor.u32 v12, v26;
	v59 =	vor.u32 v11, v32;
	v35 =	vadd.f32 v35, v21  }
0x206: {  	v60 =	vor.u32 v12, v30;
	v61 =	vor.u32 v11, v33;
	v34 =	vadd.f32 v34, v19  }
0x207: {  	v42 =	vld.idx.msk [tilespmem:v49+s13+$0x0], $0xffff;
	v63 =	vor.u32 v12, v31;
	[tilespmem:v52+s16+$0x0] =	vst.idx.msk $0xffff, v35;
	v62 =	vadd.f32 v38, v16  }
0x208: {  	v20 =	vor.u32 v14, v20;
	v50 =	vld.idx.msk [tilespmem:v53+s13+$0x0], $0xffff;
	[tilespmem:v54+s16+$0x0] =	vst.idx.msk $0xffff, v34;
	v51 =	vadd.f32 v55, v24  }
0x209: {  	v36 =	vor.u32 v13, v23;
	v52 =	vld.idx.msk [tilespmem:v56+s13+$0x0], $0xffff;
	[tilespmem:v57+s16+$0x0] =	vst.idx.msk $0xffff, v62;
	v53 =	vadd.f32 v41, v25  }
0x20a: {  	v27 =	vor.u32 v14, v27;
	v55 =	vor.u32 v13, v17;
	v56 =	vld.idx.msk [tilespmem:v58+s13+$0x0], $0xffff;
	[tilespmem:v59+s16+$0x0] =	vst.idx.msk $0xffff, v51  }
0x20b: {  	v22 =	vor.u32 v14, v22;
	v57 =	vor.u32 v13, v29;
	v58 =	vld.idx.msk [tilespmem:v60+s13+$0x0], $0xffff;
	[tilespmem:v61+s16+$0x0] =	vst.idx.msk $0xffff, v53  }
0x20c: {  	v26 =	vor.u32 v14, v26;
	v54 =	vadd.f32 v42, v18;
	v59 =	vor.u32 v13, v28;
	v60 =	vld.idx.msk [tilespmem:v63+s13+$0x0], $0xffff  }
0x20d: {  	v30 =	vor.u32 v14, v30;
	v62 =	vor.u32 v13, v32;
	v61 =	vadd.f32 v50, v21  }
0x20e: {  	[tilespmem:v36+s16+$0x0] =	vst.idx.msk $0xffff, v54;
	v63 =	vor.u32 v13, v33;
	v39 =	vadd.f32 v52, v19  }
0x20f: {  	v31 =	vor.u32 v14, v31;
	v20 =	vld.idx.msk [tilespmem:v20+s13+$0x0], $0xffff;
	[tilespmem:v55+s16+$0x0] =	vst.idx.msk $0xffff, v61;
	v44 =	vadd.f32 v56, v16  }
0x210: {  	v27 =	vld.idx.msk [tilespmem:v27+s13+$0x0], $0xffff;
	[tilespmem:v57+s16+$0x0] =	vst.idx.msk $0xffff, v39;
	v45 =	vadd.f32 v58, v24  }
0x211: {  	v23 =	vor.u32 v15, v23;
	v22 =	vld.idx.msk [tilespmem:v22+s13+$0x0], $0xffff;
	[tilespmem:v59+s16+$0x0] =	vst.idx.msk $0xffff, v44;
	v46 =	vadd.f32 v60, v25  }
0x212: {  	v17 =	vor.u32 v15, v17;
	v26 =	vld.idx.msk [tilespmem:v26+s13+$0x0], $0xffff;
	[tilespmem:v62+s16+$0x0] =	vst.idx.msk $0xffff, v45  }
0x213: {  	v29 =	vor.u32 v15, v29;
	v30 =	vld.idx.msk [tilespmem:v30+s13+$0x0], $0xffff;
	[tilespmem:v63+s16+$0x0] =	vst.idx.msk $0xffff, v46  }
0x214: {  	v18 =	vadd.f32 v20, v18;
	v20 =	vor.u32 v15, v28;
	v28 =	vld.idx.msk [tilespmem:v31+s13+$0x0], $0xffff  }
0x215: {  	v21 =	vadd.f32 v27, v21;
	v27 =	vor.u32 v15, v32  }
0x216: {  	[tilespmem:v23+s16+$0x0] =	vst.idx.msk $0xffff, v18;
	v18 =	vadd.f32 v22, v19;
	v19 =	vor.u32 v15, v33  }
0x217: {  	[tilespmem:v17+s16+$0x0] =	vst.idx.msk $0xffff, v21;
	v16 =	vadd.f32 v26, v16  }
0x218: {  	s26 =	sshll.u32 s24, $0x13;
	[tilespmem:v29+s16+$0x0] =	vst.idx.msk $0xffff, v18;
	v17 =	vadd.f32 v30, v24  }
0x219: {  	s26 =	sor.u32 s7, s26;
	[tilespmem:v20+s16+$0x0] =	vst.idx.msk $0xffff, v16;
	v16 =	vadd.f32 v28, v25  }
0x21a: {  	s26 =	sshrl.u32 s26, $0x3;
	[tilespmem:v27+s16+$0x0] =	vst.idx.msk $0xffff, v17  }
0x21b: {  	p1 =	seq.s32 s24, $0x63;
	s26 =	sadd.s32 s3, s26;
	[tilespmem:v19+s16+$0x0] =	vst.idx.msk $0xffff, v16  }
0x21c: {  	[hbm4b:s26+s17] =	stream.strided.scatter [tilespmem:s16], [sflag:$0x3], $0x2000, s18, s17, $0x38;
	[tilespmem:$0x11600] =	vst v63  }
0x21d: {  	s26 =	sshll.u32 @!p1 s24, $0x8  }
0x21e: {  	s26 =	sand.u32 @!p1 $0x3FFFFF00, s26  }
0x21f: {  	s28 =	simm.s32 @!p1 $0x80;
	s29 =	simm.s32 @!p1 $0x6400;
	s26 =	sadd.s32 @!p1 $0x100, s26  }
0x220: {  	[tilespmem:s29], [sflag:$0x1] =	stream.indirect.gather @!p1 [hbm4b:s5+s28], $0x40, s26, s28, $0xb8;
	[tilespmem:$0x11600] =	vst v63  }
0x221: {  	s25 =	sor.u32 $0x1, s25;
	s29 =	simm.s32 $0x0  }
0x222: {  	s30 =	sshll.u32 s25, $0x6;
	v18 =	vadd.s32 s29, v0  }
0x223: {  	v16 =	vmov s30;
	_ =	swait.ge [sflag:s19], $0x2000;
	v19 =	vand.u32 $0xF, v18  }
0x224: {  	[sflag:s19] =	ssyncset.done $0x0;
	v17 =	vor.u32 v16, v19  }
0x225: {  	s26 =	simm.s32 @!p0 $0x4;
	[sflag:s19] =	ssyncadd.s32 $0xFFFFE000;
	v20 =	vor.u32 v1, v19  }
0x226: {  	_ =	swait.ge @!p0 [sflag:s26], $0x2000  }
0x227: {  	[sflag:s26] =	ssyncset.done @!p0 $0x0  }
0x228: {  	[sflag:s26] =	ssyncadd.s32 @!p0 $0xFFFFE000  }
0x229: {  	v21 =	vld.idx.msk [tilespmem:v17+s9+$0x0], $0xffff  }
0x22a: {  	v22 =	vshll.u32 v18, $0x7;
	v17 =	vld.idx.msk [tilespmem:v20+s14+$0x0], $0xffff  }
0x22b: {  	v23 =	vand.u32 $0x780, v22  }
0x22c: {  	v20 =	vor.u32 v0, v23  }
0x22d: {  	v24 =	vor.u32 v2, v19;
	_ =	sdelay $0x1  }
0x22e: {  	v17 =	vadd.f32 v17, v21;
	_ =	sdelay $0x1  }
0x22f: {  	[tilespmem:v20+s20+$0x0] =	vst.idx.msk $0xffff, v17  }
0x230: {  	v17 =	vld.idx.msk [tilespmem:v24+s14+$0x0], $0xffff;
	_ =	sdelay $0x1  }
0x231: {  	v20 =	vor.u32 v3, v23  }
0x232: {  	v24 =	vor.u32 v4, v19;
	_ =	sdelay $0x1  }
0x233: {  	v17 =	vadd.f32 v17, v21;
	_ =	sdelay $0x1  }
0x234: {  	[tilespmem:v20+s20+$0x0] =	vst.idx.msk $0xffff, v17  }
0x235: {  	v17 =	vld.idx.msk [tilespmem:v24+s14+$0x0], $0xffff;
	_ =	sdelay $0x1  }
0x236: {  	v20 =	vor.u32 v5, v23  }
0x237: {  	v24 =	vor.u32 v6, v19;
	_ =	sdelay $0x1  }
0x238: {  	v17 =	vadd.f32 v17, v21;
	_ =	sdelay $0x1  }
0x239: {  	[tilespmem:v20+s20+$0x0] =	vst.idx.msk $0xffff, v17  }
0x23a: {  	v17 =	vld.idx.msk [tilespmem:v24+s14+$0x0], $0xffff;
	_ =	sdelay $0x1  }
0x23b: {  	v20 =	vor.u32 v7, v23  }
0x23c: {  	v24 =	vor.u32 v8, v19;
	_ =	sdelay $0x1  }
0x23d: {  	v17 =	vadd.f32 v17, v21;
	_ =	sdelay $0x1  }
0x23e: {  	[tilespmem:v20+s20+$0x0] =	vst.idx.msk $0xffff, v17  }
0x23f: {  	v20 =	vld.idx.msk [tilespmem:v24+s14+$0x0], $0xffff;
	_ =	sdelay $0x1  }
0x240: {  	v24 =	vor.u32 v9, v23  }
0x241: {  	s31 =	simm.s32 $0x1;
	v25 =	vor.u32 v10, v19  }
0x242: {  	v17 =	vadd.s32 s31, v0  }
0x243: {  	v26 =	vadd.f32 v20, v21;
	v20 =	vand.u32 $0xF, v17  }
0x244: {  	v27 =	vor.u32 v16, v20  }
0x245: {  	v28 =	vor.u32 v1, v20;
	[tilespmem:v24+s20+$0x0] =	vst.idx.msk $0xffff, v26  }
0x246: {  	v24 =	vld.idx.msk [tilespmem:v25+s14+$0x0], $0xffff;
	_ =	sdelay $0x1  }
0x247: {  	v25 =	vor.u32 v11, v23  }
0x248: {  	v26 =	vld.idx.msk [tilespmem:v27+s9+$0x0], $0xffff;
	v27 =	vor.u32 v12, v19  }
0x249: {  	v30 =	vshll.u32 v17, $0x7;
	v28 =	vld.idx.msk [tilespmem:v28+s14+$0x0], $0xffff  }
0x24a: {  	v29 =	vand.u32 $0x780, v30;
	v24 =	vadd.f32 v24, v21  }
0x24b: {  	v31 =	vor.u32 v0, v29  }
0x24c: {  	[tilespmem:v25+s20+$0x0] =	vst.idx.msk $0xffff, v24;
	v24 =	vor.u32 v2, v20  }
0x24d: {  	v25 =	vld.idx.msk [tilespmem:v27+s14+$0x0], $0xffff  }
0x24e: {  	v27 =	vadd.f32 v28, v26  }
0x24f: {  	v28 =	vor.u32 v13, v23  }
0x250: {  	[tilespmem:v31+s20+$0x0] =	vst.idx.msk $0xffff, v27;
	v27 =	vor.u32 v14, v19  }
0x251: {  	v24 =	vld.idx.msk [tilespmem:v24+s14+$0x0], $0xffff  }
0x252: {  	v25 =	vadd.f32 v25, v21  }
0x253: {  	v31 =	vor.u32 v3, v29  }
0x254: {  	[tilespmem:v28+s20+$0x0] =	vst.idx.msk $0xffff, v25;
	v25 =	vor.u32 v4, v20  }
0x255: {  	v27 =	vld.idx.msk [tilespmem:v27+s14+$0x0], $0xffff  }
0x256: {  	v24 =	vadd.f32 v24, v26  }
0x257: {  	v23 =	vor.u32 v15, v23;
	v28 =	vor.u32 $0x10, v18  }
0x258: {  	v47 =	vor.u32 v16, v28;
	v33 =	vand.u32 $0x1F, v28;
	[tilespmem:v31+s20+$0x0] =	vst.idx.msk $0xffff, v24  }
0x259: {  	v24 =	vor.u32 v1, v33;
	v25 =	vld.idx.msk [tilespmem:v25+s14+$0x0], $0xffff  }
0x25a: {  	v21 =	vadd.f32 v27, v21  }
0x25b: {  	v27 =	vor.u32 v5, v29  }
0x25c: {  	v31 =	vor.u32 v6, v20;
	[tilespmem:v23+s20+$0x0] =	vst.idx.msk $0xffff, v21  }
0x25d: {  	v21 =	vshll.u32 v28, $0x7;
	v28 =	vld.idx.msk [tilespmem:v47+s9+$0x0], $0xffff  }
0x25e: {  	v23 =	vand.u32 $0x380, v22;
	v22 =	vld.idx.msk [tilespmem:v24+s14+$0x0], $0xffff;
	v21 =	vand.u32 $0xC00, v21;
	v24 =	vadd.f32 v25, v26  }
0x25f: {  	v35 =	vor.u32 v23, v21  }
0x260: {  	v21 =	vor.u32 v0, v35;
	[tilespmem:v27+s20+$0x0] =	vst.idx.msk $0xffff, v24  }
0x261: {  	v24 =	vor.u32 v2, v33;
	v25 =	vld.idx.msk [tilespmem:v31+s14+$0x0], $0xffff;
	_ =	sdelay $0x1  }
0x262: {  	v27 =	vor.u32 v7, v29;
	v22 =	vadd.f32 v22, v28  }
0x263: {  	v31 =	vor.u32 v8, v20  }
0x264: {  	[tilespmem:v21+s20+$0x0] =	vst.idx.msk $0xffff, v22  }
0x265: {  	v21 =	vld.idx.msk [tilespmem:v24+s14+$0x0], $0xffff;
	v22 =	vadd.f32 v25, v26;
	_ =	sdelay $0x1  }
0x266: {  	[tilespmem:v27+s20+$0x0] =	vst.idx.msk $0xffff, v22;
	v22 =	vor.u32 v3, v35  }
0x267: {  	v25 =	vor.u32 v4, v33;
	v24 =	vld.idx.msk [tilespmem:v31+s14+$0x0], $0xffff;
	_ =	sdelay $0x1  }
0x268: {  	v27 =	vor.u32 v9, v29;
	v21 =	vadd.f32 v21, v28  }
0x269: {  	s28 =	simm.s32 $0x2;
	v48 =	vor.u32 v10, v20  }
0x26a: {  	[tilespmem:v22+s20+$0x0] =	vst.idx.msk $0xffff, v21;
	v22 =	vadd.s32 s28, v0  }
0x26b: {  	v21 =	vadd.f32 v24, v26;
	v24 =	vld.idx.msk [tilespmem:v25+s14+$0x0], $0xffff;
	v31 =	vand.u32 $0xF, v22  }
0x26c: {  	v25 =	vor.u32 v16, v31  }
0x26d: {  	v49 =	vor.u32 v1, v31;
	[tilespmem:v27+s20+$0x0] =	vst.idx.msk $0xffff, v21;
	v21 =	vor.u32 v5, v35  }
0x26e: {  	v50 =	vor.u32 v6, v33;
	v32 =	vld.idx.msk [tilespmem:v48+s14+$0x0], $0xffff;
	_ =	sdelay $0x1  }
0x26f: {  	v51 =	vor.u32 v11, v29;
	v52 =	vadd.f32 v24, v28  }
0x270: {  	v27 =	vld.idx.msk [tilespmem:v25+s9+$0x0], $0xffff;
	v25 =	vor.u32 v12, v20  }
0x271: {  	v24 =	vshll.u32 v22, $0x7;
	v34 =	vld.idx.msk [tilespmem:v49+s14+$0x0], $0xffff;
	[tilespmem:v21+s20+$0x0] =	vst.idx.msk $0xffff, v52  }
0x272: {  	v21 =	vadd.f32 v32, v26;
	v36 =	vld.idx.msk [tilespmem:v50+s14+$0x0], $0xffff;
	v32 =	vand.u32 $0x780, v24  }
0x273: {  	v53 =	vor.u32 v0, v32  }
0x274: {  	v54 =	vor.u32 v7, v35;
	[tilespmem:v51+s20+$0x0] =	vst.idx.msk $0xffff, v21;
	v21 =	vor.u32 v2, v31  }
0x275: {  	v55 =	vor.u32 v8, v33;
	v25 =	vld.idx.msk [tilespmem:v25+s14+$0x0], $0xffff  }
0x276: {  	v34 =	vadd.f32 v34, v27  }
0x277: {  	v56 =	vor.u32 v13, v29;
	v36 =	vadd.f32 v36, v28  }
0x278: {  	v57 =	vor.u32 v14, v20;
	[tilespmem:v53+s20+$0x0] =	vst.idx.msk $0xffff, v34  }
0x279: {  	v21 =	vld.idx.msk [tilespmem:v21+s14+$0x0], $0xffff;
	[tilespmem:v54+s20+$0x0] =	vst.idx.msk $0xffff, v36  }
0x27a: {  	v25 =	vadd.f32 v25, v26;
	v36 =	vld.idx.msk [tilespmem:v55+s14+$0x0], $0xffff  }
0x27b: {  	v58 =	vor.u32 v3, v32  }
0x27c: {  	v59 =	vor.u32 v9, v35;
	[tilespmem:v56+s20+$0x0] =	vst.idx.msk $0xffff, v25;
	v25 =	vor.u32 v4, v31  }
0x27d: {  	v60 =	vor.u32 v10, v33;
	v34 =	vld.idx.msk [tilespmem:v57+s14+$0x0], $0xffff  }
0x27e: {  	v21 =	vadd.f32 v21, v27  }
0x27f: {  	v61 =	vor.u32 $0x10, v17;
	v62 =	vor.u32 v15, v29;
	v36 =	vadd.f32 v36, v28  }
0x280: {  	v63 =	vor.u32 v16, v61;
	v29 =	vand.u32 $0x1F, v61;
	[tilespmem:v58+s20+$0x0] =	vst.idx.msk $0xffff, v21  }
0x281: {  	v44 =	vor.u32 v1, v29;
	v25 =	vld.idx.msk [tilespmem:v25+s14+$0x0], $0xffff;
	[tilespmem:v59+s20+$0x0] =	vst.idx.msk $0xffff, v36  }
0x282: {  	v21 =	vadd.f32 v34, v26;
	v45 =	vld.idx.msk [tilespmem:v60+s14+$0x0], $0xffff  }
0x283: {  	v46 =	vor.u32 v5, v32  }
0x284: {  	v47 =	vor.u32 v6, v31;
	v48 =	vor.u32 v11, v35;
	[tilespmem:v62+s20+$0x0] =	vst.idx.msk $0xffff, v21  }
0x285: {  	v40 =	vshll.u32 v61, $0x7;
	v49 =	vor.u32 v12, v33;
	v26 =	vld.idx.msk [tilespmem:v63+s9+$0x0], $0xffff  }
0x286: {  	v50 =	vand.u32 $0xC00, v40;
	v21 =	vand.u32 $0x380, v30;
	v30 =	vld.idx.msk [tilespmem:v44+s14+$0x0], $0xffff;
	v51 =	vadd.f32 v25, v27  }
0x287: {  	v25 =	vor.u32 v21, v50;
	v34 =	vadd.f32 v45, v28  }
0x288: {  	v52 =	vor.u32 v0, v25;
	[tilespmem:v46+s20+$0x0] =	vst.idx.msk $0xffff, v51  }
0x289: {  	v53 =	vor.u32 v2, v29;
	v38 =	vld.idx.msk [tilespmem:v47+s14+$0x0], $0xffff;
	[tilespmem:v48+s20+$0x0] =	vst.idx.msk $0xffff, v34  }
0x28a: {  	v34 =	vld.idx.msk [tilespmem:v49+s14+$0x0], $0xffff  }
0x28b: {  	v54 =	vor.u32 v7, v32;
	v30 =	vadd.f32 v30, v26  }
0x28c: {  	v55 =	vor.u32 v8, v31;
	v56 =	vor.u32 v13, v35  }
0x28d: {  	[tilespmem:v52+s20+$0x0] =	vst.idx.msk $0xffff, v30;
	v30 =	vor.u32 v14, v33  }
0x28e: {  	v57 =	vld.idx.msk [tilespmem:v53+s14+$0x0], $0xffff;
	v58 =	vadd.f32 v38, v27  }
0x28f: {  	v34 =	vadd.f32 v34, v28  }
0x290: {  	v59 =	vor.u32 v3, v25;
	[tilespmem:v54+s20+$0x0] =	vst.idx.msk $0xffff, v58  }
0x291: {  	v60 =	vld.idx.msk [tilespmem:v55+s14+$0x0], $0xffff;
	[tilespmem:v56+s20+$0x0] =	vst.idx.msk $0xffff, v34  }
0x292: {  	v61 =	vor.u32 v4, v29;
	v62 =	vand.u32 $0x7, v18;
	v63 =	vor.u32 $0x20, v19;
	v47 =	vld.idx.msk [tilespmem:v30+s14+$0x0], $0xffff  }
0x293: {  	v48 =	vor.u32 v9, v32;
	v19 =	vadd.f32 v57, v26;
	v30 =	vand.u32 $0x28, v63  }
0x294: {  	s29 =	simm.s32 $0x3;
	v35 =	vor.u32 v15, v35;
	v49 =	vor.u32 v10, v31;
	v34 =	vor.u32 v62, v30  }
0x295: {  	[tilespmem:v59+s20+$0x0] =	vst.idx.msk $0xffff, v19;
	v19 =	vadd.s32 s29, v0;
	v50 =	vor.u32 v16, v34  }
0x296: {  	v51 =	vor.u32 v1, v34;
	v30 =	vand.u32 $0xF, v19;
	v37 =	vadd.f32 v60, v27  }
0x297: {  	v38 =	vld.idx.msk [tilespmem:v61+s14+$0x0], $0xffff;
	v52 =	vor.u32 v16, v30;
	v28 =	vadd.f32 v47, v28  }
0x298: {  	v53 =	vor.u32 v1, v30;
	[tilespmem:v48+s20+$0x0] =	vst.idx.msk $0xffff, v37  }
0x299: {  	v54 =	vor.u32 v5, v25;
	v41 =	vld.idx.msk [tilespmem:v49+s14+$0x0], $0xffff;
	[tilespmem:v35+s20+$0x0] =	vst.idx.msk $0xffff, v28  }
0x29a: {  	v55 =	vor.u32 v6, v29;
	v33 =	vld.idx.msk [tilespmem:v50+s9+$0x0], $0xffff  }
0x29b: {  	v57 =	vshll.u32 v63, $0x7;
	v56 =	vld.idx.msk [tilespmem:v51+s14+$0x0], $0xffff  }
0x29c: {  	v58 =	vor.u32 v11, v32;
	v59 =	vand.u32 $0x1400, v57;
	v38 =	vadd.f32 v38, v26;
	v36 =	vld.idx.msk [tilespmem:v52+s9+$0x0], $0xffff  }
0x29d: {  	v43 =	vor.u32 v23, v59;
	v60 =	vor.u32 v12, v31;
	v28 =	vshll.u32 v19, $0x7;
	v44 =	vld.idx.msk [tilespmem:v53+s14+$0x0], $0xffff  }
0x29e: {  	v61 =	vor.u32 v0, v43;
	v42 =	vand.u32 $0x780, v28;
	[tilespmem:v54+s20+$0x0] =	vst.idx.msk $0xffff, v38  }
0x29f: {  	v63 =	vor.u32 v2, v34;
	v52 =	vor.u32 v0, v42;
	v35 =	vld.idx.msk [tilespmem:v55+s14+$0x0], $0xffff;
	v62 =	vadd.f32 v41, v27  }
0x2a0: {  	v53 =	vor.u32 v2, v30  }
0x2a1: {  	v54 =	vor.u32 v7, v25;
	v55 =	vadd.f32 v56, v33;
	[tilespmem:v58+s20+$0x0] =	vst.idx.msk $0xffff, v62  }
0x2a2: {  	v56 =	vor.u32 v8, v29;
	v44 =	vadd.f32 v44, v36;
	v40 =	vld.idx.msk [tilespmem:v60+s14+$0x0], $0xffff  }
0x2a3: {  	[tilespmem:v61+s20+$0x0] =	vst.idx.msk $0xffff, v55  }
0x2a4: {  	v57 =	vor.u32 v13, v32;
	v35 =	vadd.f32 v35, v26;
	v37 =	vld.idx.msk [tilespmem:v63+s14+$0x0], $0xffff;
	[tilespmem:v52+s20+$0x0] =	vst.idx.msk $0xffff, v44  }
0x2a5: {  	v58 =	vor.u32 v14, v31;
	v44 =	vld.idx.msk [tilespmem:v53+s14+$0x0], $0xffff  }
0x2a6: {  	v59 =	vor.u32 v3, v43;
	[tilespmem:v54+s20+$0x0] =	vst.idx.msk $0xffff, v35  }
0x2a7: {  	v60 =	vor.u32 v4, v34;
	v61 =	vor.u32 v3, v42;
	v39 =	vld.idx.msk [tilespmem:v56+s14+$0x0], $0xffff;
	v40 =	vadd.f32 v40, v27  }
0x2a8: {  	v62 =	vor.u32 v4, v30  }
0x2a9: {  	v63 =	vor.u32 v9, v25;
	v37 =	vadd.f32 v37, v33;
	[tilespmem:v57+s20+$0x0] =	vst.idx.msk $0xffff, v40  }
0x2aa: {  	v51 =	vor.u32 v10, v29;
	v52 =	vadd.f32 v44, v36;
	v41 =	vld.idx.msk [tilespmem:v58+s14+$0x0], $0xffff  }
0x2ab: {  	v32 =	vor.u32 v15, v32;
	[tilespmem:v59+s20+$0x0] =	vst.idx.msk $0xffff, v37  }
0x2ac: {  	v54 =	vor.u32 $0x10, v22;
	v53 =	vadd.f32 v39, v26;
	v55 =	vld.idx.msk [tilespmem:v60+s14+$0x0], $0xffff;
	[tilespmem:v61+s20+$0x0] =	vst.idx.msk $0xffff, v52  }
0x2ad: {  	v56 =	vor.u32 v16, v54;
	v38 =	vand.u32 $0x1F, v54;
	v57 =	vld.idx.msk [tilespmem:v62+s14+$0x0], $0xffff  }
0x2ae: {  	v58 =	vor.u32 v1, v38;
	v59 =	vor.u32 v5, v43;
	[tilespmem:v63+s20+$0x0] =	vst.idx.msk $0xffff, v53  }
0x2af: {  	v60 =	vor.u32 v6, v34;
	v61 =	vor.u32 v5, v42;
	v40 =	vld.idx.msk [tilespmem:v51+s14+$0x0], $0xffff;
	v27 =	vadd.f32 v41, v27  }
0x2b0: {  	v62 =	vor.u32 v6, v30  }
0x2b1: {  	v63 =	vor.u32 v11, v25;
	[tilespmem:v32+s20+$0x0] =	vst.idx.msk $0xffff, v27;
	v27 =	vadd.f32 v55, v33  }
0x2b2: {  	v50 =	vor.u32 v12, v29;
	v37 =	vshll.u32 v54, $0x7;
	v51 =	vadd.f32 v57, v36;
	v39 =	vld.idx.msk [tilespmem:v56+s9+$0x0], $0xffff  }
0x2b3: {  	v24 =	vand.u32 $0x380, v24;
	v37 =	vand.u32 $0xC00, v37;
	v35 =	vld.idx.msk [tilespmem:v58+s14+$0x0], $0xffff;
	[tilespmem:v59+s20+$0x0] =	vst.idx.msk $0xffff, v27  }
0x2b4: {  	v41 =	vor.u32 v24, v37;
	v27 =	vadd.f32 v40, v26;
	[tilespmem:v61+s20+$0x0] =	vst.idx.msk $0xffff, v51;
	v52 =	vld.idx.msk [tilespmem:v60+s14+$0x0], $0xffff  }
0x2b5: {  	v37 =	vor.u32 v0, v41;
	v44 =	vld.idx.msk [tilespmem:v62+s14+$0x0], $0xffff  }
0x2b6: {  	v53 =	vor.u32 v7, v43;
	[tilespmem:v63+s20+$0x0] =	vst.idx.msk $0xffff, v27;
	v27 =	vor.u32 v2, v38  }
0x2b7: {  	v54 =	vor.u32 v8, v34;
	v55 =	vor.u32 v7, v42;
	v32 =	vld.idx.msk [tilespmem:v50+s14+$0x0], $0xffff  }
0x2b8: {  	v56 =	vor.u32 v8, v30;
	v35 =	vadd.f32 v35, v39  }
0x2b9: {  	v57 =	vor.u32 v13, v25;
	v40 =	vadd.f32 v52, v33  }
0x2ba: {  	v29 =	vor.u32 v14, v29;
	[tilespmem:v37+s20+$0x0] =	vst.idx.msk $0xffff, v35;
	v58 =	vadd.f32 v44, v36  }
0x2bb: {  	v27 =	vld.idx.msk [tilespmem:v27+s14+$0x0], $0xffff;
	[tilespmem:v53+s20+$0x0] =	vst.idx.msk $0xffff, v40  }
0x2bc: {  	v32 =	vadd.f32 v32, v26;
	[tilespmem:v55+s20+$0x0] =	vst.idx.msk $0xffff, v58;
	v59 =	vld.idx.msk [tilespmem:v54+s14+$0x0], $0xffff  }
0x2bd: {  	v60 =	vor.u32 v3, v41;
	v62 =	vld.idx.msk [tilespmem:v56+s14+$0x0], $0xffff  }
0x2be: {  	v20 =	vor.u32 $0x20, v20;
	v63 =	vor.u32 v9, v43;
	v53 =	vor.u32 v4, v38;
	[tilespmem:v57+s20+$0x0] =	vst.idx.msk $0xffff, v32  }
0x2bf: {  	v61 =	vand.u32 $0x7, v17;
	v55 =	vor.u32 v10, v34;
	v56 =	vor.u32 v9, v42;
	v29 =	vld.idx.msk [tilespmem:v29+s14+$0x0], $0xffff  }
0x2c0: {  	v52 =	vor.u32 v10, v30;
	v54 =	vand.u32 $0x28, v20;
	v57 =	vadd.f32 v27, v39  }
0x2c1: {  	s30 =	simm.s32 $0x4;
	v58 =	vor.u32 v15, v25;
	v27 =	vor.u32 v61, v54;
	v37 =	vadd.f32 v59, v33  }
0x2c2: {  	v25 =	vadd.s32 s30, v0;
	v47 =	vor.u32 v16, v27;
	[tilespmem:v60+s20+$0x0] =	vst.idx.msk $0xffff, v57;
	v59 =	vadd.f32 v62, v36  }
0x2c3: {  	v32 =	vand.u32 $0xF, v25;
	v60 =	vor.u32 v1, v27;
	v61 =	vld.idx.msk [tilespmem:v53+s14+$0x0], $0xffff;
	[tilespmem:v63+s20+$0x0] =	vst.idx.msk $0xffff, v37  }
0x2c4: {  	v62 =	vor.u32 v16, v32;
	v26 =	vadd.f32 v29, v26;
	[tilespmem:v56+s20+$0x0] =	vst.idx.msk $0xffff, v59;
	v46 =	vld.idx.msk [tilespmem:v55+s14+$0x0], $0xffff  }
0x2c5: {  	v50 =	vor.u32 v5, v41;
	v63 =	vor.u32 v1, v32;
	v45 =	vld.idx.msk [tilespmem:v52+s14+$0x0], $0xffff  }
0x2c6: {  	v40 =	vor.u32 v6, v38;
	v57 =	vor.u32 v11, v43;
	[tilespmem:v58+s20+$0x0] =	vst.idx.msk $0xffff, v26  }
0x2c7: {  	v20 =	vshll.u32 v20, $0x7;
	v59 =	vor.u32 v11, v42;
	v58 =	vor.u32 v12, v34;
	v26 =	vld.idx.msk [tilespmem:v47+s9+$0x0], $0xffff  }
0x2c8: {  	v35 =	vshll.u32 v25, $0x7;
	v20 =	vand.u32 $0x1400, v20;
	v44 =	vld.idx.msk [tilespmem:v60+s14+$0x0], $0xffff;
	v60 =	vadd.f32 v61, v39  }
0x2c9: {  	v29 =	vor.u32 v21, v20;
	v37 =	vld.idx.msk [tilespmem:v62+s9+$0x0], $0xffff;
	v61 =	vor.u32 v12, v30;
	v20 =	vadd.f32 v46, v33  }
0x2ca: {  	v62 =	vor.u32 v0, v29;
	v63 =	vld.idx.msk [tilespmem:v63+s14+$0x0], $0xffff;
	[tilespmem:v50+s20+$0x0] =	vst.idx.msk $0xffff, v60;
	v45 =	vadd.f32 v45, v36  }
0x2cb: {  	v50 =	vor.u32 v2, v27;
	v49 =	vld.idx.msk [tilespmem:v40+s14+$0x0], $0xffff;
	v40 =	vand.u32 $0x780, v35;
	[tilespmem:v57+s20+$0x0] =	vst.idx.msk $0xffff, v20  }
0x2cc: {  	v56 =	vor.u32 v0, v40;
	[tilespmem:v59+s20+$0x0] =	vst.idx.msk $0xffff, v45;
	v20 =	vld.idx.msk [tilespmem:v58+s14+$0x0], $0xffff  }
0x2cd: {  	v44 =	vadd.f32 v44, v26;
	v57 =	vor.u32 v2, v32;
	v59 =	vor.u32 v7, v41  }
0x2ce: {  	v60 =	vor.u32 v8, v38;
	v58 =	vld.idx.msk [tilespmem:v61+s14+$0x0], $0xffff;
	v61 =	vor.u32 v13, v43  }
0x2cf: {  	v34 =	vor.u32 v14, v34;
	[tilespmem:v62+s20+$0x0] =	vst.idx.msk $0xffff, v44;
	v62 =	vadd.f32 v63, v37  }
0x2d0: {  	v63 =	vor.u32 v13, v42;
	v50 =	vld.idx.msk [tilespmem:v50+s14+$0x0], $0xffff;
	v49 =	vadd.f32 v49, v39  }
0x2d1: {  	[tilespmem:v56+s20+$0x0] =	vst.idx.msk $0xffff, v62;
	v56 =	vor.u32 v14, v30;
	v20 =	vadd.f32 v20, v33  }
0x2d2: {  	v45 =	vld.idx.msk [tilespmem:v57+s14+$0x0], $0xffff;
	[tilespmem:v59+s20+$0x0] =	vst.idx.msk $0xffff, v49;
	v57 =	vor.u32 v3, v29  }
0x2d3: {  	v58 =	vadd.f32 v58, v36;
	v59 =	vld.idx.msk [tilespmem:v60+s14+$0x0], $0xffff;
	v60 =	vor.u32 v4, v27;
	[tilespmem:v61+s20+$0x0] =	vst.idx.msk $0xffff, v20  }
0x2d4: {  	v53 =	vor.u32 v3, v40;
	v62 =	vor.u32 v9, v41;
	v44 =	vld.idx.msk [tilespmem:v34+s14+$0x0], $0xffff  }
0x2d5: {  	v18 =	vor.u32 $0x30, v18;
	[tilespmem:v63+s20+$0x0] =	vst.idx.msk $0xffff, v58;
	v20 =	vadd.f32 v50, v26;
	v61 =	vor.u32 v4, v32  }
0x2d6: {  	v55 =	vor.u32 v16, v18;
	v43 =	vor.u32 v15, v43;
	v63 =	vor.u32 v10, v38;
	v46 =	vld.idx.msk [tilespmem:v56+s14+$0x0], $0xffff  }
0x2d7: {  	v42 =	vor.u32 v15, v42;
	[tilespmem:v57+s20+$0x0] =	vst.idx.msk $0xffff, v20;
	v45 =	vadd.f32 v45, v37;
	v20 =	vand.u32 $0x3F, v18  }
0x2d8: {  	v50 =	vor.u32 $0x10, v19;
	v47 =	vld.idx.msk [tilespmem:v60+s14+$0x0], $0xffff;
	v51 =	vadd.f32 v59, v39;
	v52 =	vor.u32 v1, v20  }
0x2d9: {  	v34 =	vand.u32 $0x1F, v50;
	v60 =	vor.u32 v16, v50;
	[tilespmem:v53+s20+$0x0] =	vst.idx.msk $0xffff, v45;
	v33 =	vadd.f32 v44, v33  }
0x2da: {  	v48 =	vor.u32 v5, v29;
	v44 =	vor.u32 v1, v34;
	v45 =	vld.idx.msk [tilespmem:v61+s14+$0x0], $0xffff;
	[tilespmem:v62+s20+$0x0] =	vst.idx.msk $0xffff, v51  }
0x2db: {  	v61 =	vor.u32 v6, v27;
	v36 =	vadd.f32 v46, v36;
	v46 =	vld.idx.msk [tilespmem:v63+s14+$0x0], $0xffff;
	[tilespmem:v43+s20+$0x0] =	vst.idx.msk $0xffff, v33  }
0x2dc: {  	v28 =	vand.u32 $0x380, v28;
	v59 =	vor.u32 v11, v41;
	v62 =	vshll.u32 v18, $0x7;
	v18 =	vld.idx.msk [tilespmem:v55+s9+$0x0], $0xffff  }
0x2dd: {  	v51 =	vor.u32 v5, v40;
	[tilespmem:v42+s20+$0x0] =	vst.idx.msk $0xffff, v36;
	v57 =	vadd.f32 v47, v26;
	v42 =	vld.idx.msk [tilespmem:v52+s14+$0x0], $0xffff  }
0x2de: {  	v63 =	vshll.u32 v50, $0x7;
	v50 =	vor.u32 v6, v32;
	v58 =	vand.u32 $0x1C00, v62;
	v33 =	vld.idx.msk [tilespmem:v60+s9+$0x0], $0xffff  }
0x2df: {  	v23 =	vor.u32 v23, v58;
	v60 =	vor.u32 v12, v38;
	v44 =	vld.idx.msk [tilespmem:v44+s14+$0x0], $0xffff;
	[tilespmem:v48+s20+$0x0] =	vst.idx.msk $0xffff, v57  }
0x2e0: {  	v43 =	vand.u32 $0xC00, v63;
	v45 =	vadd.f32 v45, v37;
	v47 =	vld.idx.msk [tilespmem:v61+s14+$0x0], $0xffff;
	v61 =	vor.u32 v0, v23  }
0x2e1: {  	v63 =	vor.u32 v2, v20;
	v36 =	vor.u32 v28, v43;
	v62 =	vadd.f32 v46, v39  }
0x2e2: {  	v58 =	vor.u32 v7, v29;
	v56 =	vor.u32 v0, v36;
	[tilespmem:v51+s20+$0x0] =	vst.idx.msk $0xffff, v45  }
0x2e3: {  	v57 =	vor.u32 v2, v34;
	v50 =	vld.idx.msk [tilespmem:v50+s14+$0x0], $0xffff;
	[tilespmem:v59+s20+$0x0] =	vst.idx.msk $0xffff, v62;
	v42 =	vadd.f32 v42, v18  }
0x2e4: {  	v59 =	vor.u32 v8, v27;
	v52 =	vld.idx.msk [tilespmem:v60+s14+$0x0], $0xffff  }
0x2e5: {  	v60 =	vor.u32 v7, v40;
	v44 =	vadd.f32 v44, v33;
	[tilespmem:v61+s20+$0x0] =	vst.idx.msk $0xffff, v42  }
0x2e6: {  	v48 =	vor.u32 v8, v32;
	v47 =	vadd.f32 v47, v26;
	v61 =	vor.u32 v13, v41;
	v46 =	vld.idx.msk [tilespmem:v63+s14+$0x0], $0xffff  }
0x2e7: {  	v38 =	vor.u32 v14, v38;
	[tilespmem:v56+s20+$0x0] =	vst.idx.msk $0xffff, v44  }
0x2e8: {  	v63 =	vor.u32 v3, v23;
	v45 =	vld.idx.msk [tilespmem:v57+s14+$0x0], $0xffff;
	[tilespmem:v58+s20+$0x0] =	vst.idx.msk $0xffff, v47;
	v62 =	vadd.f32 v50, v37  }
0x2e9: {  	v57 =	vor.u32 v4, v20;
	v43 =	vld.idx.msk [tilespmem:v59+s14+$0x0], $0xffff;
	v56 =	vadd.f32 v52, v39  }
0x2ea: {  	v54 =	vor.u32 v10, v27;
	v53 =	vor.u32 $0x20, v31;
	v58 =	vor.u32 v3, v36;
	[tilespmem:v60+s20+$0x0] =	vst.idx.msk $0xffff, v62  }
0x2eb: {  	v60 =	vor.u32 v9, v29;
	v48 =	vld.idx.msk [tilespmem:v48+s14+$0x0], $0xffff;
	[tilespmem:v61+s20+$0x0] =	vst.idx.msk $0xffff, v56;
	v31 =	vadd.f32 v46, v18  }
0x2ec: {  	v41 =	vor.u32 v15, v41;
	v59 =	vand.u32 $0x7, v22;
	v46 =	vor.u32 v4, v34;
	v50 =	vld.idx.msk [tilespmem:v38+s14+$0x0], $0xffff  }
0x2ed: {  	v62 =	vor.u32 v9, v40;
	v61 =	vand.u32 $0x28, v53;
	v45 =	vadd.f32 v45, v33;
	[tilespmem:v63+s20+$0x0] =	vst.idx.msk $0xffff, v31  }
0x2ee: {  	v44 =	vor.u32 v10, v32;
	v38 =	vor.u32 v59, v61;
	v43 =	vadd.f32 v43, v26;
	v51 =	vld.idx.msk [tilespmem:v57+s14+$0x0], $0xffff  }
0x2ef: {  	s31 =	simm.s32 $0x5;
	v63 =	vor.u32 v16, v38;
	[tilespmem:v58+s20+$0x0] =	vst.idx.msk $0xffff, v45;
	v58 =	vor.u32 v5, v23  }
0x2f0: {  	v31 =	vadd.s32 s31, v0;
	[tilespmem:v60+s20+$0x0] =	vst.idx.msk $0xffff, v43;
	v52 =	vadd.f32 v48, v37;
	v60 =	vor.u32 v1, v38  }
0x2f1: {  	v61 =	vor.u32 v6, v20;
	v45 =	vand.u32 $0xF, v31;
	v46 =	vld.idx.msk [tilespmem:v46+s14+$0x0], $0xffff;
	v39 =	vadd.f32 v50, v39  }
0x2f2: {  	v56 =	vor.u32 v16, v45;
	v55 =	vor.u32 v1, v45;
	v42 =	vld.idx.msk [tilespmem:v54+s14+$0x0], $0xffff;
	[tilespmem:v62+s20+$0x0] =	vst.idx.msk $0xffff, v52  }
0x2f3: {  	v50 =	vor.u32 v5, v36;
	v52 =	vld.idx.msk [tilespmem:v44+s14+$0x0], $0xffff;
	[tilespmem:v41+s20+$0x0] =	vst.idx.msk $0xffff, v39;
	v62 =	vadd.f32 v51, v18  }
0x2f4: {  	v49 =	vor.u32 v6, v34;
	v43 =	vor.u32 v11, v29;
	v54 =	vor.u32 v11, v40;
	v39 =	vld.idx.msk [tilespmem:v63+s9+$0x0], $0xffff  }
0x2f5: {  	v44 =	vor.u32 v12, v27;
	v63 =	vshll.u32 v53, $0x7;
	v47 =	vld.idx.msk [tilespmem:v60+s14+$0x0], $0xffff;
	[tilespmem:v58+s20+$0x0] =	vst.idx.msk $0xffff, v62  }
0x2f6: {  	s26 =	simm.s32 $0x6;
	v51 =	vshll.u32 v31, $0x7;
	v48 =	vand.u32 $0x1400, v63;
	v53 =	vadd.f32 v46, v33;
	v41 =	vld.idx.msk [tilespmem:v61+s14+$0x0], $0xffff  }
.LBB2_5:
0x2f7: {  	p0 =	sne.s32 s26, $0xF;
	v56 =	vld.idx.msk [tilespmem:v56+s9+$0x0], $0xffff;
	v57 =	vor.u32 v12, v32;
	v48 =	vor.u32 v24, v48;
	v42 =	vadd.f32 v42, v26  }
0x2f8: {  	v55 =	vld.idx.msk [tilespmem:v55+s14+$0x0], $0xffff;
	[tilespmem:v50+s20+$0x0] =	vst.idx.msk $0xffff, v53;
	v50 =	vor.u32 v0, v48;
	v53 =	vor.u32 v7, v23  }
0x2f9: {  	v58 =	vor.u32 v2, v38;
	v59 =	vadd.f32 v52, v37;
	v49 =	vld.idx.msk [tilespmem:v49+s14+$0x0], $0xffff;
	[tilespmem:v43+s20+$0x0] =	vst.idx.msk $0xffff, v42  }
0x2fa: {  	v46 =	vmovc v45;
	v45 =	vmovc v26;
	v42 =	vand.u32 $0x780, v51;
	v26 =	vmov v39;
	v43 =	vld.idx.msk [tilespmem:v44+s14+$0x0], $0xffff;
	v44 =	vor.u32 v8, v20  }
0x2fb: {  	v52 =	vmov v35;
	v39 =	vor.u32 v0, v42;
	v47 =	vadd.f32 v47, v26;
	[tilespmem:v54+s20+$0x0] =	vst.idx.msk $0xffff, v59  }
0x2fc: {  	v54 =	vor.u32 v2, v46;
	v59 =	vor.u32 v7, v36;
	v41 =	vadd.f32 v41, v18;
	v57 =	vld.idx.msk [tilespmem:v57+s14+$0x0], $0xffff  }
0x2fd: {  	v60 =	vor.u32 v8, v34;
	v35 =	vmov v51;
	[tilespmem:v50+s20+$0x0] =	vst.idx.msk $0xffff, v47;
	v47 =	vor.u32 v13, v29  }
0x2fe: {  	v50 =	vadd.f32 v55, v56;
	v55 =	vor.u32 v14, v27;
	v51 =	vld.idx.msk [tilespmem:v58+s14+$0x0], $0xffff;
	[tilespmem:v53+s20+$0x0] =	vst.idx.msk $0xffff, v41  }
0x2ff: {  	v27 =	vmovc v38;
	v41 =	vor.u32 v13, v40;
	v49 =	vadd.f32 v49, v33;
	v53 =	vor.u32 $0x30, v17;
	v44 =	vld.idx.msk [tilespmem:v44+s14+$0x0], $0xffff  }
0x300: {  	v38 =	vor.u32 v14, v32;
	v17 =	vadd.f32 v43, v45;
	[tilespmem:v39+s20+$0x0] =	vst.idx.msk $0xffff, v50;
	v39 =	vor.u32 $0x10, v25  }
0x301: {  	v50 =	vor.u32 v9, v23;
	v43 =	vld.idx.msk [tilespmem:v54+s14+$0x0], $0xffff;
	[tilespmem:v59+s20+$0x0] =	vst.idx.msk $0xffff, v49;
	v49 =	vor.u32 v3, v48  }
0x302: {  	v58 =	vor.u32 v4, v27;
	v54 =	vadd.f32 v57, v37;
	v57 =	vld.idx.msk [tilespmem:v60+s14+$0x0], $0xffff;
	[tilespmem:v47+s20+$0x0] =	vst.idx.msk $0xffff, v17  }
0x303: {  	v59 =	vor.u32 v16, v53;
	v47 =	vor.u32 v16, v39;
	v60 =	vor.u32 v10, v20;
	v55 =	vld.idx.msk [tilespmem:v55+s14+$0x0], $0xffff  }
0x304: {  	v61 =	vor.u32 v3, v42;
	v17 =	vmov v22;
	[tilespmem:v41+s20+$0x0] =	vst.idx.msk $0xffff, v54;
	v41 =	vadd.f32 v51, v26  }
0x305: {  	v22 =	vor.u32 v4, v46;
	v51 =	vor.u32 v9, v36;
	v44 =	vadd.f32 v44, v18;
	v38 =	vld.idx.msk [tilespmem:v38+s14+$0x0], $0xffff  }
0x306: {  	v29 =	vor.u32 v15, v29;
	v54 =	vor.u32 v10, v34;
	[tilespmem:v49+s20+$0x0] =	vst.idx.msk $0xffff, v41;
	v41 =	vshll.u32 v53, $0x7  }
0x307: {  	v43 =	vadd.f32 v43, v56;
	v49 =	vand.u32 $0x1F, v39;
	v53 =	vand.u32 $0x3F, v53;
	v58 =	vld.idx.msk [tilespmem:v58+s14+$0x0], $0xffff;
	[tilespmem:v50+s20+$0x0] =	vst.idx.msk $0xffff, v44  }
0x308: {  	v40 =	vor.u32 v15, v40;
	v44 =	vadd.f32 v57, v33;
	v50 =	vor.u32 v1, v53;
	v57 =	vld.idx.msk [tilespmem:v60+s14+$0x0], $0xffff  }
0x309: {  	v39 =	vshll.u32 v39, $0x7;
	v45 =	vadd.f32 v55, v45;
	[tilespmem:v61+s20+$0x0] =	vst.idx.msk $0xffff, v43;
	v43 =	vor.u32 v1, v49  }
0x30a: {  	v22 =	vld.idx.msk [tilespmem:v22+s14+$0x0], $0xffff;
	[tilespmem:v51+s20+$0x0] =	vst.idx.msk $0xffff, v44;
	v44 =	vor.u32 v5, v48;
	v51 =	vor.u32 v11, v23  }
0x30b: {  	v55 =	vor.u32 v6, v27;
	v38 =	vadd.f32 v38, v37;
	v54 =	vld.idx.msk [tilespmem:v54+s14+$0x0], $0xffff;
	[tilespmem:v29+s20+$0x0] =	vst.idx.msk $0xffff, v45  }
0x30c: {  	v37 =	vmovc v56;
	v45 =	vor.u32 v6, v46;
	v29 =	vand.u32 $0x1C00, v41;
	v41 =	vor.u32 v12, v20;
	v59 =	vld.idx.msk [tilespmem:v59+s9+$0x0], $0xffff  }
0x30d: {  	v56 =	vor.u32 v5, v42;
	[tilespmem:v40+s20+$0x0] =	vst.idx.msk $0xffff, v38;
	v38 =	vadd.f32 v58, v26;
	v40 =	vld.idx.msk [tilespmem:v50+s14+$0x0], $0xffff  }
0x30e: {  	v50 =	vor.u32 v11, v36;
	v58 =	vor.u32 v12, v34;
	v57 =	vadd.f32 v57, v18;
	v47 =	vld.idx.msk [tilespmem:v47+s9+$0x0], $0xffff  }
0x30f: {  	v52 =	vand.u32 $0x380, v52;
	v39 =	vand.u32 $0xC00, v39;
	v43 =	vld.idx.msk [tilespmem:v43+s14+$0x0], $0xffff;
	[tilespmem:v44+s20+$0x0] =	vst.idx.msk $0xffff, v38;
	v44 =	vor.u32 v21, v29  }
0x310: {  	v21 =	vadd.f32 v22, v37;
	v22 =	vld.idx.msk [tilespmem:v55+s14+$0x0], $0xffff;
	v38 =	vor.u32 v0, v44;
	[tilespmem:v51+s20+$0x0] =	vst.idx.msk $0xffff, v57  }
0x311: {  	v51 =	vor.u32 v52, v39;
	v39 =	vadd.f32 v54, v33;
	v54 =	vor.u32 v2, v53;
	v41 =	vld.idx.msk [tilespmem:v41+s14+$0x0], $0xffff  }
0x312: {  	v29 =	vmov v48;
	v55 =	vor.u32 v0, v51;
	[tilespmem:v56+s20+$0x0] =	vst.idx.msk $0xffff, v21;
	v56 =	vor.u32 v2, v49  }
0x313: {  	v48 =	vadd.f32 v40, v59;
	v45 =	vld.idx.msk [tilespmem:v45+s14+$0x0], $0xffff;
	[tilespmem:v50+s20+$0x0] =	vst.idx.msk $0xffff, v39;
	v39 =	vor.u32 v7, v29  }
0x314: {  	v57 =	vor.u32 v8, v27;
	v40 =	vmovc v42;
	v21 =	vmov v24;
	v50 =	vld.idx.msk [tilespmem:v58+s14+$0x0], $0xffff;
	v58 =	vor.u32 v13, v23  }
0x315: {  	v60 =	vadd.f32 v43, v47;
	[tilespmem:v38+s20+$0x0] =	vst.idx.msk $0xffff, v48;
	v38 =	vor.u32 v14, v20;
	v20 =	vmov v53  }
0x316: {  	v42 =	vor.u32 v7, v40;
	v43 =	vor.u32 v8, v46;
	v22 =	vadd.f32 v22, v26;
	v48 =	vld.idx.msk [tilespmem:v54+s14+$0x0], $0xffff  }
0x317: {  	v24 =	vmov v28;
	v53 =	vor.u32 v13, v36;
	v41 =	vadd.f32 v41, v18;
	[tilespmem:v55+s20+$0x0] =	vst.idx.msk $0xffff, v60  }
0x318: {  	v28 =	vmov v52;
	v55 =	vor.u32 v14, v34;
	v34 =	vmov v49;
	v54 =	vld.idx.msk [tilespmem:v56+s14+$0x0], $0xffff;
	[tilespmem:v39+s20+$0x0] =	vst.idx.msk $0xffff, v22  }
0x319: {  	v49 =	vor.u32 v3, v44;
	v39 =	vadd.f32 v45, v37;
	v45 =	vld.idx.msk [tilespmem:v57+s14+$0x0], $0xffff;
	[tilespmem:v58+s20+$0x0] =	vst.idx.msk $0xffff, v41  }
0x31a: {  	v41 =	vadd.f32 v50, v33;
	v50 =	vor.u32 v4, v20;
	v22 =	vmovc v19;
	v19 =	vmov v25;
	v52 =	vld.idx.msk [tilespmem:v38+s14+$0x0], $0xffff  }
0x31b: {  	v57 =	vor.u32 $0x20, v30;
	v25 =	vmovc v31;
	v38 =	vand.u32 $0x7, v22;
	[tilespmem:v42+s20+$0x0] =	vst.idx.msk $0xffff, v39;
	v39 =	vor.u32 v3, v51  }
0x31c: {  	v31 =	vadd.f32 v48, v59;
	v30 =	vld.idx.msk [tilespmem:v43+s14+$0x0], $0xffff;
	[tilespmem:v53+s20+$0x0] =	vst.idx.msk $0xffff, v41;
	v41 =	vor.u32 v9, v29  }
0x31d: {  	v23 =	vor.u32 v15, v23;
	v42 =	vor.u32 v4, v34;
	v43 =	vor.u32 v10, v46;
	v48 =	vld.idx.msk [tilespmem:v55+s14+$0x0], $0xffff  }
0x31e: {  	v53 =	vadd.f32 v54, v47;
	v54 =	vand.u32 $0x28, v57;
	v55 =	vor.u32 v10, v27;
	[tilespmem:v49+s20+$0x0] =	vst.idx.msk $0xffff, v31  }
0x31f: {  	v49 =	vor.u32 v9, v40;
	v38 =	vor.u32 v38, v54;
	v45 =	vadd.f32 v45, v26;
	v54 =	vld.idx.msk [tilespmem:v50+s14+$0x0], $0xffff  }
0x320: {  	v36 =	vor.u32 v15, v36;
	[tilespmem:v39+s20+$0x0] =	vst.idx.msk $0xffff, v53;
	v39 =	vadd.f32 v52, v18;
	v18 =	vmov v59  }
0x321: {  	v31 =	vadd.s32 s26, v0;
	v53 =	vor.u32 v16, v38;
	[tilespmem:v41+s20+$0x0] =	vst.idx.msk $0xffff, v45;
	v41 =	vor.u32 v5, v44  }
0x322: {  	v59 =	vor.u32 v1, v38;
	v30 =	vadd.f32 v30, v37;
	v58 =	vld.idx.msk [tilespmem:v42+s14+$0x0], $0xffff;
	[tilespmem:v23+s20+$0x0] =	vst.idx.msk $0xffff, v39  }
0x323: {  	v60 =	vor.u32 v6, v20;
	v45 =	vand.u32 $0xF, v31;
	v39 =	vadd.f32 v48, v33;
	v33 =	vmovc v47;
	v42 =	vld.idx.msk [tilespmem:v55+s14+$0x0], $0xffff  }
.Ltmp3:
0x324: {  	v56 =	vor.u32 v16, v45;
	v23 =	vmov v44;
	v55 =	vor.u32 v1, v45;
	[tilespmem:v49+s20+$0x0] =	vst.idx.msk $0xffff, v30;
	(pc) =	sbr.rel @p0 .LBB2_5-.Ltmp3, $4  }
0x325: {  	v50 =	vor.u32 v5, v51;
	v48 =	vadd.f32 v54, v18;
	v52 =	vld.idx.msk [tilespmem:v43+s14+$0x0], $0xffff;
	[tilespmem:v36+s20+$0x0] =	vst.idx.msk $0xffff, v39  }
0x326: {  	v49 =	vor.u32 v6, v34;
	v43 =	vor.u32 v11, v29;
	v36 =	vmovc v51;
	v30 =	vmov v32;
	v39 =	vld.idx.msk [tilespmem:v53+s9+$0x0], $0xffff  }
0x327: {  	v57 =	vshll.u32 v57, $0x7;
	v44 =	vor.u32 v12, v27;
	v51 =	vshll.u32 v31, $0x7;
	v47 =	vld.idx.msk [tilespmem:v59+s14+$0x0], $0xffff;
	[tilespmem:v41+s20+$0x0] =	vst.idx.msk $0xffff, v48  }
0x328: {  	s26 =	sadd.s32 $0x1, s26;
	v54 =	vor.u32 v11, v40;
	v32 =	vmovc v46;
	v53 =	vadd.f32 v58, v33;
	v48 =	vand.u32 $0x1400, v57;
	v41 =	vld.idx.msk [tilespmem:v60+s14+$0x0], $0xffff  }
0x329: {  	_ =	sdelay $0x3  }
0x32a: {  	v46 =	vld.idx.msk [tilespmem:v56+s9+$0x0], $0xffff  }
0x32b: {  	v55 =	vld.idx.msk [tilespmem:v55+s14+$0x0], $0xffff  }
0x32c: {  	v56 =	vand.u32 $0x780, v51  }
0x32d: {  	v57 =	vor.u32 v0, v56  }
0x32e: {  	v58 =	vor.u32 v2, v45;
	_ =	sdelay $0x1  }
0x32f: {  	v55 =	vadd.f32 v55, v46;
	_ =	sdelay $0x1  }
0x330: {  	[tilespmem:v57+s20+$0x0] =	vst.idx.msk $0xffff, v55  }
0x331: {  	v55 =	vld.idx.msk [tilespmem:v58+s14+$0x0], $0xffff;
	_ =	sdelay $0x1  }
0x332: {  	v60 =	vor.u32 v3, v56  }
0x333: {  	v61 =	vor.u32 v4, v45;
	_ =	sdelay $0x1  }
0x334: {  	v55 =	vadd.f32 v55, v46;
	_ =	sdelay $0x1  }
0x335: {  	[tilespmem:v60+s20+$0x0] =	vst.idx.msk $0xffff, v55  }
0x336: {  	v55 =	vld.idx.msk [tilespmem:v61+s14+$0x0], $0xffff;
	_ =	sdelay $0x1  }
0x337: {  	v62 =	vor.u32 v5, v56  }
0x338: {  	v63 =	vor.u32 v6, v45;
	_ =	sdelay $0x1  }
0x339: {  	v55 =	vadd.f32 v55, v46;
	_ =	sdelay $0x1  }
0x33a: {  	[tilespmem:v62+s20+$0x0] =	vst.idx.msk $0xffff, v55  }
0x33b: {  	v55 =	vld.idx.msk [tilespmem:v63+s14+$0x0], $0xffff;
	_ =	sdelay $0x1  }
0x33c: {  	v60 =	vor.u32 v7, v56  }
0x33d: {  	v61 =	vor.u32 v8, v45;
	_ =	sdelay $0x1  }
0x33e: {  	v55 =	vadd.f32 v55, v46;
	_ =	sdelay $0x1  }
0x33f: {  	[tilespmem:v60+s20+$0x0] =	vst.idx.msk $0xffff, v55  }
0x340: {  	v55 =	vld.idx.msk [tilespmem:v61+s14+$0x0], $0xffff;
	_ =	sdelay $0x1  }
0x341: {  	v62 =	vor.u32 v9, v56  }
0x342: {  	v63 =	vor.u32 v10, v45;
	_ =	sdelay $0x1  }
0x343: {  	v55 =	vadd.f32 v55, v46;
	_ =	sdelay $0x1  }
0x344: {  	[tilespmem:v62+s20+$0x0] =	vst.idx.msk $0xffff, v55  }
0x345: {  	v55 =	vld.idx.msk [tilespmem:v63+s14+$0x0], $0xffff  }
0x346: {  	v60 =	vor.u32 v12, v32  }
0x347: {  	v61 =	vor.u32 v11, v56  }
0x348: {  	v59 =	vor.u32 v12, v45;
	v52 =	vadd.f32 v52, v37;
	_ =	sdelay $0x1  }
0x349: {  	[tilespmem:v54+s20+$0x0] =	vst.idx.msk $0xffff, v52;
	v62 =	vadd.f32 v55, v46  }
0x34a: {  	v54 =	vld.idx.msk [tilespmem:v60+s14+$0x0], $0xffff  }
0x34b: {  	[tilespmem:v61+s20+$0x0] =	vst.idx.msk $0xffff, v62  }
0x34c: {  	v52 =	vor.u32 v13, v40;
	v63 =	vld.idx.msk [tilespmem:v59+s14+$0x0], $0xffff  }
0x34d: {  	v60 =	vor.u32 v14, v32  }
0x34e: {  	v61 =	vor.u32 v13, v56  }
0x34f: {  	v54 =	vadd.f32 v54, v37;
	v62 =	vor.u32 v14, v45;
	_ =	sdelay $0x1  }
0x350: {  	[tilespmem:v52+s20+$0x0] =	vst.idx.msk $0xffff, v54;
	v63 =	vadd.f32 v63, v46  }
0x351: {  	v54 =	vld.idx.msk [tilespmem:v60+s14+$0x0], $0xffff  }
0x352: {  	v52 =	vor.u32 $0x10, v25;
	[tilespmem:v61+s20+$0x0] =	vst.idx.msk $0xffff, v63  }
0x353: {  	v40 =	vor.u32 v15, v40;
	v58 =	vand.u32 $0x1F, v52;
	v55 =	vld.idx.msk [tilespmem:v62+s14+$0x0], $0xffff  }
0x354: {  	v59 =	vor.u32 v1, v58  }
0x355: {  	v57 =	vor.u32 v16, v52;
	v60 =	vor.u32 $0x10, v31;
	v56 =	vor.u32 v15, v56  }
0x356: {  	v37 =	vadd.f32 v54, v37;
	v54 =	vor.u32 v16, v60;
	v61 =	vand.u32 $0x1F, v60  }
0x357: {  	v62 =	vor.u32 v1, v61  }
0x358: {  	[tilespmem:v40+s20+$0x0] =	vst.idx.msk $0xffff, v37;
	v37 =	vadd.f32 v55, v46  }
0x359: {  	v63 =	vld.idx.msk [tilespmem:v59+s14+$0x0], $0xffff;
	v46 =	vshll.u32 v52, $0x7  }
0x35a: {  	v35 =	vand.u32 $0x380, v35;
	v52 =	vld.idx.msk [tilespmem:v57+s9+$0x0], $0xffff;
	v40 =	vand.u32 $0xC00, v46;
	[tilespmem:v56+s20+$0x0] =	vst.idx.msk $0xffff, v37  }
0x35b: {  	v60 =	vshll.u32 v60, $0x7;
	v56 =	vor.u32 v35, v40;
	v46 =	vld.idx.msk [tilespmem:v54+s9+$0x0], $0xffff  }
0x35c: {  	v37 =	vand.u32 $0x380, v51;
	v40 =	vand.u32 $0xC00, v60;
	v54 =	vor.u32 v0, v56;
	v51 =	vld.idx.msk [tilespmem:v62+s14+$0x0], $0xffff  }
0x35d: {  	v57 =	vor.u32 v2, v58;
	v59 =	vor.u32 v37, v40  }
0x35e: {  	v40 =	vor.u32 v0, v59  }
0x35f: {  	v60 =	vor.u32 v2, v61;
	v55 =	vadd.f32 v63, v52;
	_ =	sdelay $0x1  }
0x360: {  	[tilespmem:v54+s20+$0x0] =	vst.idx.msk $0xffff, v55;
	v51 =	vadd.f32 v51, v46  }
0x361: {  	v54 =	vld.idx.msk [tilespmem:v57+s14+$0x0], $0xffff  }
0x362: {  	[tilespmem:v40+s20+$0x0] =	vst.idx.msk $0xffff, v51  }
0x363: {  	v40 =	vor.u32 v3, v56;
	v51 =	vld.idx.msk [tilespmem:v60+s14+$0x0], $0xffff  }
0x364: {  	v55 =	vor.u32 v4, v58  }
0x365: {  	v57 =	vor.u32 v3, v59  }
0x366: {  	v60 =	vor.u32 v4, v61;
	v54 =	vadd.f32 v54, v52;
	_ =	sdelay $0x1  }
0x367: {  	[tilespmem:v40+s20+$0x0] =	vst.idx.msk $0xffff, v54;
	v62 =	vadd.f32 v51, v46  }
0x368: {  	v63 =	vld.idx.msk [tilespmem:v55+s14+$0x0], $0xffff  }
0x369: {  	[tilespmem:v57+s20+$0x0] =	vst.idx.msk $0xffff, v62  }
0x36a: {  	[tilespmem:v50+s20+$0x0] =	vst.idx.msk $0xffff, v53;
	v40 =	vor.u32 v5, v56;
	v54 =	vld.idx.msk [tilespmem:v60+s14+$0x0], $0xffff  }
0x36b: {  	v49 =	vld.idx.msk [tilespmem:v49+s14+$0x0], $0xffff;
	v50 =	vor.u32 v6, v58  }
0x36c: {  	v53 =	vor.u32 v5, v59  }
0x36d: {  	v55 =	vor.u32 v6, v61;
	v57 =	vor.u32 v7, v36;
	v51 =	vadd.f32 v63, v52  }
0x36e: {  	v60 =	vor.u32 v8, v34  }
0x36f: {  	[tilespmem:v40+s20+$0x0] =	vst.idx.msk $0xffff, v51;
	v54 =	vadd.f32 v54, v46  }
0x370: {  	v49 =	vadd.f32 v49, v33;
	v50 =	vld.idx.msk [tilespmem:v50+s14+$0x0], $0xffff  }
0x371: {  	[tilespmem:v53+s20+$0x0] =	vst.idx.msk $0xffff, v54  }
0x372: {  	[tilespmem:v57+s20+$0x0] =	vst.idx.msk $0xffff, v49;
	v40 =	vor.u32 v7, v56;
	v51 =	vld.idx.msk [tilespmem:v55+s14+$0x0], $0xffff  }
0x373: {  	v49 =	vor.u32 v8, v58;
	v53 =	vld.idx.msk [tilespmem:v60+s14+$0x0], $0xffff  }
0x374: {  	v54 =	vor.u32 v7, v59  }
0x375: {  	v57 =	vor.u32 v9, v36;
	v55 =	vor.u32 v8, v61;
	v50 =	vadd.f32 v50, v52  }
0x376: {  	v60 =	vor.u32 v10, v34  }
0x377: {  	[tilespmem:v40+s20+$0x0] =	vst.idx.msk $0xffff, v50;
	v62 =	vadd.f32 v51, v46  }
0x378: {  	v63 =	vadd.f32 v53, v33;
	v49 =	vld.idx.msk [tilespmem:v49+s14+$0x0], $0xffff  }
0x379: {  	[tilespmem:v54+s20+$0x0] =	vst.idx.msk $0xffff, v62  }
0x37a: {  	v40 =	vor.u32 v9, v56;
	[tilespmem:v57+s20+$0x0] =	vst.idx.msk $0xffff, v63;
	v51 =	vld.idx.msk [tilespmem:v55+s14+$0x0], $0xffff  }
0x37b: {  	v50 =	vor.u32 v10, v58;
	v53 =	vld.idx.msk [tilespmem:v60+s14+$0x0], $0xffff  }
0x37c: {  	v54 =	vor.u32 v9, v59  }
0x37d: {  	v57 =	vor.u32 v11, v36;
	v55 =	vor.u32 v10, v61;
	v49 =	vadd.f32 v49, v52  }
0x37e: {  	v60 =	vor.u32 v12, v34  }
0x37f: {  	[tilespmem:v40+s20+$0x0] =	vst.idx.msk $0xffff, v49;
	v62 =	vadd.f32 v51, v46  }
0x380: {  	v63 =	vadd.f32 v53, v33;
	v49 =	vld.idx.msk [tilespmem:v50+s14+$0x0], $0xffff  }
0x381: {  	[tilespmem:v54+s20+$0x0] =	vst.idx.msk $0xffff, v62  }
0x382: {  	v40 =	vor.u32 v11, v56;
	[tilespmem:v57+s20+$0x0] =	vst.idx.msk $0xffff, v63;
	v51 =	vld.idx.msk [tilespmem:v55+s14+$0x0], $0xffff  }
0x383: {  	v50 =	vor.u32 v12, v58;
	v53 =	vld.idx.msk [tilespmem:v60+s14+$0x0], $0xffff  }
0x384: {  	v54 =	vor.u32 v11, v59  }
0x385: {  	v57 =	vor.u32 v13, v36;
	v55 =	vor.u32 v12, v61;
	v49 =	vadd.f32 v49, v52  }
0x386: {  	v60 =	vor.u32 v14, v34  }
0x387: {  	[tilespmem:v40+s20+$0x0] =	vst.idx.msk $0xffff, v49;
	v62 =	vadd.f32 v51, v46  }
0x388: {  	v63 =	vadd.f32 v53, v33;
	v40 =	vld.idx.msk [tilespmem:v50+s14+$0x0], $0xffff  }
0x389: {  	[tilespmem:v54+s20+$0x0] =	vst.idx.msk $0xffff, v62  }
0x38a: {  	v34 =	vor.u32 v24, v48;
	v48 =	vor.u32 v13, v56;
	[tilespmem:v57+s20+$0x0] =	vst.idx.msk $0xffff, v63;
	v50 =	vld.idx.msk [tilespmem:v55+s14+$0x0], $0xffff  }
0x38b: {  	v49 =	vor.u32 v14, v58;
	v54 =	vor.u32 $0x20, v30;
	v30 =	vld.idx.msk [tilespmem:v60+s14+$0x0], $0xffff  }
0x38c: {  	v53 =	vand.u32 $0x7, v19;
	v55 =	vor.u32 v13, v59  }
0x38d: {  	v60 =	vor.u32 v14, v61;
	v57 =	vand.u32 $0x28, v54;
	v58 =	vadd.f32 v40, v52  }
0x38e: {  	v47 =	vadd.f32 v47, v39;
	v51 =	vor.u32 v0, v34;
	v40 =	vor.u32 v53, v57  }
0x38f: {  	v32 =	vor.u32 $0x20, v32;
	v53 =	vor.u32 v15, v36;
	[tilespmem:v48+s20+$0x0] =	vst.idx.msk $0xffff, v58;
	v36 =	vadd.f32 v50, v46  }
0x390: {  	v63 =	vand.u32 $0x28, v32;
	v61 =	vor.u32 v2, v38;
	v30 =	vadd.f32 v30, v33;
	v49 =	vld.idx.msk [tilespmem:v49+s14+$0x0], $0xffff  }
0x391: {  	v62 =	vand.u32 $0x7, v25;
	v33 =	vor.u32 v15, v56;
	v48 =	vor.u32 v16, v40;
	[tilespmem:v55+s20+$0x0] =	vst.idx.msk $0xffff, v36  }
0x392: {  	v50 =	vor.u32 v1, v40;
	v36 =	vor.u32 v62, v63;
	v55 =	vor.u32 $0x20, v45;
	v56 =	vld.idx.msk [tilespmem:v60+s14+$0x0], $0xffff  }
0x393: {  	[tilespmem:v51+s20+$0x0] =	vst.idx.msk $0xffff, v47;
	v62 =	vand.u32 $0x7, v31;
	v47 =	vor.u32 v16, v36;
	v63 =	vand.u32 $0x28, v55  }
0x394: {  	v51 =	vor.u32 v15, v59;
	v57 =	vor.u32 v1, v36;
	v45 =	vor.u32 v62, v63  }
0x395: {  	v58 =	vld.idx.msk [tilespmem:v61+s14+$0x0], $0xffff;
	[tilespmem:v53+s20+$0x0] =	vst.idx.msk $0xffff, v30;
	v59 =	vor.u32 v16, v45;
	v49 =	vadd.f32 v49, v52  }
0x396: {  	v60 =	vshll.u32 v54, $0x7;
	v30 =	vld.idx.msk [tilespmem:v48+s9+$0x0], $0xffff;
	v61 =	vor.u32 v1, v45  }
0x397: {  	v50 =	vld.idx.msk [tilespmem:v50+s14+$0x0], $0xffff;
	v48 =	vand.u32 $0x1400, v60;
	[tilespmem:v33+s20+$0x0] =	vst.idx.msk $0xffff, v49;
	v46 =	vadd.f32 v56, v46  }
0x398: {  	v32 =	vshll.u32 v32, $0x7;
	v48 =	vor.u32 v28, v48;
	v33 =	vld.idx.msk [tilespmem:v47+s9+$0x0], $0xffff  }
0x399: {  	v32 =	vand.u32 $0x1400, v32;
	v62 =	vor.u32 v0, v48;
	v63 =	vld.idx.msk [tilespmem:v57+s14+$0x0], $0xffff;
	[tilespmem:v51+s20+$0x0] =	vst.idx.msk $0xffff, v46  }
0x39a: {  	v47 =	vor.u32 v35, v32;
	v51 =	vor.u32 v2, v40;
	v32 =	vld.idx.msk [tilespmem:v59+s9+$0x0], $0xffff;
	v59 =	vshll.u32 v55, $0x7  }
0x39b: {  	v52 =	vor.u32 v3, v34;
	v60 =	vor.u32 v0, v47;
	v53 =	vld.idx.msk [tilespmem:v61+s14+$0x0], $0xffff;
	v46 =	vand.u32 $0x1400, v59  }
0x39c: {  	v50 =	vadd.f32 v50, v30;
	v61 =	vor.u32 v2, v36;
	v46 =	vor.u32 v37, v46  }
0x39d: {  	v57 =	vor.u32 v4, v38;
	v59 =	vor.u32 v0, v46  }
0x39e: {  	[tilespmem:v62+s20+$0x0] =	vst.idx.msk $0xffff, v50;
	v50 =	vor.u32 v2, v45;
	v62 =	vadd.f32 v63, v33  }
0x39f: {  	v63 =	vadd.f32 v58, v39;
	v51 =	vld.idx.msk [tilespmem:v51+s14+$0x0], $0xffff  }
0x3a0: {  	[tilespmem:v60+s20+$0x0] =	vst.idx.msk $0xffff, v62;
	v58 =	vadd.f32 v53, v32  }
0x3a1: {  	[tilespmem:v52+s20+$0x0] =	vst.idx.msk $0xffff, v63;
	v60 =	vor.u32 v3, v48;
	v61 =	vld.idx.msk [tilespmem:v61+s14+$0x0], $0xffff  }
0x3a2: {  	v55 =	vor.u32 v4, v40;
	v54 =	vld.idx.msk [tilespmem:v57+s14+$0x0], $0xffff;
	[tilespmem:v59+s20+$0x0] =	vst.idx.msk $0xffff, v58  }
0x3a3: {  	v62 =	vor.u32 v3, v47;
	v50 =	vld.idx.msk [tilespmem:v50+s14+$0x0], $0xffff  }
0x3a4: {  	v63 =	vor.u32 v5, v34;
	v57 =	vor.u32 v4, v36;
	v51 =	vadd.f32 v51, v30  }
0x3a5: {  	v58 =	vor.u32 v6, v38;
	v59 =	vor.u32 v3, v46  }
0x3a6: {  	v52 =	vor.u32 v4, v45;
	[tilespmem:v60+s20+$0x0] =	vst.idx.msk $0xffff, v51;
	v60 =	vadd.f32 v61, v33  }
0x3a7: {  	v61 =	vadd.f32 v54, v39;
	v54 =	vld.idx.msk [tilespmem:v55+s14+$0x0], $0xffff  }
0x3a8: {  	[tilespmem:v62+s20+$0x0] =	vst.idx.msk $0xffff, v60;
	v62 =	vadd.f32 v50, v32  }
0x3a9: {  	[tilespmem:v63+s20+$0x0] =	vst.idx.msk $0xffff, v61;
	v63 =	vor.u32 v5, v48;
	v51 =	vld.idx.msk [tilespmem:v57+s14+$0x0], $0xffff  }
0x3aa: {  	v55 =	vor.u32 v6, v40;
	v53 =	vld.idx.msk [tilespmem:v58+s14+$0x0], $0xffff;
	[tilespmem:v59+s20+$0x0] =	vst.idx.msk $0xffff, v62  }
0x3ab: {  	v60 =	vor.u32 v5, v47;
	v52 =	vld.idx.msk [tilespmem:v52+s14+$0x0], $0xffff  }
0x3ac: {  	v61 =	vor.u32 v7, v34;
	v62 =	vor.u32 v6, v36;
	v54 =	vadd.f32 v54, v30  }
0x3ad: {  	v58 =	vor.u32 v8, v38;
	v59 =	vor.u32 v5, v46  }
0x3ae: {  	[tilespmem:v63+s20+$0x0] =	vst.idx.msk $0xffff, v54;
	v63 =	vadd.f32 v51, v33;
	v51 =	vor.u32 v6, v45  }
0x3af: {  	v53 =	vadd.f32 v53, v39;
	v54 =	vld.idx.msk [tilespmem:v55+s14+$0x0], $0xffff  }
0x3b0: {  	[tilespmem:v60+s20+$0x0] =	vst.idx.msk $0xffff, v63;
	v60 =	vadd.f32 v52, v32  }
0x3b1: {  	[tilespmem:v61+s20+$0x0] =	vst.idx.msk $0xffff, v53;
	v61 =	vor.u32 v7, v48;
	v62 =	vld.idx.msk [tilespmem:v62+s14+$0x0], $0xffff  }
0x3b2: {  	v55 =	vor.u32 v8, v40;
	v53 =	vld.idx.msk [tilespmem:v58+s14+$0x0], $0xffff;
	[tilespmem:v59+s20+$0x0] =	vst.idx.msk $0xffff, v60  }
0x3b3: {  	v63 =	vor.u32 v7, v47;
	v51 =	vld.idx.msk [tilespmem:v51+s14+$0x0], $0xffff  }
0x3b4: {  	v56 =	vor.u32 v9, v34;
	v57 =	vor.u32 v8, v36;
	v54 =	vadd.f32 v54, v30  }
0x3b5: {  	v58 =	vor.u32 v10, v38;
	v60 =	vor.u32 v7, v46  }
0x3b6: {  	[tilespmem:v61+s20+$0x0] =	vst.idx.msk $0xffff, v54;
	v61 =	vadd.f32 v62, v33;
	v62 =	vor.u32 v8, v45  }
0x3b7: {  	v53 =	vadd.f32 v53, v39;
	v54 =	vld.idx.msk [tilespmem:v55+s14+$0x0], $0xffff  }
0x3b8: {  	[tilespmem:v63+s20+$0x0] =	vst.idx.msk $0xffff, v61;
	v63 =	vadd.f32 v51, v32  }
0x3b9: {  	v50 =	vor.u32 v9, v48;
	[tilespmem:v56+s20+$0x0] =	vst.idx.msk $0xffff, v53;
	v51 =	vld.idx.msk [tilespmem:v57+s14+$0x0], $0xffff  }
0x3ba: {  	v55 =	vor.u32 v10, v40;
	v53 =	vld.idx.msk [tilespmem:v58+s14+$0x0], $0xffff;
	[tilespmem:v60+s20+$0x0] =	vst.idx.msk $0xffff, v63  }
0x3bb: {  	v42 =	vadd.f32 v42, v26;
	v60 =	vor.u32 v9, v47;
	v52 =	vld.idx.msk [tilespmem:v62+s14+$0x0], $0xffff  }
0x3bc: {  	v61 =	vor.u32 v11, v34;
	v54 =	vadd.f32 v54, v30;
	v62 =	vor.u32 v10, v36  }
0x3bd: {  	[tilespmem:v43+s20+$0x0] =	vst.idx.msk $0xffff, v42;
	v58 =	vor.u32 v12, v38;
	v63 =	vor.u32 v9, v46  }
0x3be: {  	v44 =	vld.idx.msk [tilespmem:v44+s14+$0x0], $0xffff;
	[tilespmem:v50+s20+$0x0] =	vst.idx.msk $0xffff, v54;
	v59 =	vadd.f32 v51, v33;
	v51 =	vor.u32 v10, v45  }
0x3bf: {  	v27 =	vor.u32 v14, v27;
	v53 =	vadd.f32 v53, v39;
	v54 =	vld.idx.msk [tilespmem:v55+s14+$0x0], $0xffff  }
0x3c0: {  	v55 =	vor.u32 v13, v29;
	[tilespmem:v60+s20+$0x0] =	vst.idx.msk $0xffff, v59;
	v60 =	vadd.f32 v52, v32  }
0x3c1: {  	v41 =	vadd.f32 v41, v18;
	[tilespmem:v61+s20+$0x0] =	vst.idx.msk $0xffff, v53;
	v61 =	vor.u32 v11, v48;
	v62 =	vld.idx.msk [tilespmem:v62+s14+$0x0], $0xffff  }
0x3c2: {  	v56 =	vor.u32 v12, v40;
	v40 =	vor.u32 v14, v40;
	v42 =	vld.idx.msk [tilespmem:v58+s14+$0x0], $0xffff;
	[tilespmem:v63+s20+$0x0] =	vst.idx.msk $0xffff, v60  }
0x3c3: {  	v57 =	vor.u32 v12, v36;
	v63 =	vadd.f32 v44, v26;
	v44 =	vor.u32 v11, v47;
	v49 =	vld.idx.msk [tilespmem:v51+s14+$0x0], $0xffff  }
0x3c4: {  	v38 =	vor.u32 v14, v38;
	v51 =	vor.u32 v13, v34;
	v54 =	vadd.f32 v54, v30  }
0x3c5: {  	v17 =	vor.u32 $0x30, v17;
	v36 =	vor.u32 v14, v36;
	v60 =	vor.u32 v11, v46;
	[tilespmem:v55+s20+$0x0] =	vst.idx.msk $0xffff, v63  }
0x3c6: {  	v55 =	vld.idx.msk [tilespmem:v27+s14+$0x0], $0xffff;
	[tilespmem:v61+s20+$0x0] =	vst.idx.msk $0xffff, v54;
	v61 =	vadd.f32 v62, v33;
	v62 =	vor.u32 v12, v45  }
0x3c7: {  	v29 =	vor.u32 v15, v29;
	v63 =	vshll.u32 v17, $0x7;
	v42 =	vadd.f32 v42, v39;
	v56 =	vld.idx.msk [tilespmem:v56+s14+$0x0], $0xffff  }
0x3c8: {  	v54 =	vor.u32 v16, v17;
	v27 =	vand.u32 $0x3F, v17;
	[tilespmem:v44+s20+$0x0] =	vst.idx.msk $0xffff, v61;
	v17 =	vadd.f32 v49, v32  }
0x3c9: {  	v52 =	vor.u32 $0x30, v22;
	[tilespmem:v51+s20+$0x0] =	vst.idx.msk $0xffff, v42;
	v42 =	vor.u32 v13, v48;
	v57 =	vld.idx.msk [tilespmem:v57+s14+$0x0], $0xffff  }
0x3ca: {  	v53 =	vor.u32 v7, v23;
	v22 =	vand.u32 $0x3F, v52;
	v38 =	vld.idx.msk [tilespmem:v38+s14+$0x0], $0xffff;
	[tilespmem:v60+s20+$0x0] =	vst.idx.msk $0xffff, v17  }
0x3cb: {  	v34 =	vor.u32 v15, v34;
	v58 =	vand.u32 $0x1C00, v63;
	v60 =	vor.u32 v13, v47;
	v61 =	vld.idx.msk [tilespmem:v62+s14+$0x0], $0xffff  }
0x3cc: {  	v63 =	vor.u32 v13, v46;
	v45 =	vor.u32 v14, v45;
	v62 =	vadd.f32 v56, v30  }
0x3cd: {  	v44 =	vor.u32 v1, v27;
	v59 =	vadd.f32 v55, v26;
	v17 =	vor.u32 v21, v58  }
0x3ce: {  	v58 =	vor.u32 v1, v22;
	[tilespmem:v42+s20+$0x0] =	vst.idx.msk $0xffff, v62;
	v55 =	vadd.f32 v57, v33  }
0x3cf: {  	v56 =	vor.u32 v16, v52;
	[tilespmem:v29+s20+$0x0] =	vst.idx.msk $0xffff, v59;
	v38 =	vadd.f32 v38, v39;
	v57 =	vld.idx.msk [tilespmem:v40+s14+$0x0], $0xffff  }
0x3d0: {  	v47 =	vor.u32 v15, v47;
	v21 =	vld.idx.msk [tilespmem:v54+s9+$0x0], $0xffff;
	[tilespmem:v60+s20+$0x0] =	vst.idx.msk $0xffff, v55;
	v59 =	vadd.f32 v61, v32  }
0x3d1: {  	v60 =	vor.u32 v15, v48;
	[tilespmem:v34+s20+$0x0] =	vst.idx.msk $0xffff, v38;
	v34 =	vor.u32 $0x30, v19;
	v36 =	vld.idx.msk [tilespmem:v36+s14+$0x0], $0xffff  }
0x3d2: {  	v43 =	vld.idx.msk [tilespmem:v44+s14+$0x0], $0xffff;
	v62 =	vor.u32 v16, v34;
	v26 =	vand.u32 $0x3F, v34;
	[tilespmem:v63+s20+$0x0] =	vst.idx.msk $0xffff, v59  }
0x3d3: {  	[tilespmem:v53+s20+$0x0] =	vst.idx.msk $0xffff, v41;
	v61 =	vshll.u32 v52, $0x7;
	v52 =	vor.u32 $0x30, v25;
	v63 =	vor.u32 v1, v26;
	v45 =	vld.idx.msk [tilespmem:v45+s14+$0x0], $0xffff  }
0x3d4: {  	v19 =	vld.idx.msk [tilespmem:v56+s9+$0x0], $0xffff;
	v55 =	vor.u32 v16, v52;
	v54 =	vadd.f32 v57, v30;
	v30 =	vand.u32 $0x3F, v52  }
0x3d5: {  	v46 =	vor.u32 v15, v46;
	v40 =	vld.idx.msk [tilespmem:v58+s14+$0x0], $0xffff;
	v57 =	vor.u32 $0x30, v31;
	v56 =	vor.u32 v1, v30  }
0x3d6: {  	v58 =	vor.u32 v16, v57;
	v31 =	vand.u32 $0x3F, v57;
	[tilespmem:v60+s20+$0x0] =	vst.idx.msk $0xffff, v54;
	v33 =	vadd.f32 v36, v33  }
0x3d7: {  	v51 =	vor.u32 v0, v17;
	v38 =	vor.u32 v2, v27;
	v60 =	vor.u32 v1, v31;
	v16 =	vld.idx.msk [tilespmem:v62+s9+$0x0], $0xffff  }
0x3d8: {  	v25 =	vshll.u32 v52, $0x7;
	v59 =	vand.u32 $0x1C00, v61;
	v42 =	vld.idx.msk [tilespmem:v63+s14+$0x0], $0xffff;
	[tilespmem:v47+s20+$0x0] =	vst.idx.msk $0xffff, v33;
	v32 =	vadd.f32 v45, v32  }
0x3d9: {  	v43 =	vadd.f32 v43, v21;
	v29 =	vor.u32 v24, v59;
	v62 =	vshll.u32 v34, $0x7;
	v24 =	vld.idx.msk [tilespmem:v55+s9+$0x0], $0xffff  }
0x3da: {  	v49 =	vand.u32 $0x1C00, v25;
	v61 =	vor.u32 v0, v29;
	v33 =	vand.u32 $0x1C00, v62;
	v48 =	vld.idx.msk [tilespmem:v56+s14+$0x0], $0xffff;
	[tilespmem:v46+s20+$0x0] =	vst.idx.msk $0xffff, v32  }
0x3db: {  	v50 =	vshll.u32 v57, $0x7;
	v63 =	vor.u32 v2, v22;
	v28 =	vor.u32 v28, v33;
	v25 =	vld.idx.msk [tilespmem:v58+s9+$0x0], $0xffff  }
0x3dc: {  	v33 =	vand.u32 $0x1C00, v50;
	v52 =	vor.u32 v0, v28;
	v32 =	vor.u32 v35, v49;
	v53 =	vld.idx.msk [tilespmem:v60+s14+$0x0], $0xffff  }
0x3dd: {  	v54 =	vor.u32 v2, v26;
	v33 =	vor.u32 v37, v33;
	v55 =	vor.u32 v0, v32  }
0x3de: {  	v57 =	vor.u32 v2, v30;
	v56 =	vadd.f32 v40, v19;
	v58 =	vor.u32 v0, v33  }
0x3df: {  	[tilespmem:v51+s20+$0x0] =	vst.idx.msk $0xffff, v43;
	v59 =	vor.u32 v2, v31;
	v42 =	vadd.f32 v42, v16  }
0x3e0: {  	v38 =	vld.idx.msk [tilespmem:v38+s14+$0x0], $0xffff;
	v60 =	vor.u32 v8, v20;
	[tilespmem:v61+s20+$0x0] =	vst.idx.msk $0xffff, v56;
	v61 =	vadd.f32 v48, v24  }
0x3e1: {  	v34 =	vld.idx.msk [tilespmem:v63+s14+$0x0], $0xffff;
	[tilespmem:v52+s20+$0x0] =	vst.idx.msk $0xffff, v42;
	v35 =	vadd.f32 v53, v25  }
0x3e2: {  	v62 =	vor.u32 v3, v17;
	v63 =	vld.idx.msk [tilespmem:v54+s14+$0x0], $0xffff;
	[tilespmem:v55+s20+$0x0] =	vst.idx.msk $0xffff, v61  }
0x3e3: {  	v52 =	vor.u32 v4, v27;
	v53 =	vor.u32 v3, v29;
	v40 =	vld.idx.msk [tilespmem:v57+s14+$0x0], $0xffff;
	[tilespmem:v58+s20+$0x0] =	vst.idx.msk $0xffff, v35  }
0x3e4: {  	v54 =	vor.u32 v4, v22;
	v55 =	vor.u32 v3, v28;
	v43 =	vld.idx.msk [tilespmem:v59+s14+$0x0], $0xffff  }
0x3e5: {  	v38 =	vadd.f32 v38, v21;
	v56 =	vld.idx.msk [tilespmem:v60+s14+$0x0], $0xffff;
	v57 =	vor.u32 v4, v26;
	v58 =	vor.u32 v3, v32  }
0x3e6: {  	v60 =	vor.u32 v3, v33;
	v34 =	vadd.f32 v34, v19;
	v59 =	vor.u32 v4, v30  }
0x3e7: {  	[tilespmem:v62+s20+$0x0] =	vst.idx.msk $0xffff, v38;
	v62 =	vor.u32 v4, v31;
	v61 =	vadd.f32 v63, v16  }
0x3e8: {  	v35 =	vor.u32 v9, v23;
	v37 =	vld.idx.msk [tilespmem:v52+s14+$0x0], $0xffff;
	[tilespmem:v53+s20+$0x0] =	vst.idx.msk $0xffff, v34;
	v63 =	vadd.f32 v40, v24  }
0x3e9: {  	v50 =	vld.idx.msk [tilespmem:v54+s14+$0x0], $0xffff;
	[tilespmem:v55+s20+$0x0] =	vst.idx.msk $0xffff, v61;
	v51 =	vadd.f32 v43, v25  }
0x3ea: {  	v52 =	vadd.f32 v56, v18;
	v53 =	vor.u32 v5, v17;
	v54 =	vld.idx.msk [tilespmem:v57+s14+$0x0], $0xffff;
	[tilespmem:v58+s20+$0x0] =	vst.idx.msk $0xffff, v63  }
0x3eb: {  	v56 =	vor.u32 v5, v29;
	v55 =	vor.u32 v6, v27;
	v57 =	vld.idx.msk [tilespmem:v59+s14+$0x0], $0xffff;
	[tilespmem:v60+s20+$0x0] =	vst.idx.msk $0xffff, v51  }
0x3ec: {  	v61 =	vor.u32 v5, v32;
	v58 =	vor.u32 v6, v22;
	v59 =	vor.u32 v5, v28;
	v38 =	vld.idx.msk [tilespmem:v62+s14+$0x0], $0xffff  }
0x3ed: {  	[tilespmem:v35+s20+$0x0] =	vst.idx.msk $0xffff, v52;
	v37 =	vadd.f32 v37, v21;
	v60 =	vor.u32 v6, v26  }
0x3ee: {  	v63 =	vor.u32 v5, v33;
	v39 =	vadd.f32 v50, v19;
	v62 =	vor.u32 v6, v30  }
0x3ef: {  	v49 =	vor.u32 v6, v31;
	[tilespmem:v53+s20+$0x0] =	vst.idx.msk $0xffff, v37;
	v48 =	vadd.f32 v54, v16  }
0x3f0: {  	v34 =	vld.idx.msk [tilespmem:v55+s14+$0x0], $0xffff;
	[tilespmem:v56+s20+$0x0] =	vst.idx.msk $0xffff, v39;
	v51 =	vadd.f32 v57, v24  }
0x3f1: {  	v35 =	vld.idx.msk [tilespmem:v58+s14+$0x0], $0xffff;
	[tilespmem:v59+s20+$0x0] =	vst.idx.msk $0xffff, v48;
	v52 =	vadd.f32 v38, v25  }
0x3f2: {  	v53 =	vor.u32 v7, v17;
	v50 =	vor.u32 v10, v20;
	v54 =	vld.idx.msk [tilespmem:v60+s14+$0x0], $0xffff;
	[tilespmem:v61+s20+$0x0] =	vst.idx.msk $0xffff, v51  }
0x3f3: {  	v55 =	vor.u32 v8, v27;
	v56 =	vor.u32 v7, v29;
	v57 =	vld.idx.msk [tilespmem:v62+s14+$0x0], $0xffff;
	[tilespmem:v63+s20+$0x0] =	vst.idx.msk $0xffff, v52  }
0x3f4: {  	v58 =	vor.u32 v8, v22;
	v59 =	vor.u32 v7, v28;
	v41 =	vld.idx.msk [tilespmem:v49+s14+$0x0], $0xffff  }
0x3f5: {  	v60 =	vor.u32 v8, v26;
	v34 =	vadd.f32 v34, v21;
	v61 =	vor.u32 v7, v32  }
0x3f6: {  	v62 =	vor.u32 v8, v30;
	v63 =	vor.u32 v7, v33;
	v35 =	vadd.f32 v35, v19  }
0x3f7: {  	v42 =	vld.idx.msk [tilespmem:v50+s14+$0x0], $0xffff;
	[tilespmem:v53+s20+$0x0] =	vst.idx.msk $0xffff, v34;
	v52 =	vor.u32 v8, v31;
	v51 =	vadd.f32 v54, v16  }
0x3f8: {  	v53 =	vld.idx.msk [tilespmem:v55+s14+$0x0], $0xffff;
	[tilespmem:v56+s20+$0x0] =	vst.idx.msk $0xffff, v35;
	v54 =	vadd.f32 v57, v24  }
0x3f9: {  	v36 =	vor.u32 v11, v23;
	v55 =	vld.idx.msk [tilespmem:v58+s14+$0x0], $0xffff;
	[tilespmem:v59+s20+$0x0] =	vst.idx.msk $0xffff, v51;
	v56 =	vadd.f32 v41, v25  }
0x3fa: {  	v48 =	vor.u32 v9, v28;
	v58 =	vor.u32 v9, v17;
	v59 =	vld.idx.msk [tilespmem:v60+s14+$0x0], $0xffff;
	[tilespmem:v61+s20+$0x0] =	vst.idx.msk $0xffff, v54  }
0x3fb: {  	v60 =	vor.u32 v10, v27;
	v61 =	vor.u32 v9, v29;
	v62 =	vld.idx.msk [tilespmem:v62+s14+$0x0], $0xffff;
	[tilespmem:v63+s20+$0x0] =	vst.idx.msk $0xffff, v56  }
0x3fc: {  	v50 =	vor.u32 v9, v32;
	v57 =	vadd.f32 v42, v18;
	v63 =	vor.u32 v10, v22;
	v37 =	vld.idx.msk [tilespmem:v52+s14+$0x0], $0xffff  }
0x3fd: {  	v49 =	vor.u32 v10, v26;
	v51 =	vor.u32 v10, v30;
	v38 =	vadd.f32 v53, v21  }
0x3fe: {  	[tilespmem:v36+s20+$0x0] =	vst.idx.msk $0xffff, v57;
	v39 =	vadd.f32 v55, v19;
	v52 =	vor.u32 v9, v33  }
0x3ff: {  	v54 =	vor.u32 v10, v31;
	[tilespmem:v58+s20+$0x0] =	vst.idx.msk $0xffff, v38;
	v53 =	vadd.f32 v59, v16  }
0x400: {  	v35 =	vld.idx.msk [tilespmem:v60+s14+$0x0], $0xffff;
	[tilespmem:v61+s20+$0x0] =	vst.idx.msk $0xffff, v39;
	v56 =	vadd.f32 v62, v24  }
0x401: {  	v55 =	vor.u32 v12, v20;
	[tilespmem:v48+s20+$0x0] =	vst.idx.msk $0xffff, v53;
	v34 =	vld.idx.msk [tilespmem:v63+s14+$0x0], $0xffff;
	v57 =	vadd.f32 v37, v25  }
0x402: {  	v58 =	vor.u32 v11, v17;
	v38 =	vld.idx.msk [tilespmem:v49+s14+$0x0], $0xffff;
	[tilespmem:v50+s20+$0x0] =	vst.idx.msk $0xffff, v56  }
0x403: {  	v59 =	vor.u32 v12, v27;
	v60 =	vor.u32 v11, v29;
	v61 =	vld.idx.msk [tilespmem:v51+s14+$0x0], $0xffff;
	[tilespmem:v52+s20+$0x0] =	vst.idx.msk $0xffff, v57  }
0x404: {  	v62 =	vor.u32 v12, v22;
	v63 =	vor.u32 v11, v28;
	v41 =	vld.idx.msk [tilespmem:v54+s14+$0x0], $0xffff  }
0x405: {  	v53 =	vor.u32 v11, v32;
	v35 =	vadd.f32 v35, v21;
	v52 =	vor.u32 v12, v26  }
0x406: {  	v42 =	vld.idx.msk [tilespmem:v55+s14+$0x0], $0xffff;
	v55 =	vor.u32 v11, v33;
	v54 =	vor.u32 v12, v30;
	v34 =	vadd.f32 v34, v19  }
0x407: {  	v57 =	vor.u32 v12, v31;
	[tilespmem:v58+s20+$0x0] =	vst.idx.msk $0xffff, v35;
	v56 =	vadd.f32 v38, v16  }
0x408: {  	v47 =	vor.u32 v13, v29;
	v58 =	vld.idx.msk [tilespmem:v59+s14+$0x0], $0xffff;
	[tilespmem:v60+s20+$0x0] =	vst.idx.msk $0xffff, v34;
	v59 =	vadd.f32 v61, v24  }
0x409: {  	v36 =	vor.u32 v13, v23;
	[tilespmem:v63+s20+$0x0] =	vst.idx.msk $0xffff, v56;
	v61 =	vld.idx.msk [tilespmem:v62+s14+$0x0], $0xffff;
	v62 =	vadd.f32 v41, v25  }
0x40a: {  	v45 =	vor.u32 v13, v17;
	v60 =	vor.u32 v14, v20;
	v46 =	vld.idx.msk [tilespmem:v52+s14+$0x0], $0xffff;
	[tilespmem:v53+s20+$0x0] =	vst.idx.msk $0xffff, v59  }
0x40b: {  	v27 =	vor.u32 v14, v27;
	v22 =	vor.u32 v14, v22;
	v48 =	vld.idx.msk [tilespmem:v54+s14+$0x0], $0xffff;
	[tilespmem:v55+s20+$0x0] =	vst.idx.msk $0xffff, v62  }
0x40c: {  	v49 =	vor.u32 v13, v28;
	v26 =	vor.u32 v14, v26;
	v63 =	vadd.f32 v42, v18;
	v50 =	vld.idx.msk [tilespmem:v57+s14+$0x0], $0xffff  }
0x40d: {  	v30 =	vor.u32 v14, v30;
	v52 =	vor.u32 v13, v32;
	v51 =	vadd.f32 v58, v21  }
0x40e: {  	[tilespmem:v36+s20+$0x0] =	vst.idx.msk $0xffff, v63;
	v53 =	vor.u32 v13, v33;
	v39 =	vadd.f32 v61, v19  }
0x40f: {  	v31 =	vor.u32 v14, v31;
	v20 =	vld.idx.msk [tilespmem:v60+s14+$0x0], $0xffff;
	[tilespmem:v45+s20+$0x0] =	vst.idx.msk $0xffff, v51;
	v54 =	vadd.f32 v46, v16  }
0x410: {  	v27 =	vld.idx.msk [tilespmem:v27+s14+$0x0], $0xffff;
	[tilespmem:v47+s20+$0x0] =	vst.idx.msk $0xffff, v39;
	v55 =	vadd.f32 v48, v24  }
0x411: {  	v56 =	vor.u32 v15, v23;
	[tilespmem:v49+s20+$0x0] =	vst.idx.msk $0xffff, v54;
	v22 =	vld.idx.msk [tilespmem:v22+s14+$0x0], $0xffff;
	v57 =	vadd.f32 v50, v25  }
0x412: {  	v17 =	vor.u32 v15, v17;
	v26 =	vld.idx.msk [tilespmem:v26+s14+$0x0], $0xffff;
	[tilespmem:v52+s20+$0x0] =	vst.idx.msk $0xffff, v55  }
0x413: {  	v29 =	vor.u32 v15, v29;
	v30 =	vld.idx.msk [tilespmem:v30+s14+$0x0], $0xffff;
	[tilespmem:v53+s20+$0x0] =	vst.idx.msk $0xffff, v57  }
0x414: {  	v59 =	vor.u32 v15, v28;
	v58 =	vadd.f32 v20, v18;
	v60 =	vld.idx.msk [tilespmem:v31+s14+$0x0], $0xffff  }
0x415: {  	v61 =	vor.u32 v15, v32;
	v21 =	vadd.f32 v27, v21  }
0x416: {  	v63 =	vor.u32 v15, v33;
	[tilespmem:v56+s20+$0x0] =	vst.idx.msk $0xffff, v58;
	v62 =	vadd.f32 v22, v19  }
0x417: {  	[tilespmem:v17+s20+$0x0] =	vst.idx.msk $0xffff, v21;
	v16 =	vadd.f32 v26, v16  }
.Ltmp4:
0x418: {  	s25 =	sshll.u32 s25, $0x12;
	[tilespmem:v29+s20+$0x0] =	vst.idx.msk $0xffff, v62;
	v17 =	vadd.f32 v30, v24;
	(pc) =	sbr.rel @p1 .LBB2_8-.Ltmp4, $4  }
0x419: {  	s25 =	sor.u32 s7, s25;
	[tilespmem:v59+s20+$0x0] =	vst.idx.msk $0xffff, v16;
	v16 =	vadd.f32 v60, v25  }
0x41a: {  	s25 =	sshrl.u32 s25, $0x3;
	[tilespmem:v61+s20+$0x0] =	vst.idx.msk $0xffff, v17  }
0x41b: {  	s25 =	sadd.s32 s3, s25;
	[tilespmem:v63+s20+$0x0] =	vst.idx.msk $0xffff, v16  }
0x41c: {  	[hbm4b:s25+s17] =	stream.strided.scatter [tilespmem:s20], [sflag:$0x4], $0x2000, s18, s17, $0x38;
	[tilespmem:$0x11600] =	vst v63  }
.Ltmp5:
0x41d: {  	(pc) =	sbr.rel .LBB2_2-.Ltmp5, $4  }
0x41e: {  	s25 =	sshll.u32 s24, $0x8  }
0x41f: {  	s25 =	sand.u32 $0x3FFFFF00, s25  }
0x420: {  	s24 =	sadd.s32 $0x1, s24;
	s25 =	sadd.s32 $0x180, s25  }
0x421: {  	[tilespmem:s14], [sflag:$0x2] =	stream.indirect.gather [hbm4b:s5+s11], $0x40, s25, s11, $0xb8;
	[tilespmem:$0x11600] =	vst v63  }
.LBB2_9:
0x422: {  	_ =	sfence.sel $0x180000  }
0x423: {  	[bflag:$0x0] =	sbarrier.arrive $0xFFFF  }
0x424: {  	p0 =	sne.s32 s1, $0x0;
	_ =	strace $0x90000047  }
0x425: {  	s0 =	sadd.s32 @!p0 $0x100000, s0;
	[bflag:$0x2] =	sbarrier.arrive $0xFFFF  }
0x426: {  	[sflag:s0] =	ssyncadd.tile.s32 @!p0 $0x1;
	_ =	shalt  }
.Lfunc_end2:
_tile_overlayer_lowered:
.L_overlay_start_2:
0x427: {  	(tag) =	ssettag $0x2  }
0x428: {  	s0 =	rddreg [dreg:$0x0];
	s2 =	stileid.u32  }
0x429: {  	s1 =	rddreg [dreg:$0x1];
	p0 =	sne.s32 s2, $0x0  }
0x42a: {  	s3 =	rddreg [dreg:$0x2];
	[bflag:$0x3] =	sbarrier.arrive $0xFFFF;
	s2 =	simm.s32 @!p0 $0x1C05  }
0x42b: {  	[timem:s3], [sflag:s2] =	dma.local @!p0 [hbm:s0], s1  }
0x42c: {  	s0 =	simm.s32 @!p0 $0x5  }
0x42d: {  	_ =	swait.ge @!p0 [sflag:s0], s1  }
0x42e: {  	s1 =	ssub.s32 @!p0 $0x0, s1;
	[sflag:s0] =	ssyncset.done @!p0 $0x0  }
0x42f: {  	[sflag:s0] =	ssyncadd.s32 @!p0 s1  }
0x430: {  	[bflag:$0x3] =	sbarrier.arrive $0xFFFF  }
0x431: {  	_ =	shalt  }

</sc_bundles>
